<compile_context>
chip_gen: v7x
topology: tpu7x:2x2x1
jax: 0.10.2.dev20260603
libtpu: 0.0.44.dev20260713+nightly
codegen_flags: <defaults>
</compile_context>

<pallas_src>
import functools

import jax
import jax.numpy as jnp
from jax.experimental import pallas as pl
from jax.experimental.pallas import tpu as pltpu
from jax.experimental.pallas import tpu_sc as plsc

EMBED_DIM = 768
HIDDEN_DIM = 768
NUM_EXPERTS = 8
TOP_K = 2
T_TOKENS = 2048

_NC, _NS, _L = 2, 16, 16
_NW = _NC * _NS
_CHUNK = T_TOKENS // _NW


def _logits_kernel(wg_ref, x_ref, lt_ref):
    lt_ref[...] = jax.lax.dot_general(
        wg_ref[...], x_ref[...], (((1,), (1,)), ((), ())),
        preferred_element_type=jnp.float32,
    )


def _sc_router(lt_hbm, wcomb_hbm, fp_hbm, pp_hbm, lg_v, wc_v, fp_v, pp_v):
    E = NUM_EXPERTS
    wid = jax.lax.axis_index("s") * _NC + jax.lax.axis_index("c")
    base = wid * _CHUNK
    for e in range(E):
        pltpu.sync_copy(lt_hbm.at[e, pl.ds(base, _CHUNK)],
                        lg_v.at[pl.ds(e * _CHUNK, _CHUNK)])

    f_acc = [jnp.zeros((_L,), jnp.float32) for _ in range(E)]
    p_acc = [jnp.zeros((_L,), jnp.float32) for _ in range(E)]

    for j in range(_CHUNK // _L):
        l = [lg_v[pl.ds(e * _CHUNK + j * _L, _L)] for e in range(E)]
        m = l[0]
        for e in range(1, E):
            m = jnp.maximum(m, l[e])
        ex = [jnp.exp(l[e] - m) for e in range(E)]
        s = ex[0]
        for e in range(1, E):
            s = s + ex[e]
        inv = jnp.float32(1.0) / s
        probs = [ex[e] * inv for e in range(E)]

        big = jnp.full((_L,), E, jnp.int32)
        m1 = probs[0]
        for e in range(1, E):
            m1 = jnp.maximum(m1, probs[e])
        i1 = big
        for e in range(E):
            ev = jnp.full((_L,), e, jnp.int32)
            i1 = jnp.minimum(i1, jnp.where(probs[e] == m1, ev, big))
        neg = jnp.full((_L,), -jnp.inf, jnp.float32)
        masked = []
        for e in range(E):
            ev = jnp.full((_L,), e, jnp.int32)
            masked.append(jnp.where(ev == i1, neg, probs[e]))
        m2 = masked[0]
        for e in range(1, E):
            m2 = jnp.maximum(m2, masked[e])
        i2 = big
        for e in range(E):
            ev = jnp.full((_L,), e, jnp.int32)
            i2 = jnp.minimum(i2, jnp.where(masked[e] == m2, ev, big))

        denom = m1 + m2
        g1 = m1 / denom
        g2 = m2 / denom
        zero = jnp.zeros((_L,), jnp.float32)
        one = jnp.full((_L,), 1.0, jnp.float32)
        for e in range(E):
            ev = jnp.full((_L,), e, jnp.int32)
            sel1 = ev == i1
            sel2 = ev == i2
            wc_v[pl.ds(e * _CHUNK + j * _L, _L)] = (
                jnp.where(sel1, g1, zero) + jnp.where(sel2, g2, zero))
            f_acc[e] = f_acc[e] + jnp.where(sel1, one, zero) + jnp.where(sel2, one, zero)
            p_acc[e] = p_acc[e] + probs[e]

    for e in range(E):
        fp_v[pl.ds(e * _L, _L)] = f_acc[e]
        pp_v[pl.ds(e * _L, _L)] = p_acc[e]
        pltpu.sync_copy(wc_v.at[pl.ds(e * _CHUNK, _CHUNK)],
                        wcomb_hbm.at[e, pl.ds(base, _CHUNK)])
    pltpu.sync_copy(fp_v, fp_hbm.at[wid])
    pltpu.sync_copy(pp_v, pp_hbm.at[wid])


def _ffn_kernel(x_ref, w1_ref, b1_ref, w2_ref, b2_ref, wcomb_ref, fp_ref, pp_ref,
                out_ref, aux_ref, xb16_ref):
    e = pl.program_id(0)

    @pl.when(e == 0)
    def _prep():
        xb16_ref[...] = x_ref[...].astype(jnp.bfloat16)
        fp = fp_ref[...]
        pp = pp_ref[...]
        aux = jnp.float32(0.0)
        for ee in range(NUM_EXPERTS):
            fe = jnp.sum(fp[:, ee * _L:(ee + 1) * _L])
            pe = jnp.sum(pp[:, ee * _L:(ee + 1) * _L])
            aux = aux + fe * pe
        aux = aux * jnp.float32(NUM_EXPERTS) / jnp.float32(T_TOKENS * T_TOKENS)
        aux_ref[...] = aux.reshape(1, 1)

    xb = xb16_ref[...]
    w1 = w1_ref[0].astype(jnp.bfloat16)
    h = jax.lax.dot_general(
        xb, w1, (((1,), (1,)), ((), ())), preferred_element_type=jnp.float32
    ) + b1_ref[0]
    h = h * jax.nn.sigmoid(h)
    w2 = w2_ref[0].astype(jnp.bfloat16)
    eo = jax.lax.dot_general(
        h.astype(jnp.bfloat16), w2, (((1,), (1,)), ((), ())),
        preferred_element_type=jnp.float32,
    ) + b2_ref[0]
    wcol = jnp.transpose(wcomb_ref[pl.ds(e, 1), :])

    @pl.when(e == 0)
    def _first():
        out_ref[...] = wcol * eo

    @pl.when(e > 0)
    def _acc():
        out_ref[...] += wcol * eo


def kernel(x, Wg, W1, b1, W2, b2):
    Bq, Sq, D = x.shape
    T = Bq * Sq
    E = NUM_EXPERTS
    H = HIDDEN_DIM
    xf = x.reshape(T, D)

    logits_t = pl.pallas_call(
        _logits_kernel,
        out_shape=jax.ShapeDtypeStruct((E, T), jnp.float32),
    )(Wg, xf)

    mesh = plsc.VectorSubcoreMesh(core_axis_name="c", subcore_axis_name="s")
    sc_router = pl.kernel(
        _sc_router,
        mesh=mesh,
        out_type=(
            jax.ShapeDtypeStruct((E, T), jnp.float32),
            jax.ShapeDtypeStruct((_NW, E * _L), jnp.float32),
            jax.ShapeDtypeStruct((_NW, E * _L), jnp.float32),
        ),
        scratch_types=[
            pltpu.VMEM((E * _CHUNK,), jnp.float32),
            pltpu.VMEM((E * _CHUNK,), jnp.float32),
            pltpu.VMEM((E * _L,), jnp.float32),
            pltpu.VMEM((E * _L,), jnp.float32),
        ],
    )
    wcomb_t, f_part, p_part = sc_router(logits_t)

    out, aux = pl.pallas_call(
        _ffn_kernel,
        grid=(E,),
        in_specs=[
            pl.BlockSpec((T, D), lambda e: (0, 0)),
            pl.BlockSpec((1, H, D), lambda e: (e, 0, 0)),
            pl.BlockSpec((1, 1, H), lambda e: (e, 0, 0)),
            pl.BlockSpec((1, D, H), lambda e: (e, 0, 0)),
            pl.BlockSpec((1, 1, D), lambda e: (e, 0, 0)),
            pl.BlockSpec((E, T), lambda e: (0, 0)),
            pl.BlockSpec((_NW, E * _L), lambda e: (0, 0)),
            pl.BlockSpec((_NW, E * _L), lambda e: (0, 0)),
        ],
        out_specs=(
            pl.BlockSpec((T, D), lambda e: (0, 0)),
            pl.BlockSpec((1, 1), lambda e: (0, 0)),
        ),
        out_shape=(
            jax.ShapeDtypeStruct((T, D), jnp.float32),
            jax.ShapeDtypeStruct((1, 1), jnp.float32),
        ),
        scratch_shapes=[
            pltpu.VMEM((T, D), jnp.bfloat16),
        ],
    )(xf, W1, b1.reshape(E, 1, H), W2, b2.reshape(E, 1, D), wcomb_t, f_part, p_part)

    return out.reshape(Bq, Sq, D), aux.reshape(())

# --- scband reference (transcript-rebuilt; emitter-appended) ---
"""Pipeline reference for scband-mo-elayer-58798102282706 (READ-ONLY COPY).

The authoritative reference and input builder live on the scoring server;
editing this copy changes nothing except your own understanding.
"""

import jax, jax.numpy as jnp
import numpy as np

EMBED_DIM = 768
HIDDEN_DIM = 768
NUM_EXPERTS = 8
TOP_K = 2
B, S = 1, 2048


def silu(v):
    return v * jax.nn.sigmoid(v)


def setup_inputs(seed: int = 0) -> dict:
    key = jax.random.key(seed)
    ks = jax.random.split(key, 6)
    x = jax.random.normal(ks[0], (B, S, EMBED_DIM), dtype=jnp.float32)
    Wg = jax.random.normal(ks[1], (NUM_EXPERTS, EMBED_DIM), dtype=jnp.float32) * 0.02
    W1 = jax.random.normal(ks[2], (NUM_EXPERTS, HIDDEN_DIM, EMBED_DIM), dtype=jnp.float32) * 0.02
    b1 = jnp.zeros((NUM_EXPERTS, HIDDEN_DIM), dtype=jnp.float32)
    W2 = jax.random.normal(ks[3], (NUM_EXPERTS, EMBED_DIM, HIDDEN_DIM), dtype=jnp.float32) * 0.02
    b2 = jnp.zeros((NUM_EXPERTS, EMBED_DIM), dtype=jnp.float32)
    return {"x": x, "Wg": Wg, "W1": W1, "b1": b1, "W2": W2, "b2": b2}


def reference(x, Wg, W1, b1, W2, b2):
    Bq, Sq, D = x.shape
    xf = x.reshape(-1, D)
    # Router
    logits = xf @ Wg.T
    probs = jax.nn.softmax(logits, axis=-1)
    top_k_probs, top_k_indices = jax.lax.top_k(probs, TOP_K)
    top_k_probs = top_k_probs / jnp.sum(top_k_probs, axis=-1, keepdims=True)
    expert_mask = jax.nn.one_hot(top_k_indices, NUM_EXPERTS, dtype=jnp.float32).sum(axis=1)
    f = expert_mask.mean(axis=0)
    p = probs.mean(axis=0)
    aux_loss = NUM_EXPERTS * jnp.sum(f * p)
    # Dispatch: per-expert gather -> FFN -> scatter-add (eager, faithful to torch loop)
    out = jnp.zeros_like(xf)
    for k in range(TOP_K):
        expert_indices = top_k_indices[:, k]
        gate_scores = top_k_probs[:, k]
        for e in range(NUM_EXPERTS):
            sel = (expert_indices == e).astype(xf.dtype)
            w = gate_scores * sel
            h = silu(xf @ W1[e].T + b1[e])
            eo = h @ W2[e].T + b2[e]
            out = out + w[:, None] * eo
    return out.reshape(Bq, Sq, D), aux_loss

if __name__ == "__main__":
    import jax
    _d = setup_inputs()
    print(jax.jit(kernel)(*tuple(_d.values())))

</pallas_src>

<mosaic_0001>
#map = affine_map<(d0, d1) -> (0, 0)>
module attributes {stable_mosaic.version = 14 : i64} {
  func.func @_sc_router(%arg0: i32, %arg1: i32, %arg2: memref<8x2048xf32, #tpu.memory_space<hbm>>, %arg3: memref<8x2048xf32, #tpu.memory_space<hbm>>, %arg4: memref<32x128xf32, #tpu.memory_space<hbm>>, %arg5: memref<32x128xf32, #tpu.memory_space<hbm>>, %arg6: memref<512xf32, #tpu.memory_space<vmem>>, %arg7: memref<512xf32, #tpu.memory_space<vmem>>, %arg8: memref<128xf32, #tpu.memory_space<vmem>>, %arg9: memref<128xf32, #tpu.memory_space<vmem>>) attributes {dimension_semantics = [#tpu.dimension_semantics<core_parallel>, #tpu.dimension_semantics<subcore_parallel>], iteration_bounds = array<i64: 2, 16>, scalar_prefetch = 0 : i64, scratch_operands = 4 : i64, tpu.core_type = #tpu.core_type<sc_vector_subcore>, window_params = [{transform_indices = #map}, {transform_indices = #map}, {transform_indices = #map}, {transform_indices = #map}]} {
    %mul3A = arith.constant 2 : i32
    %mul3A_0 = arith.muli %arg1, %mul3A : i32
    %add3A = arith.addi %mul3A_0, %arg0 : i32
    %mul3A_1 = arith.constant 64 : i32
    %mul3A_2 = arith.muli %add3A, %mul3A_1 : i32
    %run_scoped3A = arith.constant 0 : i32
    "tpu.region"() ({
      %run_scoped3A_1424 = tpu.sem_alloc : memref<!tpu.dma_semaphore, #tpu.memory_space<semaphore_mem>>
      %dma_start3A = arith.constant 0 : i32
      %dma_start3A_1425 = tpu.memref_slice %arg6[%dma_start3A] : memref<512xf32, #tpu.memory_space<vmem>> -> memref<64xf32, #tpu.memory_space<vmem>>
      %dma_start3A_1426 = tpu.memref_slice %arg2[%run_scoped3A, %mul3A_2] : memref<8x2048xf32, #tpu.memory_space<hbm>> -> memref<1x64xf32, #tpu.memory_space<hbm>>
      %dma_start3A_1427 = tpu.memref_squeeze %dma_start3A_1426 : memref<1x64xf32, #tpu.memory_space<hbm>> -> memref<64xf32, #tpu.memory_space<hbm>>
      %dma_start3A_1428 = arith.constant 0 : i32
      %dma_start3A_1429 = tpu.memref_slice %arg6[%dma_start3A_1428] : memref<512xf32, #tpu.memory_space<vmem>> -> memref<64xf32, #tpu.memory_space<vmem>>
      %dma_start3A_1430 = tpu.memref_slice %arg2[%run_scoped3A, %mul3A_2] : memref<8x2048xf32, #tpu.memory_space<hbm>> -> memref<1x64xf32, #tpu.memory_space<hbm>>
      %dma_start3A_1431 = tpu.memref_squeeze %dma_start3A_1430 : memref<1x64xf32, #tpu.memory_space<hbm>> -> memref<64xf32, #tpu.memory_space<hbm>>
      tpu.enqueue_dma source(%dma_start3A_1431 : memref<64xf32, #tpu.memory_space<hbm>>) target(%dma_start3A_1429 : memref<64xf32, #tpu.memory_space<vmem>>) target_semaphore(%run_scoped3A_1424 : memref<!tpu.dma_semaphore, #tpu.memory_space<semaphore_mem>>)
      %dma_wait3A = arith.constant 0 : i32
      %dma_wait3A_1432 = tpu.memref_slice %arg6[%dma_wait3A] : memref<512xf32, #tpu.memory_space<vmem>> -> memref<64xf32, #tpu.memory_space<vmem>>
      %dma_wait3A_1433 = tpu.memref_slice %arg2[%run_scoped3A, %mul3A_2] : memref<8x2048xf32, #tpu.memory_space<hbm>> -> memref<1x64xf32, #tpu.memory_space<hbm>>
      %dma_wait3A_1434 = tpu.memref_squeeze %dma_wait3A_1433 : memref<1x64xf32, #tpu.memory_space<hbm>> -> memref<64xf32, #tpu.memory_space<hbm>>
      %dma_wait3A_1435 = arith.constant 0 : i32
      %dma_wait3A_1436 = tpu.memref_slice %arg6[%dma_wait3A_1435] : memref<512xf32, #tpu.memory_space<vmem>> -> memref<64xf32, #tpu.memory_space<vmem>>
      %dma_wait3A_1437 = tpu.memref_slice %arg2[%run_scoped3A, %mul3A_2] : memref<8x2048xf32, #tpu.memory_space<hbm>> -> memref<1x64xf32, #tpu.memory_space<hbm>>
      %dma_wait3A_1438 = tpu.memref_squeeze %dma_wait3A_1437 : memref<1x64xf32, #tpu.memory_space<hbm>> -> memref<64xf32, #tpu.memory_space<hbm>>
      tpu.wait_dma2 semaphore(%run_scoped3A_1424 : memref<!tpu.dma_semaphore, #tpu.memory_space<semaphore_mem>>) src(%dma_wait3A_1438 : memref<64xf32, #tpu.memory_space<hbm>>) dst(%dma_wait3A_1436 : memref<64xf32, #tpu.memory_space<vmem>>)
      tpu.yield
    }) : () -> ()
    %run_scoped3A_3 = arith.constant 1 : i32
    "tpu.region"() ({
      %run_scoped3A_1424 = tpu.sem_alloc : memref<!tpu.dma_semaphore, #tpu.memory_space<semaphore_mem>>
      %dma_start3A = arith.constant 64 : i32
      %dma_start3A_1425 = tpu.memref_slice %arg6[%dma_start3A] : memref<512xf32, #tpu.memory_space<vmem>> -> memref<64xf32, #tpu.memory_space<vmem>>
      %dma_start3A_1426 = tpu.memref_slice %arg2[%run_scoped3A_3, %mul3A_2] : memref<8x2048xf32, #tpu.memory_space<hbm>> -> memref<1x64xf32, #tpu.memory_space<hbm>>
      %dma_start3A_1427 = tpu.memref_squeeze %dma_start3A_1426 : memref<1x64xf32, #tpu.memory_space<hbm>> -> memref<64xf32, #tpu.memory_space<hbm>>
      %dma_start3A_1428 = arith.constant 64 : i32
      %dma_start3A_1429 = tpu.memref_slice %arg6[%dma_start3A_1428] : memref<512xf32, #tpu.memory_space<vmem>> -> memref<64xf32, #tpu.memory_space<vmem>>
      %dma_start3A_1430 = tpu.memref_slice %arg2[%run_scoped3A_3, %mul3A_2] : memref<8x2048xf32, #tpu.memory_space<hbm>> -> memref<1x64xf32, #tpu.memory_space<hbm>>
      %dma_start3A_1431 = tpu.memref_squeeze %dma_start3A_1430 : memref<1x64xf32, #tpu.memory_space<hbm>> -> memref<64xf32, #tpu.memory_space<hbm>>
      tpu.enqueue_dma source(%dma_start3A_1431 : memref<64xf32, #tpu.memory_space<hbm>>) target(%dma_start3A_1429 : memref<64xf32, #tpu.memory_space<vmem>>) target_semaphore(%run_scoped3A_1424 : memref<!tpu.dma_semaphore, #tpu.memory_space<semaphore_mem>>)
      %dma_wait3A = arith.constant 64 : i32
      %dma_wait3A_1432 = tpu.memref_slice %arg6[%dma_wait3A] : memref<512xf32, #tpu.memory_space<vmem>> -> memref<64xf32, #tpu.memory_space<vmem>>
      %dma_wait3A_1433 = tpu.memref_slice %arg2[%run_scoped3A_3, %mul3A_2] : memref<8x2048xf32, #tpu.memory_space<hbm>> -> memref<1x64xf32, #tpu.memory_space<hbm>>
      %dma_wait3A_1434 = tpu.memref_squeeze %dma_wait3A_1433 : memref<1x64xf32, #tpu.memory_space<hbm>> -> memref<64xf32, #tpu.memory_space<hbm>>
      %dma_wait3A_1435 = arith.constant 64 : i32
      %dma_wait3A_1436 = tpu.memref_slice %arg6[%dma_wait3A_1435] : memref<512xf32, #tpu.memory_space<vmem>> -> memref<64xf32, #tpu.memory_space<vmem>>
      %dma_wait3A_1437 = tpu.memref_slice %arg2[%run_scoped3A_3, %mul3A_2] : memref<8x2048xf32, #tpu.memory_space<hbm>> -> memref<1x64xf32, #tpu.memory_space<hbm>>
      %dma_wait3A_1438 = tpu.memref_squeeze %dma_wait3A_1437 : memref<1x64xf32, #tpu.memory_space<hbm>> -> memref<64xf32, #tpu.memory_space<hbm>>
      tpu.wait_dma2 semaphore(%run_scoped3A_1424 : memref<!tpu.dma_semaphore, #tpu.memory_space<semaphore_mem>>) src(%dma_wait3A_1438 : memref<64xf32, #tpu.memory_space<hbm>>) dst(%dma_wait3A_1436 : memref<64xf32, #tpu.memory_space<vmem>>)
      tpu.yield
    }) : () -> ()
    %run_scoped3A_4 = arith.constant 2 : i32
    "tpu.region"() ({
      %run_scoped3A_1424 = tpu.sem_alloc : memref<!tpu.dma_semaphore, #tpu.memory_space<semaphore_mem>>
      %dma_start3A = arith.constant 128 : i32
      %dma_start3A_1425 = tpu.memref_slice %arg6[%dma_start3A] : memref<512xf32, #tpu.memory_space<vmem>> -> memref<64xf32, #tpu.memory_space<vmem>>
      %dma_start3A_1426 = tpu.memref_slice %arg2[%run_scoped3A_4, %mul3A_2] : memref<8x2048xf32, #tpu.memory_space<hbm>> -> memref<1x64xf32, #tpu.memory_space<hbm>>
      %dma_start3A_1427 = tpu.memref_squeeze %dma_start3A_1426 : memref<1x64xf32, #tpu.memory_space<hbm>> -> memref<64xf32, #tpu.memory_space<hbm>>
      %dma_start3A_1428 = arith.constant 128 : i32
      %dma_start3A_1429 = tpu.memref_slice %arg6[%dma_start3A_1428] : memref<512xf32, #tpu.memory_space<vmem>> -> memref<64xf32, #tpu.memory_space<vmem>>
      %dma_start3A_1430 = tpu.memref_slice %arg2[%run_scoped3A_4, %mul3A_2] : memref<8x2048xf32, #tpu.memory_space<hbm>> -> memref<1x64xf32, #tpu.memory_space<hbm>>
      %dma_start3A_1431 = tpu.memref_squeeze %dma_start3A_1430 : memref<1x64xf32, #tpu.memory_space<hbm>> -> memref<64xf32, #tpu.memory_space<hbm>>
      tpu.enqueue_dma source(%dma_start3A_1431 : memref<64xf32, #tpu.memory_space<hbm>>) target(%dma_start3A_1429 : memref<64xf32, #tpu.memory_space<vmem>>) target_semaphore(%run_scoped3A_1424 : memref<!tpu.dma_semaphore, #tpu.memory_space<semaphore_mem>>)
      %dma_wait3A = arith.constant 128 : i32
      %dma_wait3A_1432 = tpu.memref_slice %arg6[%dma_wait3A] : memref<512xf32, #tpu.memory_space<vmem>> -> memref<64xf32, #tpu.memory_space<vmem>>
      %dma_wait3A_1433 = tpu.memref_slice %arg2[%run_scoped3A_4, %mul3A_2] : memref<8x2048xf32, #tpu.memory_space<hbm>> -> memref<1x64xf32, #tpu.memory_space<hbm>>
      %dma_wait3A_1434 = tpu.memref_squeeze %dma_wait3A_1433 : memref<1x64xf32, #tpu.memory_space<hbm>> -> memref<64xf32, #tpu.memory_space<hbm>>
      %dma_wait3A_1435 = arith.constant 128 : i32
      %dma_wait3A_1436 = tpu.memref_slice %arg6[%dma_wait3A_1435] : memref<512xf32, #tpu.memory_space<vmem>> -> memref<64xf32, #tpu.memory_space<vmem>>
      %dma_wait3A_1437 = tpu.memref_slice %arg2[%run_scoped3A_4, %mul3A_2] : memref<8x2048xf32, #tpu.memory_space<hbm>> -> memref<1x64xf32, #tpu.memory_space<hbm>>
      %dma_wait3A_1438 = tpu.memref_squeeze %dma_wait3A_1437 : memref<1x64xf32, #tpu.memory_space<hbm>> -> memref<64xf32, #tpu.memory_space<hbm>>
      tpu.wait_dma2 semaphore(%run_scoped3A_1424 : memref<!tpu.dma_semaphore, #tpu.memory_space<semaphore_mem>>) src(%dma_wait3A_1438 : memref<64xf32, #tpu.memory_space<hbm>>) dst(%dma_wait3A_1436 : memref<64xf32, #tpu.memory_space<vmem>>)
      tpu.yield
    }) : () -> ()
    %run_scoped3A_5 = arith.constant 3 : i32
    "tpu.region"() ({
      %run_scoped3A_1424 = tpu.sem_alloc : memref<!tpu.dma_semaphore, #tpu.memory_space<semaphore_mem>>
      %dma_start3A = arith.constant 192 : i32
      %dma_start3A_1425 = tpu.memref_slice %arg6[%dma_start3A] : memref<512xf32, #tpu.memory_space<vmem>> -> memref<64xf32, #tpu.memory_space<vmem>>
      %dma_start3A_1426 = tpu.memref_slice %arg2[%run_scoped3A_5, %mul3A_2] : memref<8x2048xf32, #tpu.memory_space<hbm>> -> memref<1x64xf32, #tpu.memory_space<hbm>>
      %dma_start3A_1427 = tpu.memref_squeeze %dma_start3A_1426 : memref<1x64xf32, #tpu.memory_space<hbm>> -> memref<64xf32, #tpu.memory_space<hbm>>
      %dma_start3A_1428 = arith.constant 192 : i32
      %dma_start3A_1429 = tpu.memref_slice %arg6[%dma_start3A_1428] : memref<512xf32, #tpu.memory_space<vmem>> -> memref<64xf32, #tpu.memory_space<vmem>>
      %dma_start3A_1430 = tpu.memref_slice %arg2[%run_scoped3A_5, %mul3A_2] : memref<8x2048xf32, #tpu.memory_space<hbm>> -> memref<1x64xf32, #tpu.memory_space<hbm>>
      %dma_start3A_1431 = tpu.memref_squeeze %dma_start3A_1430 : memref<1x64xf32, #tpu.memory_space<hbm>> -> memref<64xf32, #tpu.memory_space<hbm>>
      tpu.enqueue_dma source(%dma_start3A_1431 : memref<64xf32, #tpu.memory_space<hbm>>) target(%dma_start3A_1429 : memref<64xf32, #tpu.memory_space<vmem>>) target_semaphore(%run_scoped3A_1424 : memref<!tpu.dma_semaphore, #tpu.memory_space<semaphore_mem>>)
      %dma_wait3A = arith.constant 192 : i32
      %dma_wait3A_1432 = tpu.memref_slice %arg6[%dma_wait3A] : memref<512xf32, #tpu.memory_space<vmem>> -> memref<64xf32, #tpu.memory_space<vmem>>
      %dma_wait3A_1433 = tpu.memref_slice %arg2[%run_scoped3A_5, %mul3A_2] : memref<8x2048xf32, #tpu.memory_space<hbm>> -> memref<1x64xf32, #tpu.memory_space<hbm>>
      %dma_wait3A_1434 = tpu.memref_squeeze %dma_wait3A_1433 : memref<1x64xf32, #tpu.memory_space<hbm>> -> memref<64xf32, #tpu.memory_space<hbm>>
      %dma_wait3A_1435 = arith.constant 192 : i32
      %dma_wait3A_1436 = tpu.memref_slice %arg6[%dma_wait3A_1435] : memref<512xf32, #tpu.memory_space<vmem>> -> memref<64xf32, #tpu.memory_space<vmem>>
      %dma_wait3A_1437 = tpu.memref_slice %arg2[%run_scoped3A_5, %mul3A_2] : memref<8x2048xf32, #tpu.memory_space<hbm>> -> memref<1x64xf32, #tpu.memory_space<hbm>>
      %dma_wait3A_1438 = tpu.memref_squeeze %dma_wait3A_1437 : memref<1x64xf32, #tpu.memory_space<hbm>> -> memref<64xf32, #tpu.memory_space<hbm>>
      tpu.wait_dma2 semaphore(%run_scoped3A_1424 : memref<!tpu.dma_semaphore, #tpu.memory_space<semaphore_mem>>) src(%dma_wait3A_1438 : memref<64xf32, #tpu.memory_space<hbm>>) dst(%dma_wait3A_1436 : memref<64xf32, #tpu.memory_space<vmem>>)
      tpu.yield
    }) : () -> ()
    %run_scoped3A_6 = arith.constant 4 : i32
    "tpu.region"() ({
      %run_scoped3A_1424 = tpu.sem_alloc : memref<!tpu.dma_semaphore, #tpu.memory_space<semaphore_mem>>
      %dma_start3A = arith.constant 256 : i32
      %dma_start3A_1425 = tpu.memref_slice %arg6[%dma_start3A] : memref<512xf32, #tpu.memory_space<vmem>> -> memref<64xf32, #tpu.memory_space<vmem>>
      %dma_start3A_1426 = tpu.memref_slice %arg2[%run_scoped3A_6, %mul3A_2] : memref<8x2048xf32, #tpu.memory_space<hbm>> -> memref<1x64xf32, #tpu.memory_space<hbm>>
      %dma_start3A_1427 = tpu.memref_squeeze %dma_start3A_1426 : memref<1x64xf32, #tpu.memory_space<hbm>> -> memref<64xf32, #tpu.memory_space<hbm>>
      %dma_start3A_1428 = arith.constant 256 : i32
      %dma_start3A_1429 = tpu.memref_slice %arg6[%dma_start3A_1428] : memref<512xf32, #tpu.memory_space<vmem>> -> memref<64xf32, #tpu.memory_space<vmem>>
      %dma_start3A_1430 = tpu.memref_slice %arg2[%run_scoped3A_6, %mul3A_2] : memref<8x2048xf32, #tpu.memory_space<hbm>> -> memref<1x64xf32, #tpu.memory_space<hbm>>
      %dma_start3A_1431 = tpu.memref_squeeze %dma_start3A_1430 : memref<1x64xf32, #tpu.memory_space<hbm>> -> memref<64xf32, #tpu.memory_space<hbm>>
      tpu.enqueue_dma source(%dma_start3A_1431 : memref<64xf32, #tpu.memory_space<hbm>>) target(%dma_start3A_1429 : memref<64xf32, #tpu.memory_space<vmem>>) target_semaphore(%run_scoped3A_1424 : memref<!tpu.dma_semaphore, #tpu.memory_space<semaphore_mem>>)
      %dma_wait3A = arith.constant 256 : i32
      %dma_wait3A_1432 = tpu.memref_slice %arg6[%dma_wait3A] : memref<512xf32, #tpu.memory_space<vmem>> -> memref<64xf32, #tpu.memory_space<vmem>>
      %dma_wait3A_1433 = tpu.memref_slice %arg2[%run_scoped3A_6, %mul3A_2] : memref<8x2048xf32, #tpu.memory_space<hbm>> -> memref<1x64xf32, #tpu.memory_space<hbm>>
      %dma_wait3A_1434 = tpu.memref_squeeze %dma_wait3A_1433 : memref<1x64xf32, #tpu.memory_space<hbm>> -> memref<64xf32, #tpu.memory_space<hbm>>
      %dma_wait3A_1435 = arith.constant 256 : i32
      %dma_wait3A_1436 = tpu.memref_slice %arg6[%dma_wait3A_1435] : memref<512xf32, #tpu.memory_space<vmem>> -> memref<64xf32, #tpu.memory_space<vmem>>
      %dma_wait3A_1437 = tpu.memref_slice %arg2[%run_scoped3A_6, %mul3A_2] : memref<8x2048xf32, #tpu.memory_space<hbm>> -> memref<1x64xf32, #tpu.memory_space<hbm>>
      %dma_wait3A_1438 = tpu.memref_squeeze %dma_wait3A_1437 : memref<1x64xf32, #tpu.memory_space<hbm>> -> memref<64xf32, #tpu.memory_space<hbm>>
      tpu.wait_dma2 semaphore(%run_scoped3A_1424 : memref<!tpu.dma_semaphore, #tpu.memory_space<semaphore_mem>>) src(%dma_wait3A_1438 : memref<64xf32, #tpu.memory_space<hbm>>) dst(%dma_wait3A_1436 : memref<64xf32, #tpu.memory_space<vmem>>)
      tpu.yield
    }) : () -> ()
    %run_scoped3A_7 = arith.constant 5 : i32
    "tpu.region"() ({
      %run_scoped3A_1424 = tpu.sem_alloc : memref<!tpu.dma_semaphore, #tpu.memory_space<semaphore_mem>>
      %dma_start3A = arith.constant 320 : i32
      %dma_start3A_1425 = tpu.memref_slice %arg6[%dma_start3A] : memref<512xf32, #tpu.memory_space<vmem>> -> memref<64xf32, #tpu.memory_space<vmem>>
      %dma_start3A_1426 = tpu.memref_slice %arg2[%run_scoped3A_7, %mul3A_2] : memref<8x2048xf32, #tpu.memory_space<hbm>> -> memref<1x64xf32, #tpu.memory_space<hbm>>
      %dma_start3A_1427 = tpu.memref_squeeze %dma_start3A_1426 : memref<1x64xf32, #tpu.memory_space<hbm>> -> memref<64xf32, #tpu.memory_space<hbm>>
      %dma_start3A_1428 = arith.constant 320 : i32
      %dma_start3A_1429 = tpu.memref_slice %arg6[%dma_start3A_1428] : memref<512xf32, #tpu.memory_space<vmem>> -> memref<64xf32, #tpu.memory_space<vmem>>
      %dma_start3A_1430 = tpu.memref_slice %arg2[%run_scoped3A_7, %mul3A_2] : memref<8x2048xf32, #tpu.memory_space<hbm>> -> memref<1x64xf32, #tpu.memory_space<hbm>>
      %dma_start3A_1431 = tpu.memref_squeeze %dma_start3A_1430 : memref<1x64xf32, #tpu.memory_space<hbm>> -> memref<64xf32, #tpu.memory_space<hbm>>
      tpu.enqueue_dma source(%dma_start3A_1431 : memref<64xf32, #tpu.memory_space<hbm>>) target(%dma_start3A_1429 : memref<64xf32, #tpu.memory_space<vmem>>) target_semaphore(%run_scoped3A_1424 : memref<!tpu.dma_semaphore, #tpu.memory_space<semaphore_mem>>)
      %dma_wait3A = arith.constant 320 : i32
      %dma_wait3A_1432 = tpu.memref_slice %arg6[%dma_wait3A] : memref<512xf32, #tpu.memory_space<vmem>> -> memref<64xf32, #tpu.memory_space<vmem>>
      %dma_wait3A_1433 = tpu.memref_slice %arg2[%run_scoped3A_7, %mul3A_2] : memref<8x2048xf32, #tpu.memory_space<hbm>> -> memref<1x64xf32, #tpu.memory_space<hbm>>
      %dma_wait3A_1434 = tpu.memref_squeeze %dma_wait3A_1433 : memref<1x64xf32, #tpu.memory_space<hbm>> -> memref<64xf32, #tpu.memory_space<hbm>>
      %dma_wait3A_1435 = arith.constant 320 : i32
      %dma_wait3A_1436 = tpu.memref_slice %arg6[%dma_wait3A_1435] : memref<512xf32, #tpu.memory_space<vmem>> -> memref<64xf32, #tpu.memory_space<vmem>>
      %dma_wait3A_1437 = tpu.memref_slice %arg2[%run_scoped3A_7, %mul3A_2] : memref<8x2048xf32, #tpu.memory_space<hbm>> -> memref<1x64xf32, #tpu.memory_space<hbm>>
      %dma_wait3A_1438 = tpu.memref_squeeze %dma_wait3A_1437 : memref<1x64xf32, #tpu.memory_space<hbm>> -> memref<64xf32, #tpu.memory_space<hbm>>
      tpu.wait_dma2 semaphore(%run_scoped3A_1424 : memref<!tpu.dma_semaphore, #tpu.memory_space<semaphore_mem>>) src(%dma_wait3A_1438 : memref<64xf32, #tpu.memory_space<hbm>>) dst(%dma_wait3A_1436 : memref<64xf32, #tpu.memory_space<vmem>>)
      tpu.yield
    }) : () -> ()
    %run_scoped3A_8 = arith.constant 6 : i32
    "tpu.region"() ({
      %run_scoped3A_1424 = tpu.sem_alloc : memref<!tpu.dma_semaphore, #tpu.memory_space<semaphore_mem>>
      %dma_start3A = arith.constant 384 : i32
      %dma_start3A_1425 = tpu.memref_slice %arg6[%dma_start3A] : memref<512xf32, #tpu.memory_space<vmem>> -> memref<64xf32, #tpu.memory_space<vmem>>
      %dma_start3A_1426 = tpu.memref_slice %arg2[%run_scoped3A_8, %mul3A_2] : memref<8x2048xf32, #tpu.memory_space<hbm>> -> memref<1x64xf32, #tpu.memory_space<hbm>>
      %dma_start3A_1427 = tpu.memref_squeeze %dma_start3A_1426 : memref<1x64xf32, #tpu.memory_space<hbm>> -> memref<64xf32, #tpu.memory_space<hbm>>
      %dma_start3A_1428 = arith.constant 384 : i32
      %dma_start3A_1429 = tpu.memref_slice %arg6[%dma_start3A_1428] : memref<512xf32, #tpu.memory_space<vmem>> -> memref<64xf32, #tpu.memory_space<vmem>>
      %dma_start3A_1430 = tpu.memref_slice %arg2[%run_scoped3A_8, %mul3A_2] : memref<8x2048xf32, #tpu.memory_space<hbm>> -> memref<1x64xf32, #tpu.memory_space<hbm>>
      %dma_start3A_1431 = tpu.memref_squeeze %dma_start3A_1430 : memref<1x64xf32, #tpu.memory_space<hbm>> -> memref<64xf32, #tpu.memory_space<hbm>>
      tpu.enqueue_dma source(%dma_start3A_1431 : memref<64xf32, #tpu.memory_space<hbm>>) target(%dma_start3A_1429 : memref<64xf32, #tpu.memory_space<vmem>>) target_semaphore(%run_scoped3A_1424 : memref<!tpu.dma_semaphore, #tpu.memory_space<semaphore_mem>>)
      %dma_wait3A = arith.constant 384 : i32
      %dma_wait3A_1432 = tpu.memref_slice %arg6[%dma_wait3A] : memref<512xf32, #tpu.memory_space<vmem>> -> memref<64xf32, #tpu.memory_space<vmem>>
      %dma_wait3A_1433 = tpu.memref_slice %arg2[%run_scoped3A_8, %mul3A_2] : memref<8x2048xf32, #tpu.memory_space<hbm>> -> memref<1x64xf32, #tpu.memory_space<hbm>>
      %dma_wait3A_1434 = tpu.memref_squeeze %dma_wait3A_1433 : memref<1x64xf32, #tpu.memory_space<hbm>> -> memref<64xf32, #tpu.memory_space<hbm>>
      %dma_wait3A_1435 = arith.constant 384 : i32
      %dma_wait3A_1436 = tpu.memref_slice %arg6[%dma_wait3A_1435] : memref<512xf32, #tpu.memory_space<vmem>> -> memref<64xf32, #tpu.memory_space<vmem>>
      %dma_wait3A_1437 = tpu.memref_slice %arg2[%run_scoped3A_8, %mul3A_2] : memref<8x2048xf32, #tpu.memory_space<hbm>> -> memref<1x64xf32, #tpu.memory_space<hbm>>
      %dma_wait3A_1438 = tpu.memref_squeeze %dma_wait3A_1437 : memref<1x64xf32, #tpu.memory_space<hbm>> -> memref<64xf32, #tpu.memory_space<hbm>>
      tpu.wait_dma2 semaphore(%run_scoped3A_1424 : memref<!tpu.dma_semaphore, #tpu.memory_space<semaphore_mem>>) src(%dma_wait3A_1438 : memref<64xf32, #tpu.memory_space<hbm>>) dst(%dma_wait3A_1436 : memref<64xf32, #tpu.memory_space<vmem>>)
      tpu.yield
    }) : () -> ()
    %run_scoped3A_9 = arith.constant 7 : i32
    "tpu.region"() ({
      %run_scoped3A_1424 = tpu.sem_alloc : memref<!tpu.dma_semaphore, #tpu.memory_space<semaphore_mem>>
      %dma_start3A = arith.constant 448 : i32
      %dma_start3A_1425 = tpu.memref_slice %arg6[%dma_start3A] : memref<512xf32, #tpu.memory_space<vmem>> -> memref<64xf32, #tpu.memory_space<vmem>>
      %dma_start3A_1426 = tpu.memref_slice %arg2[%run_scoped3A_9, %mul3A_2] : memref<8x2048xf32, #tpu.memory_space<hbm>> -> memref<1x64xf32, #tpu.memory_space<hbm>>
      %dma_start3A_1427 = tpu.memref_squeeze %dma_start3A_1426 : memref<1x64xf32, #tpu.memory_space<hbm>> -> memref<64xf32, #tpu.memory_space<hbm>>
      %dma_start3A_1428 = arith.constant 448 : i32
      %dma_start3A_1429 = tpu.memref_slice %arg6[%dma_start3A_1428] : memref<512xf32, #tpu.memory_space<vmem>> -> memref<64xf32, #tpu.memory_space<vmem>>
      %dma_start3A_1430 = tpu.memref_slice %arg2[%run_scoped3A_9, %mul3A_2] : memref<8x2048xf32, #tpu.memory_space<hbm>> -> memref<1x64xf32, #tpu.memory_space<hbm>>
      %dma_start3A_1431 = tpu.memref_squeeze %dma_start3A_1430 : memref<1x64xf32, #tpu.memory_space<hbm>> -> memref<64xf32, #tpu.memory_space<hbm>>
      tpu.enqueue_dma source(%dma_start3A_1431 : memref<64xf32, #tpu.memory_space<hbm>>) target(%dma_start3A_1429 : memref<64xf32, #tpu.memory_space<vmem>>) target_semaphore(%run_scoped3A_1424 : memref<!tpu.dma_semaphore, #tpu.memory_space<semaphore_mem>>)
      %dma_wait3A = arith.constant 448 : i32
      %dma_wait3A_1432 = tpu.memref_slice %arg6[%dma_wait3A] : memref<512xf32, #tpu.memory_space<vmem>> -> memref<64xf32, #tpu.memory_space<vmem>>
      %dma_wait3A_1433 = tpu.memref_slice %arg2[%run_scoped3A_9, %mul3A_2] : memref<8x2048xf32, #tpu.memory_space<hbm>> -> memref<1x64xf32, #tpu.memory_space<hbm>>
      %dma_wait3A_1434 = tpu.memref_squeeze %dma_wait3A_1433 : memref<1x64xf32, #tpu.memory_space<hbm>> -> memref<64xf32, #tpu.memory_space<hbm>>
      %dma_wait3A_1435 = arith.constant 448 : i32
      %dma_wait3A_1436 = tpu.memref_slice %arg6[%dma_wait3A_1435] : memref<512xf32, #tpu.memory_space<vmem>> -> memref<64xf32, #tpu.memory_space<vmem>>
      %dma_wait3A_1437 = tpu.memref_slice %arg2[%run_scoped3A_9, %mul3A_2] : memref<8x2048xf32, #tpu.memory_space<hbm>> -> memref<1x64xf32, #tpu.memory_space<hbm>>
      %dma_wait3A_1438 = tpu.memref_squeeze %dma_wait3A_1437 : memref<1x64xf32, #tpu.memory_space<hbm>> -> memref<64xf32, #tpu.memory_space<hbm>>
      tpu.wait_dma2 semaphore(%run_scoped3A_1424 : memref<!tpu.dma_semaphore, #tpu.memory_space<semaphore_mem>>) src(%dma_wait3A_1438 : memref<64xf32, #tpu.memory_space<hbm>>) dst(%dma_wait3A_1436 : memref<64xf32, #tpu.memory_space<vmem>>)
      tpu.yield
    }) : () -> ()
    %broadcast_in_dim3A = arith.constant 0.000000e+00 : f32
    %broadcast_in_dim3A_10 = vector.broadcast %broadcast_in_dim3A : f32 to vector<16xf32>
    %broadcast_in_dim3A_11 = arith.constant 0.000000e+00 : f32
    %broadcast_in_dim3A_12 = vector.broadcast %broadcast_in_dim3A_11 : f32 to vector<16xf32>
    %broadcast_in_dim3A_13 = arith.constant 0.000000e+00 : f32
    %broadcast_in_dim3A_14 = vector.broadcast %broadcast_in_dim3A_13 : f32 to vector<16xf32>
    %broadcast_in_dim3A_15 = arith.constant 0.000000e+00 : f32
    %broadcast_in_dim3A_16 = vector.broadcast %broadcast_in_dim3A_15 : f32 to vector<16xf32>
    %broadcast_in_dim3A_17 = arith.constant 0.000000e+00 : f32
    %broadcast_in_dim3A_18 = vector.broadcast %broadcast_in_dim3A_17 : f32 to vector<16xf32>
    %broadcast_in_dim3A_19 = arith.constant 0.000000e+00 : f32
    %broadcast_in_dim3A_20 = vector.broadcast %broadcast_in_dim3A_19 : f32 to vector<16xf32>
    %broadcast_in_dim3A_21 = arith.constant 0.000000e+00 : f32
    %broadcast_in_dim3A_22 = vector.broadcast %broadcast_in_dim3A_21 : f32 to vector<16xf32>
    %broadcast_in_dim3A_23 = arith.constant 0.000000e+00 : f32
    %broadcast_in_dim3A_24 = vector.broadcast %broadcast_in_dim3A_23 : f32 to vector<16xf32>
    %broadcast_in_dim3A_25 = arith.constant 0.000000e+00 : f32
    %broadcast_in_dim3A_26 = vector.broadcast %broadcast_in_dim3A_25 : f32 to vector<16xf32>
    %broadcast_in_dim3A_27 = arith.constant 0.000000e+00 : f32
    %broadcast_in_dim3A_28 = vector.broadcast %broadcast_in_dim3A_27 : f32 to vector<16xf32>
    %broadcast_in_dim3A_29 = arith.constant 0.000000e+00 : f32
    %broadcast_in_dim3A_30 = vector.broadcast %broadcast_in_dim3A_29 : f32 to vector<16xf32>
    %broadcast_in_dim3A_31 = arith.constant 0.000000e+00 : f32
    %broadcast_in_dim3A_32 = vector.broadcast %broadcast_in_dim3A_31 : f32 to vector<16xf32>
    %broadcast_in_dim3A_33 = arith.constant 0.000000e+00 : f32
    %broadcast_in_dim3A_34 = vector.broadcast %broadcast_in_dim3A_33 : f32 to vector<16xf32>
    %broadcast_in_dim3A_35 = arith.constant 0.000000e+00 : f32
    %broadcast_in_dim3A_36 = vector.broadcast %broadcast_in_dim3A_35 : f32 to vector<16xf32>
    %broadcast_in_dim3A_37 = arith.constant 0.000000e+00 : f32
    %broadcast_in_dim3A_38 = vector.broadcast %broadcast_in_dim3A_37 : f32 to vector<16xf32>
    %broadcast_in_dim3A_39 = arith.constant 0.000000e+00 : f32
    %broadcast_in_dim3A_40 = vector.broadcast %broadcast_in_dim3A_39 : f32 to vector<16xf32>
    %get3A = arith.constant 0 : index
    %get3A_41 = tpu.vector_load %arg6[%get3A] {strides = array<i32>} : memref<512xf32, #tpu.memory_space<vmem>>, vector<16xf32>,
    %get3A_42 = vector.shape_cast %get3A_41 : vector<16xf32> to vector<16xf32>
    %get3A_43 = arith.constant 64 : index
    %get3A_44 = tpu.vector_load %arg6[%get3A_43] {strides = array<i32>} : memref<512xf32, #tpu.memory_space<vmem>>, vector<16xf32>,
    %get3A_45 = vector.shape_cast %get3A_44 : vector<16xf32> to vector<16xf32>
    %get3A_46 = arith.constant 128 : index
    %get3A_47 = tpu.vector_load %arg6[%get3A_46] {strides = array<i32>} : memref<512xf32, #tpu.memory_space<vmem>>, vector<16xf32>,
    %get3A_48 = vector.shape_cast %get3A_47 : vector<16xf32> to vector<16xf32>
    %get3A_49 = arith.constant 192 : index
    %get3A_50 = tpu.vector_load %arg6[%get3A_49] {strides = array<i32>} : memref<512xf32, #tpu.memory_space<vmem>>, vector<16xf32>,
    %get3A_51 = vector.shape_cast %get3A_50 : vector<16xf32> to vector<16xf32>
    %get3A_52 = arith.constant 256 : index
    %get3A_53 = tpu.vector_load %arg6[%get3A_52] {strides = array<i32>} : memref<512xf32, #tpu.memory_space<vmem>>, vector<16xf32>,
    %get3A_54 = vector.shape_cast %get3A_53 : vector<16xf32> to vector<16xf32>
    %get3A_55 = arith.constant 320 : index
    %get3A_56 = tpu.vector_load %arg6[%get3A_55] {strides = array<i32>} : memref<512xf32, #tpu.memory_space<vmem>>, vector<16xf32>,
    %get3A_57 = vector.shape_cast %get3A_56 : vector<16xf32> to vector<16xf32>
    %get3A_58 = arith.constant 384 : index
    %get3A_59 = tpu.vector_load %arg6[%get3A_58] {strides = array<i32>} : memref<512xf32, #tpu.memory_space<vmem>>, vector<16xf32>,
    %get3A_60 = vector.shape_cast %get3A_59 : vector<16xf32> to vector<16xf32>
    %get3A_61 = arith.constant 448 : index
    %get3A_62 = tpu.vector_load %arg6[%get3A_61] {strides = array<i32>} : memref<512xf32, #tpu.memory_space<vmem>>, vector<16xf32>,
    %get3A_63 = vector.shape_cast %get3A_62 : vector<16xf32> to vector<16xf32>
    %max3A = arith.maximumf %get3A_42, %get3A_45 : vector<16xf32>
    %max3A_64 = arith.maximumf %max3A, %get3A_48 : vector<16xf32>
    %max3A_65 = arith.maximumf %max3A_64, %get3A_51 : vector<16xf32>
    %max3A_66 = arith.maximumf %max3A_65, %get3A_54 : vector<16xf32>
    %max3A_67 = arith.maximumf %max3A_66, %get3A_57 : vector<16xf32>
    %max3A_68 = arith.maximumf %max3A_67, %get3A_60 : vector<16xf32>
    %max3A_69 = arith.maximumf %max3A_68, %get3A_63 : vector<16xf32>
    %sub3A = arith.subf %get3A_42, %max3A_69 : vector<16xf32>
    %exp3A = math.exp %sub3A : vector<16xf32>
    %sub3A_70 = arith.subf %get3A_45, %max3A_69 : vector<16xf32>
    %exp3A_71 = math.exp %sub3A_70 : vector<16xf32>
    %sub3A_72 = arith.subf %get3A_48, %max3A_69 : vector<16xf32>
    %exp3A_73 = math.exp %sub3A_72 : vector<16xf32>
    %sub3A_74 = arith.subf %get3A_51, %max3A_69 : vector<16xf32>
    %exp3A_75 = math.exp %sub3A_74 : vector<16xf32>
    %sub3A_76 = arith.subf %get3A_54, %max3A_69 : vector<16xf32>
    %exp3A_77 = math.exp %sub3A_76 : vector<16xf32>
    %sub3A_78 = arith.subf %get3A_57, %max3A_69 : vector<16xf32>
    %exp3A_79 = math.exp %sub3A_78 : vector<16xf32>
    %sub3A_80 = arith.subf %get3A_60, %max3A_69 : vector<16xf32>
    %exp3A_81 = math.exp %sub3A_80 : vector<16xf32>
    %sub3A_82 = arith.subf %get3A_63, %max3A_69 : vector<16xf32>
    %exp3A_83 = math.exp %sub3A_82 : vector<16xf32>
    %add3A_84 = arith.addf %exp3A, %exp3A_71 : vector<16xf32>
    %add3A_85 = arith.addf %add3A_84, %exp3A_73 : vector<16xf32>
    %add3A_86 = arith.addf %add3A_85, %exp3A_75 : vector<16xf32>
    %add3A_87 = arith.addf %add3A_86, %exp3A_77 : vector<16xf32>
    %add3A_88 = arith.addf %add3A_87, %exp3A_79 : vector<16xf32>
    %add3A_89 = arith.addf %add3A_88, %exp3A_81 : vector<16xf32>
    %add3A_90 = arith.addf %add3A_89, %exp3A_83 : vector<16xf32>
    %div3A = arith.constant 1.000000e+00 : f32
    %div3A_91 = vector.broadcast %div3A : f32 to vector<16xf32>
    %div3A_92 = arith.divf %div3A_91, %add3A_90 : vector<16xf32>
    %mul3A_93 = arith.mulf %exp3A, %div3A_92 : vector<16xf32>
    %mul3A_94 = arith.mulf %exp3A_71, %div3A_92 : vector<16xf32>
    %mul3A_95 = arith.mulf %exp3A_73, %div3A_92 : vector<16xf32>
    %mul3A_96 = arith.mulf %exp3A_75, %div3A_92 : vector<16xf32>
    %mul3A_97 = arith.mulf %exp3A_77, %div3A_92 : vector<16xf32>
    %mul3A_98 = arith.mulf %exp3A_79, %div3A_92 : vector<16xf32>
    %mul3A_99 = arith.mulf %exp3A_81, %div3A_92 : vector<16xf32>
    %mul3A_100 = arith.mulf %exp3A_83, %div3A_92 : vector<16xf32>
    %broadcast_in_dim3A_101 = arith.constant 8 : i32
    %broadcast_in_dim3A_102 = vector.broadcast %broadcast_in_dim3A_101 : i32 to vector<16xi32>
    %max3A_103 = arith.maximumf %mul3A_93, %mul3A_94 : vector<16xf32>
    %max3A_104 = arith.maximumf %max3A_103, %mul3A_95 : vector<16xf32>
    %max3A_105 = arith.maximumf %max3A_104, %mul3A_96 : vector<16xf32>
    %max3A_106 = arith.maximumf %max3A_105, %mul3A_97 : vector<16xf32>
    %max3A_107 = arith.maximumf %max3A_106, %mul3A_98 : vector<16xf32>
    %max3A_108 = arith.maximumf %max3A_107, %mul3A_99 : vector<16xf32>
    %max3A_109 = arith.maximumf %max3A_108, %mul3A_100 : vector<16xf32>
    %broadcast_in_dim3A_110 = arith.constant 0 : i32
    %broadcast_in_dim3A_111 = vector.broadcast %broadcast_in_dim3A_110 : i32 to vector<16xi32>
    %eq3A = arith.cmpf oeq, %mul3A_93, %max3A_109 : vector<16xf32>
    %select_n3A = arith.select %eq3A, %broadcast_in_dim3A_111, %broadcast_in_dim3A_102 : vector<16xi1>, vector<16xi32>
    %min3A = arith.minsi %broadcast_in_dim3A_102, %select_n3A : vector<16xi32>
    %broadcast_in_dim3A_112 = arith.constant 1 : i32
    %broadcast_in_dim3A_113 = vector.broadcast %broadcast_in_dim3A_112 : i32 to vector<16xi32>
    %eq3A_114 = arith.cmpf oeq, %mul3A_94, %max3A_109 : vector<16xf32>
    %select_n3A_115 = arith.select %eq3A_114, %broadcast_in_dim3A_113, %broadcast_in_dim3A_102 : vector<16xi1>, vector<16xi32>
    %min3A_116 = arith.minsi %min3A, %select_n3A_115 : vector<16xi32>
    %broadcast_in_dim3A_117 = arith.constant 2 : i32
    %broadcast_in_dim3A_118 = vector.broadcast %broadcast_in_dim3A_117 : i32 to vector<16xi32>
    %eq3A_119 = arith.cmpf oeq, %mul3A_95, %max3A_109 : vector<16xf32>
    %select_n3A_120 = arith.select %eq3A_119, %broadcast_in_dim3A_118, %broadcast_in_dim3A_102 : vector<16xi1>, vector<16xi32>
    %min3A_121 = arith.minsi %min3A_116, %select_n3A_120 : vector<16xi32>
    %broadcast_in_dim3A_122 = arith.constant 3 : i32
    %broadcast_in_dim3A_123 = vector.broadcast %broadcast_in_dim3A_122 : i32 to vector<16xi32>
    %eq3A_124 = arith.cmpf oeq, %mul3A_96, %max3A_109 : vector<16xf32>
    %select_n3A_125 = arith.select %eq3A_124, %broadcast_in_dim3A_123, %broadcast_in_dim3A_102 : vector<16xi1>, vector<16xi32>
    %min3A_126 = arith.minsi %min3A_121, %select_n3A_125 : vector<16xi32>
    %broadcast_in_dim3A_127 = arith.constant 4 : i32
    %broadcast_in_dim3A_128 = vector.broadcast %broadcast_in_dim3A_127 : i32 to vector<16xi32>
    %eq3A_129 = arith.cmpf oeq, %mul3A_97, %max3A_109 : vector<16xf32>
    %select_n3A_130 = arith.select %eq3A_129, %broadcast_in_dim3A_128, %broadcast_in_dim3A_102 : vector<16xi1>, vector<16xi32>
    %min3A_131 = arith.minsi %min3A_126, %select_n3A_130 : vector<16xi32>
    %broadcast_in_dim3A_132 = arith.constant 5 : i32
    %broadcast_in_dim3A_133 = vector.broadcast %broadcast_in_dim3A_132 : i32 to vector<16xi32>
    %eq3A_134 = arith.cmpf oeq, %mul3A_98, %max3A_109 : vector<16xf32>
    %select_n3A_135 = arith.select %eq3A_134, %broadcast_in_dim3A_133, %broadcast_in_dim3A_102 : vector<16xi1>, vector<16xi32>
    %min3A_136 = arith.minsi %min3A_131, %select_n3A_135 : vector<16xi32>
    %broadcast_in_dim3A_137 = arith.constant 6 : i32
    %broadcast_in_dim3A_138 = vector.broadcast %broadcast_in_dim3A_137 : i32 to vector<16xi32>
    %eq3A_139 = arith.cmpf oeq, %mul3A_99, %max3A_109 : vector<16xf32>
    %select_n3A_140 = arith.select %eq3A_139, %broadcast_in_dim3A_138, %broadcast_in_dim3A_102 : vector<16xi1>, vector<16xi32>
    %min3A_141 = arith.minsi %min3A_136, %select_n3A_140 : vector<16xi32>
    %broadcast_in_dim3A_142 = arith.constant 7 : i32
    %broadcast_in_dim3A_143 = vector.broadcast %broadcast_in_dim3A_142 : i32 to vector<16xi32>
    %eq3A_144 = arith.cmpf oeq, %mul3A_100, %max3A_109 : vector<16xf32>
    %select_n3A_145 = arith.select %eq3A_144, %broadcast_in_dim3A_143, %broadcast_in_dim3A_102 : vector<16xi1>, vector<16xi32>
    %min3A_146 = arith.minsi %min3A_141, %select_n3A_145 : vector<16xi32>
    %broadcast_in_dim3A_147 = arith.constant 0xFF800000 : f32
    %broadcast_in_dim3A_148 = vector.broadcast %broadcast_in_dim3A_147 : f32 to vector<16xf32>
    %broadcast_in_dim3A_149 = arith.constant 0 : i32
    %broadcast_in_dim3A_150 = vector.broadcast %broadcast_in_dim3A_149 : i32 to vector<16xi32>
    %eq3A_151 = arith.cmpi eq, %broadcast_in_dim3A_150, %min3A_146 : vector<16xi32>
    %select_n3A_152 = arith.select %eq3A_151, %broadcast_in_dim3A_148, %mul3A_93 : vector<16xi1>, vector<16xf32>
    %broadcast_in_dim3A_153 = arith.constant 1 : i32
    %broadcast_in_dim3A_154 = vector.broadcast %broadcast_in_dim3A_153 : i32 to vector<16xi32>
    %eq3A_155 = arith.cmpi eq, %broadcast_in_dim3A_154, %min3A_146 : vector<16xi32>
    %select_n3A_156 = arith.select %eq3A_155, %broadcast_in_dim3A_148, %mul3A_94 : vector<16xi1>, vector<16xf32>
    %broadcast_in_dim3A_157 = arith.constant 2 : i32
    %broadcast_in_dim3A_158 = vector.broadcast %broadcast_in_dim3A_157 : i32 to vector<16xi32>
    %eq3A_159 = arith.cmpi eq, %broadcast_in_dim3A_158, %min3A_146 : vector<16xi32>
    %select_n3A_160 = arith.select %eq3A_159, %broadcast_in_dim3A_148, %mul3A_95 : vector<16xi1>, vector<16xf32>
    %broadcast_in_dim3A_161 = arith.constant 3 : i32
    %broadcast_in_dim3A_162 = vector.broadcast %broadcast_in_dim3A_161 : i32 to vector<16xi32>
    %eq3A_163 = arith.cmpi eq, %broadcast_in_dim3A_162, %min3A_146 : vector<16xi32>
    %select_n3A_164 = arith.select %eq3A_163, %broadcast_in_dim3A_148, %mul3A_96 : vector<16xi1>, vector<16xf32>
    %broadcast_in_dim3A_165 = arith.constant 4 : i32
    %broadcast_in_dim3A_166 = vector.broadcast %broadcast_in_dim3A_165 : i32 to vector<16xi32>
    %eq3A_167 = arith.cmpi eq, %broadcast_in_dim3A_166, %min3A_146 : vector<16xi32>
    %select_n3A_168 = arith.select %eq3A_167, %broadcast_in_dim3A_148, %mul3A_97 : vector<16xi1>, vector<16xf32>
    %broadcast_in_dim3A_169 = arith.constant 5 : i32
    %broadcast_in_dim3A_170 = vector.broadcast %broadcast_in_dim3A_169 : i32 to vector<16xi32>
    %eq3A_171 = arith.cmpi eq, %broadcast_in_dim3A_170, %min3A_146 : vector<16xi32>
    %select_n3A_172 = arith.select %eq3A_171, %broadcast_in_dim3A_148, %mul3A_98 : vector<16xi1>, vector<16xf32>
    %broadcast_in_dim3A_173 = arith.constant 6 : i32
    %broadcast_in_dim3A_174 = vector.broadcast %broadcast_in_dim3A_173 : i32 to vector<16xi32>
    %eq3A_175 = arith.cmpi eq, %broadcast_in_dim3A_174, %min3A_146 : vector<16xi32>
    %select_n3A_176 = arith.select %eq3A_175, %broadcast_in_dim3A_148, %mul3A_99 : vector<16xi1>, vector<16xf32>
    %broadcast_in_dim3A_177 = arith.constant 7 : i32
    %broadcast_in_dim3A_178 = vector.broadcast %broadcast_in_dim3A_177 : i32 to vector<16xi32>
    %eq3A_179 = arith.cmpi eq, %broadcast_in_dim3A_178, %min3A_146 : vector<16xi32>
    %select_n3A_180 = arith.select %eq3A_179, %broadcast_in_dim3A_148, %mul3A_100 : vector<16xi1>, vector<16xf32>
    %max3A_181 = arith.maximumf %select_n3A_152, %select_n3A_156 : vector<16xf32>
    %max3A_182 = arith.maximumf %max3A_181, %select_n3A_160 : vector<16xf32>
    %max3A_183 = arith.maximumf %max3A_182, %select_n3A_164 : vector<16xf32>
    %max3A_184 = arith.maximumf %max3A_183, %select_n3A_168 : vector<16xf32>
    %max3A_185 = arith.maximumf %max3A_184, %select_n3A_172 : vector<16xf32>
    %max3A_186 = arith.maximumf %max3A_185, %select_n3A_176 : vector<16xf32>
    %max3A_187 = arith.maximumf %max3A_186, %select_n3A_180 : vector<16xf32>
    %broadcast_in_dim3A_188 = arith.constant 0 : i32
    %broadcast_in_dim3A_189 = vector.broadcast %broadcast_in_dim3A_188 : i32 to vector<16xi32>
    %eq3A_190 = arith.cmpf oeq, %select_n3A_152, %max3A_187 : vector<16xf32>
    %select_n3A_191 = arith.select %eq3A_190, %broadcast_in_dim3A_189, %broadcast_in_dim3A_102 : vector<16xi1>, vector<16xi32>
    %min3A_192 = arith.minsi %broadcast_in_dim3A_102, %select_n3A_191 : vector<16xi32>
    %broadcast_in_dim3A_193 = arith.constant 1 : i32
    %broadcast_in_dim3A_194 = vector.broadcast %broadcast_in_dim3A_193 : i32 to vector<16xi32>
    %eq3A_195 = arith.cmpf oeq, %select_n3A_156, %max3A_187 : vector<16xf32>
    %select_n3A_196 = arith.select %eq3A_195, %broadcast_in_dim3A_194, %broadcast_in_dim3A_102 : vector<16xi1>, vector<16xi32>
    %min3A_197 = arith.minsi %min3A_192, %select_n3A_196 : vector<16xi32>
    %broadcast_in_dim3A_198 = arith.constant 2 : i32
    %broadcast_in_dim3A_199 = vector.broadcast %broadcast_in_dim3A_198 : i32 to vector<16xi32>
    %eq3A_200 = arith.cmpf oeq, %select_n3A_160, %max3A_187 : vector<16xf32>
    %select_n3A_201 = arith.select %eq3A_200, %broadcast_in_dim3A_199, %broadcast_in_dim3A_102 : vector<16xi1>, vector<16xi32>
    %min3A_202 = arith.minsi %min3A_197, %select_n3A_201 : vector<16xi32>
    %broadcast_in_dim3A_203 = arith.constant 3 : i32
    %broadcast_in_dim3A_204 = vector.broadcast %broadcast_in_dim3A_203 : i32 to vector<16xi32>
    %eq3A_205 = arith.cmpf oeq, %select_n3A_164, %max3A_187 : vector<16xf32>
    %select_n3A_206 = arith.select %eq3A_205, %broadcast_in_dim3A_204, %broadcast_in_dim3A_102 : vector<16xi1>, vector<16xi32>
    %min3A_207 = arith.minsi %min3A_202, %select_n3A_206 : vector<16xi32>
    %broadcast_in_dim3A_208 = arith.constant 4 : i32
    %broadcast_in_dim3A_209 = vector.broadcast %broadcast_in_dim3A_208 : i32 to vector<16xi32>
    %eq3A_210 = arith.cmpf oeq, %select_n3A_168, %max3A_187 : vector<16xf32>
    %select_n3A_211 = arith.select %eq3A_210, %broadcast_in_dim3A_209, %broadcast_in_dim3A_102 : vector<16xi1>, vector<16xi32>
    %min3A_212 = arith.minsi %min3A_207, %select_n3A_211 : vector<16xi32>
    %broadcast_in_dim3A_213 = arith.constant 5 : i32
    %broadcast_in_dim3A_214 = vector.broadcast %broadcast_in_dim3A_213 : i32 to vector<16xi32>
    %eq3A_215 = arith.cmpf oeq, %select_n3A_172, %max3A_187 : vector<16xf32>
    %select_n3A_216 = arith.select %eq3A_215, %broadcast_in_dim3A_214, %broadcast_in_dim3A_102 : vector<16xi1>, vector<16xi32>
    %min3A_217 = arith.minsi %min3A_212, %select_n3A_216 : vector<16xi32>
    %broadcast_in_dim3A_218 = arith.constant 6 : i32
    %broadcast_in_dim3A_219 = vector.broadcast %broadcast_in_dim3A_218 : i32 to vector<16xi32>
    %eq3A_220 = arith.cmpf oeq, %select_n3A_176, %max3A_187 : vector<16xf32>
    %select_n3A_221 = arith.select %eq3A_220, %broadcast_in_dim3A_219, %broadcast_in_dim3A_102 : vector<16xi1>, vector<16xi32>
    %min3A_222 = arith.minsi %min3A_217, %select_n3A_221 : vector<16xi32>
    %broadcast_in_dim3A_223 = arith.constant 7 : i32
    %broadcast_in_dim3A_224 = vector.broadcast %broadcast_in_dim3A_223 : i32 to vector<16xi32>
    %eq3A_225 = arith.cmpf oeq, %select_n3A_180, %max3A_187 : vector<16xf32>
    %select_n3A_226 = arith.select %eq3A_225, %broadcast_in_dim3A_224, %broadcast_in_dim3A_102 : vector<16xi1>, vector<16xi32>
    %min3A_227 = arith.minsi %min3A_222, %select_n3A_226 : vector<16xi32>
    %add3A_228 = arith.addf %max3A_109, %max3A_187 : vector<16xf32>
    %div3A_229 = arith.divf %max3A_109, %add3A_228 : vector<16xf32>
    %div3A_230 = arith.divf %max3A_187, %add3A_228 : vector<16xf32>
    %broadcast_in_dim3A_231 = arith.constant 0.000000e+00 : f32
    %broadcast_in_dim3A_232 = vector.broadcast %broadcast_in_dim3A_231 : f32 to vector<16xf32>
    %broadcast_in_dim3A_233 = arith.constant 1.000000e+00 : f32
    %broadcast_in_dim3A_234 = vector.broadcast %broadcast_in_dim3A_233 : f32 to vector<16xf32>
    %broadcast_in_dim3A_235 = arith.constant 0 : i32
    %broadcast_in_dim3A_236 = vector.broadcast %broadcast_in_dim3A_235 : i32 to vector<16xi32>
    %eq3A_237 = arith.cmpi eq, %broadcast_in_dim3A_236, %min3A_146 : vector<16xi32>
    %eq3A_238 = arith.cmpi eq, %broadcast_in_dim3A_236, %min3A_227 : vector<16xi32>
    %select_n3A_239 = arith.select %eq3A_237, %div3A_229, %broadcast_in_dim3A_232 : vector<16xi1>, vector<16xf32>
    %select_n3A_240 = arith.select %eq3A_238, %div3A_230, %broadcast_in_dim3A_232 : vector<16xi1>, vector<16xf32>
    %add3A_241 = arith.addf %select_n3A_239, %select_n3A_240 : vector<16xf32>
    %swap3A = arith.constant 0 : index
    %swap3A_242 = tpu.vector_load %arg7[%swap3A] {strides = array<i32>} : memref<512xf32, #tpu.memory_space<vmem>>, vector<16xf32>,
    %swap3A_243 = vector.shape_cast %swap3A_242 : vector<16xf32> to vector<16xf32>
    %swap3A_244 = vector.shape_cast %add3A_241 : vector<16xf32> to vector<16xf32>
    tpu.vector_store %arg7[%swap3A], %swap3A_244 {strides = array<i32>} : memref<512xf32, #tpu.memory_space<vmem>>, vector<16xf32>,
    %select_n3A_245 = arith.select %eq3A_237, %broadcast_in_dim3A_234, %broadcast_in_dim3A_232 : vector<16xi1>, vector<16xf32>
    %add3A_246 = arith.addf %broadcast_in_dim3A_10, %select_n3A_245 : vector<16xf32>
    %select_n3A_247 = arith.select %eq3A_238, %broadcast_in_dim3A_234, %broadcast_in_dim3A_232 : vector<16xi1>, vector<16xf32>
    %add3A_248 = arith.addf %add3A_246, %select_n3A_247 : vector<16xf32>
    %add3A_249 = arith.addf %broadcast_in_dim3A_26, %mul3A_93 : vector<16xf32>
    %broadcast_in_dim3A_250 = arith.constant 1 : i32
    %broadcast_in_dim3A_251 = vector.broadcast %broadcast_in_dim3A_250 : i32 to vector<16xi32>
    %eq3A_252 = arith.cmpi eq, %broadcast_in_dim3A_251, %min3A_146 : vector<16xi32>
    %eq3A_253 = arith.cmpi eq, %broadcast_in_dim3A_251, %min3A_227 : vector<16xi32>
    %select_n3A_254 = arith.select %eq3A_252, %div3A_229, %broadcast_in_dim3A_232 : vector<16xi1>, vector<16xf32>
    %select_n3A_255 = arith.select %eq3A_253, %div3A_230, %broadcast_in_dim3A_232 : vector<16xi1>, vector<16xf32>
    %add3A_256 = arith.addf %select_n3A_254, %select_n3A_255 : vector<16xf32>
    %swap3A_257 = arith.constant 64 : index
    %swap3A_258 = tpu.vector_load %arg7[%swap3A_257] {strides = array<i32>} : memref<512xf32, #tpu.memory_space<vmem>>, vector<16xf32>,
    %swap3A_259 = vector.shape_cast %swap3A_258 : vector<16xf32> to vector<16xf32>
    %swap3A_260 = vector.shape_cast %add3A_256 : vector<16xf32> to vector<16xf32>
    tpu.vector_store %arg7[%swap3A_257], %swap3A_260 {strides = array<i32>} : memref<512xf32, #tpu.memory_space<vmem>>, vector<16xf32>,
    %select_n3A_261 = arith.select %eq3A_252, %broadcast_in_dim3A_234, %broadcast_in_dim3A_232 : vector<16xi1>, vector<16xf32>
    %add3A_262 = arith.addf %broadcast_in_dim3A_12, %select_n3A_261 : vector<16xf32>
    %select_n3A_263 = arith.select %eq3A_253, %broadcast_in_dim3A_234, %broadcast_in_dim3A_232 : vector<16xi1>, vector<16xf32>
    %add3A_264 = arith.addf %add3A_262, %select_n3A_263 : vector<16xf32>
    %add3A_265 = arith.addf %broadcast_in_dim3A_28, %mul3A_94 : vector<16xf32>
    %broadcast_in_dim3A_266 = arith.constant 2 : i32
    %broadcast_in_dim3A_267 = vector.broadcast %broadcast_in_dim3A_266 : i32 to vector<16xi32>
    %eq3A_268 = arith.cmpi eq, %broadcast_in_dim3A_267, %min3A_146 : vector<16xi32>
    %eq3A_269 = arith.cmpi eq, %broadcast_in_dim3A_267, %min3A_227 : vector<16xi32>
    %select_n3A_270 = arith.select %eq3A_268, %div3A_229, %broadcast_in_dim3A_232 : vector<16xi1>, vector<16xf32>
    %select_n3A_271 = arith.select %eq3A_269, %div3A_230, %broadcast_in_dim3A_232 : vector<16xi1>, vector<16xf32>
    %add3A_272 = arith.addf %select_n3A_270, %select_n3A_271 : vector<16xf32>
    %swap3A_273 = arith.constant 128 : index
    %swap3A_274 = tpu.vector_load %arg7[%swap3A_273] {strides = array<i32>} : memref<512xf32, #tpu.memory_space<vmem>>, vector<16xf32>,
    %swap3A_275 = vector.shape_cast %swap3A_274 : vector<16xf32> to vector<16xf32>
    %swap3A_276 = vector.shape_cast %add3A_272 : vector<16xf32> to vector<16xf32>
    tpu.vector_store %arg7[%swap3A_273], %swap3A_276 {strides = array<i32>} : memref<512xf32, #tpu.memory_space<vmem>>, vector<16xf32>,
    %select_n3A_277 = arith.select %eq3A_268, %broadcast_in_dim3A_234, %broadcast_in_dim3A_232 : vector<16xi1>, vector<16xf32>
    %add3A_278 = arith.addf %broadcast_in_dim3A_14, %select_n3A_277 : vector<16xf32>
    %select_n3A_279 = arith.select %eq3A_269, %broadcast_in_dim3A_234, %broadcast_in_dim3A_232 : vector<16xi1>, vector<16xf32>
    %add3A_280 = arith.addf %add3A_278, %select_n3A_279 : vector<16xf32>
    %add3A_281 = arith.addf %broadcast_in_dim3A_30, %mul3A_95 : vector<16xf32>
    %broadcast_in_dim3A_282 = arith.constant 3 : i32
    %broadcast_in_dim3A_283 = vector.broadcast %broadcast_in_dim3A_282 : i32 to vector<16xi32>
    %eq3A_284 = arith.cmpi eq, %broadcast_in_dim3A_283, %min3A_146 : vector<16xi32>
    %eq3A_285 = arith.cmpi eq, %broadcast_in_dim3A_283, %min3A_227 : vector<16xi32>
    %select_n3A_286 = arith.select %eq3A_284, %div3A_229, %broadcast_in_dim3A_232 : vector<16xi1>, vector<16xf32>
    %select_n3A_287 = arith.select %eq3A_285, %div3A_230, %broadcast_in_dim3A_232 : vector<16xi1>, vector<16xf32>
    %add3A_288 = arith.addf %select_n3A_286, %select_n3A_287 : vector<16xf32>
    %swap3A_289 = arith.constant 192 : index
    %swap3A_290 = tpu.vector_load %arg7[%swap3A_289] {strides = array<i32>} : memref<512xf32, #tpu.memory_space<vmem>>, vector<16xf32>,
    %swap3A_291 = vector.shape_cast %swap3A_290 : vector<16xf32> to vector<16xf32>
    %swap3A_292 = vector.shape_cast %add3A_288 : vector<16xf32> to vector<16xf32>
    tpu.vector_store %arg7[%swap3A_289], %swap3A_292 {strides = array<i32>} : memref<512xf32, #tpu.memory_space<vmem>>, vector<16xf32>,
    %select_n3A_293 = arith.select %eq3A_284, %broadcast_in_dim3A_234, %broadcast_in_dim3A_232 : vector<16xi1>, vector<16xf32>
    %add3A_294 = arith.addf %broadcast_in_dim3A_16, %select_n3A_293 : vector<16xf32>
    %select_n3A_295 = arith.select %eq3A_285, %broadcast_in_dim3A_234, %broadcast_in_dim3A_232 : vector<16xi1>, vector<16xf32>
    %add3A_296 = arith.addf %add3A_294, %select_n3A_295 : vector<16xf32>
    %add3A_297 = arith.addf %broadcast_in_dim3A_32, %mul3A_96 : vector<16xf32>
    %broadcast_in_dim3A_298 = arith.constant 4 : i32
    %broadcast_in_dim3A_299 = vector.broadcast %broadcast_in_dim3A_298 : i32 to vector<16xi32>
    %eq3A_300 = arith.cmpi eq, %broadcast_in_dim3A_299, %min3A_146 : vector<16xi32>
    %eq3A_301 = arith.cmpi eq, %broadcast_in_dim3A_299, %min3A_227 : vector<16xi32>
    %select_n3A_302 = arith.select %eq3A_300, %div3A_229, %broadcast_in_dim3A_232 : vector<16xi1>, vector<16xf32>
    %select_n3A_303 = arith.select %eq3A_301, %div3A_230, %broadcast_in_dim3A_232 : vector<16xi1>, vector<16xf32>
    %add3A_304 = arith.addf %select_n3A_302, %select_n3A_303 : vector<16xf32>
    %swap3A_305 = arith.constant 256 : index
    %swap3A_306 = tpu.vector_load %arg7[%swap3A_305] {strides = array<i32>} : memref<512xf32, #tpu.memory_space<vmem>>, vector<16xf32>,
    %swap3A_307 = vector.shape_cast %swap3A_306 : vector<16xf32> to vector<16xf32>
    %swap3A_308 = vector.shape_cast %add3A_304 : vector<16xf32> to vector<16xf32>
    tpu.vector_store %arg7[%swap3A_305], %swap3A_308 {strides = array<i32>} : memref<512xf32, #tpu.memory_space<vmem>>, vector<16xf32>,
    %select_n3A_309 = arith.select %eq3A_300, %broadcast_in_dim3A_234, %broadcast_in_dim3A_232 : vector<16xi1>, vector<16xf32>
    %add3A_310 = arith.addf %broadcast_in_dim3A_18, %select_n3A_309 : vector<16xf32>
    %select_n3A_311 = arith.select %eq3A_301, %broadcast_in_dim3A_234, %broadcast_in_dim3A_232 : vector<16xi1>, vector<16xf32>
    %add3A_312 = arith.addf %add3A_310, %select_n3A_311 : vector<16xf32>
    %add3A_313 = arith.addf %broadcast_in_dim3A_34, %mul3A_97 : vector<16xf32>
    %broadcast_in_dim3A_314 = arith.constant 5 : i32
    %broadcast_in_dim3A_315 = vector.broadcast %broadcast_in_dim3A_314 : i32 to vector<16xi32>
    %eq3A_316 = arith.cmpi eq, %broadcast_in_dim3A_315, %min3A_146 : vector<16xi32>
    %eq3A_317 = arith.cmpi eq, %broadcast_in_dim3A_315, %min3A_227 : vector<16xi32>
    %select_n3A_318 = arith.select %eq3A_316, %div3A_229, %broadcast_in_dim3A_232 : vector<16xi1>, vector<16xf32>
    %select_n3A_319 = arith.select %eq3A_317, %div3A_230, %broadcast_in_dim3A_232 : vector<16xi1>, vector<16xf32>
    %add3A_320 = arith.addf %select_n3A_318, %select_n3A_319 : vector<16xf32>
    %swap3A_321 = arith.constant 320 : index
    %swap3A_322 = tpu.vector_load %arg7[%swap3A_321] {strides = array<i32>} : memref<512xf32, #tpu.memory_space<vmem>>, vector<16xf32>,
    %swap3A_323 = vector.shape_cast %swap3A_322 : vector<16xf32> to vector<16xf32>
    %swap3A_324 = vector.shape_cast %add3A_320 : vector<16xf32> to vector<16xf32>
    tpu.vector_store %arg7[%swap3A_321], %swap3A_324 {strides = array<i32>} : memref<512xf32, #tpu.memory_space<vmem>>, vector<16xf32>,
    %select_n3A_325 = arith.select %eq3A_316, %broadcast_in_dim3A_234, %broadcast_in_dim3A_232 : vector<16xi1>, vector<16xf32>
    %add3A_326 = arith.addf %broadcast_in_dim3A_20, %select_n3A_325 : vector<16xf32>
    %select_n3A_327 = arith.select %eq3A_317, %broadcast_in_dim3A_234, %broadcast_in_dim3A_232 : vector<16xi1>, vector<16xf32>
    %add3A_328 = arith.addf %add3A_326, %select_n3A_327 : vector<16xf32>
    %add3A_329 = arith.addf %broadcast_in_dim3A_36, %mul3A_98 : vector<16xf32>
    %broadcast_in_dim3A_330 = arith.constant 6 : i32
    %broadcast_in_dim3A_331 = vector.broadcast %broadcast_in_dim3A_330 : i32 to vector<16xi32>
    %eq3A_332 = arith.cmpi eq, %broadcast_in_dim3A_331, %min3A_146 : vector<16xi32>
    %eq3A_333 = arith.cmpi eq, %broadcast_in_dim3A_331, %min3A_227 : vector<16xi32>
    %select_n3A_334 = arith.select %eq3A_332, %div3A_229, %broadcast_in_dim3A_232 : vector<16xi1>, vector<16xf32>
    %select_n3A_335 = arith.select %eq3A_333, %div3A_230, %broadcast_in_dim3A_232 : vector<16xi1>, vector<16xf32>
    %add3A_336 = arith.addf %select_n3A_334, %select_n3A_335 : vector<16xf32>
    %swap3A_337 = arith.constant 384 : index
    %swap3A_338 = tpu.vector_load %arg7[%swap3A_337] {strides = array<i32>} : memref<512xf32, #tpu.memory_space<vmem>>, vector<16xf32>,
    %swap3A_339 = vector.shape_cast %swap3A_338 : vector<16xf32> to vector<16xf32>
    %swap3A_340 = vector.shape_cast %add3A_336 : vector<16xf32> to vector<16xf32>
    tpu.vector_store %arg7[%swap3A_337], %swap3A_340 {strides = array<i32>} : memref<512xf32, #tpu.memory_space<vmem>>, vector<16xf32>,
    %select_n3A_341 = arith.select %eq3A_332, %broadcast_in_dim3A_234, %broadcast_in_dim3A_232 : vector<16xi1>, vector<16xf32>
    %add3A_342 = arith.addf %broadcast_in_dim3A_22, %select_n3A_341 : vector<16xf32>
    %select_n3A_343 = arith.select %eq3A_333, %broadcast_in_dim3A_234, %broadcast_in_dim3A_232 : vector<16xi1>, vector<16xf32>
    %add3A_344 = arith.addf %add3A_342, %select_n3A_343 : vector<16xf32>
    %add3A_345 = arith.addf %broadcast_in_dim3A_38, %mul3A_99 : vector<16xf32>
    %broadcast_in_dim3A_346 = arith.constant 7 : i32
    %broadcast_in_dim3A_347 = vector.broadcast %broadcast_in_dim3A_346 : i32 to vector<16xi32>
    %eq3A_348 = arith.cmpi eq, %broadcast_in_dim3A_347, %min3A_146 : vector<16xi32>
    %eq3A_349 = arith.cmpi eq, %broadcast_in_dim3A_347, %min3A_227 : vector<16xi32>
    %select_n3A_350 = arith.select %eq3A_348, %div3A_229, %broadcast_in_dim3A_232 : vector<16xi1>, vector<16xf32>
    %select_n3A_351 = arith.select %eq3A_349, %div3A_230, %broadcast_in_dim3A_232 : vector<16xi1>, vector<16xf32>
    %add3A_352 = arith.addf %select_n3A_350, %select_n3A_351 : vector<16xf32>
    %swap3A_353 = arith.constant 448 : index
    %swap3A_354 = tpu.vector_load %arg7[%swap3A_353] {strides = array<i32>} : memref<512xf32, #tpu.memory_space<vmem>>, vector<16xf32>,
    %swap3A_355 = vector.shape_cast %swap3A_354 : vector<16xf32> to vector<16xf32>
    %swap3A_356 = vector.shape_cast %add3A_352 : vector<16xf32> to vector<16xf32>
    tpu.vector_store %arg7[%swap3A_353], %swap3A_356 {strides = array<i32>} : memref<512xf32, #tpu.memory_space<vmem>>, vector<16xf32>,
    %select_n3A_357 = arith.select %eq3A_348, %broadcast_in_dim3A_234, %broadcast_in_dim3A_232 : vector<16xi1>, vector<16xf32>
    %add3A_358 = arith.addf %broadcast_in_dim3A_24, %select_n3A_357 : vector<16xf32>
    %select_n3A_359 = arith.select %eq3A_349, %broadcast_in_dim3A_234, %broadcast_in_dim3A_232 : vector<16xi1>, vector<16xf32>
    %add3A_360 = arith.addf %add3A_358, %select_n3A_359 : vector<16xf32>
    %add3A_361 = arith.addf %broadcast_in_dim3A_40, %mul3A_100 : vector<16xf32>
    %get3A_362 = arith.constant 16 : index
    %get3A_363 = tpu.vector_load %arg6[%get3A_362] {strides = array<i32>} : memref<512xf32, #tpu.memory_space<vmem>>, vector<16xf32>,
    %get3A_364 = vector.shape_cast %get3A_363 : vector<16xf32> to vector<16xf32>
    %get3A_365 = arith.constant 80 : index
    %get3A_366 = tpu.vector_load %arg6[%get3A_365] {strides = array<i32>} : memref<512xf32, #tpu.memory_space<vmem>>, vector<16xf32>,
    %get3A_367 = vector.shape_cast %get3A_366 : vector<16xf32> to vector<16xf32>
    %get3A_368 = arith.constant 144 : index
    %get3A_369 = tpu.vector_load %arg6[%get3A_368] {strides = array<i32>} : memref<512xf32, #tpu.memory_space<vmem>>, vector<16xf32>,
    %get3A_370 = vector.shape_cast %get3A_369 : vector<16xf32> to vector<16xf32>
    %get3A_371 = arith.constant 208 : index
    %get3A_372 = tpu.vector_load %arg6[%get3A_371] {strides = array<i32>} : memref<512xf32, #tpu.memory_space<vmem>>, vector<16xf32>,
    %get3A_373 = vector.shape_cast %get3A_372 : vector<16xf32> to vector<16xf32>
    %get3A_374 = arith.constant 272 : index
    %get3A_375 = tpu.vector_load %arg6[%get3A_374] {strides = array<i32>} : memref<512xf32, #tpu.memory_space<vmem>>, vector<16xf32>,
    %get3A_376 = vector.shape_cast %get3A_375 : vector<16xf32> to vector<16xf32>
    %get3A_377 = arith.constant 336 : index
    %get3A_378 = tpu.vector_load %arg6[%get3A_377] {strides = array<i32>} : memref<512xf32, #tpu.memory_space<vmem>>, vector<16xf32>,
    %get3A_379 = vector.shape_cast %get3A_378 : vector<16xf32> to vector<16xf32>
    %get3A_380 = arith.constant 400 : index
    %get3A_381 = tpu.vector_load %arg6[%get3A_380] {strides = array<i32>} : memref<512xf32, #tpu.memory_space<vmem>>, vector<16xf32>,
    %get3A_382 = vector.shape_cast %get3A_381 : vector<16xf32> to vector<16xf32>
    %get3A_383 = arith.constant 464 : index
    %get3A_384 = tpu.vector_load %arg6[%get3A_383] {strides = array<i32>} : memref<512xf32, #tpu.memory_space<vmem>>, vector<16xf32>,
    %get3A_385 = vector.shape_cast %get3A_384 : vector<16xf32> to vector<16xf32>
    %max3A_386 = arith.maximumf %get3A_364, %get3A_367 : vector<16xf32>
    %max3A_387 = arith.maximumf %max3A_386, %get3A_370 : vector<16xf32>
    %max3A_388 = arith.maximumf %max3A_387, %get3A_373 : vector<16xf32>
    %max3A_389 = arith.maximumf %max3A_388, %get3A_376 : vector<16xf32>
    %max3A_390 = arith.maximumf %max3A_389, %get3A_379 : vector<16xf32>
    %max3A_391 = arith.maximumf %max3A_390, %get3A_382 : vector<16xf32>
    %max3A_392 = arith.maximumf %max3A_391, %get3A_385 : vector<16xf32>
    %sub3A_393 = arith.subf %get3A_364, %max3A_392 : vector<16xf32>
    %exp3A_394 = math.exp %sub3A_393 : vector<16xf32>
    %sub3A_395 = arith.subf %get3A_367, %max3A_392 : vector<16xf32>
    %exp3A_396 = math.exp %sub3A_395 : vector<16xf32>
    %sub3A_397 = arith.subf %get3A_370, %max3A_392 : vector<16xf32>
    %exp3A_398 = math.exp %sub3A_397 : vector<16xf32>
    %sub3A_399 = arith.subf %get3A_373, %max3A_392 : vector<16xf32>
    %exp3A_400 = math.exp %sub3A_399 : vector<16xf32>
    %sub3A_401 = arith.subf %get3A_376, %max3A_392 : vector<16xf32>
    %exp3A_402 = math.exp %sub3A_401 : vector<16xf32>
    %sub3A_403 = arith.subf %get3A_379, %max3A_392 : vector<16xf32>
    %exp3A_404 = math.exp %sub3A_403 : vector<16xf32>
    %sub3A_405 = arith.subf %get3A_382, %max3A_392 : vector<16xf32>
    %exp3A_406 = math.exp %sub3A_405 : vector<16xf32>
    %sub3A_407 = arith.subf %get3A_385, %max3A_392 : vector<16xf32>
    %exp3A_408 = math.exp %sub3A_407 : vector<16xf32>
    %add3A_409 = arith.addf %exp3A_394, %exp3A_396 : vector<16xf32>
    %add3A_410 = arith.addf %add3A_409, %exp3A_398 : vector<16xf32>
    %add3A_411 = arith.addf %add3A_410, %exp3A_400 : vector<16xf32>
    %add3A_412 = arith.addf %add3A_411, %exp3A_402 : vector<16xf32>
    %add3A_413 = arith.addf %add3A_412, %exp3A_404 : vector<16xf32>
    %add3A_414 = arith.addf %add3A_413, %exp3A_406 : vector<16xf32>
    %add3A_415 = arith.addf %add3A_414, %exp3A_408 : vector<16xf32>
    %div3A_416 = arith.constant 1.000000e+00 : f32
    %div3A_417 = vector.broadcast %div3A_416 : f32 to vector<16xf32>
    %div3A_418 = arith.divf %div3A_417, %add3A_415 : vector<16xf32>
    %mul3A_419 = arith.mulf %exp3A_394, %div3A_418 : vector<16xf32>
    %mul3A_420 = arith.mulf %exp3A_396, %div3A_418 : vector<16xf32>
    %mul3A_421 = arith.mulf %exp3A_398, %div3A_418 : vector<16xf32>
    %mul3A_422 = arith.mulf %exp3A_400, %div3A_418 : vector<16xf32>
    %mul3A_423 = arith.mulf %exp3A_402, %div3A_418 : vector<16xf32>
    %mul3A_424 = arith.mulf %exp3A_404, %div3A_418 : vector<16xf32>
    %mul3A_425 = arith.mulf %exp3A_406, %div3A_418 : vector<16xf32>
    %mul3A_426 = arith.mulf %exp3A_408, %div3A_418 : vector<16xf32>
    %broadcast_in_dim3A_427 = arith.constant 8 : i32
    %broadcast_in_dim3A_428 = vector.broadcast %broadcast_in_dim3A_427 : i32 to vector<16xi32>
    %max3A_429 = arith.maximumf %mul3A_419, %mul3A_420 : vector<16xf32>
    %max3A_430 = arith.maximumf %max3A_429, %mul3A_421 : vector<16xf32>
    %max3A_431 = arith.maximumf %max3A_430, %mul3A_422 : vector<16xf32>
    %max3A_432 = arith.maximumf %max3A_431, %mul3A_423 : vector<16xf32>
    %max3A_433 = arith.maximumf %max3A_432, %mul3A_424 : vector<16xf32>
    %max3A_434 = arith.maximumf %max3A_433, %mul3A_425 : vector<16xf32>
    %max3A_435 = arith.maximumf %max3A_434, %mul3A_426 : vector<16xf32>
    %broadcast_in_dim3A_436 = arith.constant 0 : i32
    %broadcast_in_dim3A_437 = vector.broadcast %broadcast_in_dim3A_436 : i32 to vector<16xi32>
    %eq3A_438 = arith.cmpf oeq, %mul3A_419, %max3A_435 : vector<16xf32>
    %select_n3A_439 = arith.select %eq3A_438, %broadcast_in_dim3A_437, %broadcast_in_dim3A_428 : vector<16xi1>, vector<16xi32>
    %min3A_440 = arith.minsi %broadcast_in_dim3A_428, %select_n3A_439 : vector<16xi32>
    %broadcast_in_dim3A_441 = arith.constant 1 : i32
    %broadcast_in_dim3A_442 = vector.broadcast %broadcast_in_dim3A_441 : i32 to vector<16xi32>
    %eq3A_443 = arith.cmpf oeq, %mul3A_420, %max3A_435 : vector<16xf32>
    %select_n3A_444 = arith.select %eq3A_443, %broadcast_in_dim3A_442, %broadcast_in_dim3A_428 : vector<16xi1>, vector<16xi32>
    %min3A_445 = arith.minsi %min3A_440, %select_n3A_444 : vector<16xi32>
    %broadcast_in_dim3A_446 = arith.constant 2 : i32
    %broadcast_in_dim3A_447 = vector.broadcast %broadcast_in_dim3A_446 : i32 to vector<16xi32>
    %eq3A_448 = arith.cmpf oeq, %mul3A_421, %max3A_435 : vector<16xf32>
    %select_n3A_449 = arith.select %eq3A_448, %broadcast_in_dim3A_447, %broadcast_in_dim3A_428 : vector<16xi1>, vector<16xi32>
    %min3A_450 = arith.minsi %min3A_445, %select_n3A_449 : vector<16xi32>
    %broadcast_in_dim3A_451 = arith.constant 3 : i32
    %broadcast_in_dim3A_452 = vector.broadcast %broadcast_in_dim3A_451 : i32 to vector<16xi32>
    %eq3A_453 = arith.cmpf oeq, %mul3A_422, %max3A_435 : vector<16xf32>
    %select_n3A_454 = arith.select %eq3A_453, %broadcast_in_dim3A_452, %broadcast_in_dim3A_428 : vector<16xi1>, vector<16xi32>
    %min3A_455 = arith.minsi %min3A_450, %select_n3A_454 : vector<16xi32>
    %broadcast_in_dim3A_456 = arith.constant 4 : i32
    %broadcast_in_dim3A_457 = vector.broadcast %broadcast_in_dim3A_456 : i32 to vector<16xi32>
    %eq3A_458 = arith.cmpf oeq, %mul3A_423, %max3A_435 : vector<16xf32>
    %select_n3A_459 = arith.select %eq3A_458, %broadcast_in_dim3A_457, %broadcast_in_dim3A_428 : vector<16xi1>, vector<16xi32>
    %min3A_460 = arith.minsi %min3A_455, %select_n3A_459 : vector<16xi32>
    %broadcast_in_dim3A_461 = arith.constant 5 : i32
    %broadcast_in_dim3A_462 = vector.broadcast %broadcast_in_dim3A_461 : i32 to vector<16xi32>
    %eq3A_463 = arith.cmpf oeq, %mul3A_424, %max3A_435 : vector<16xf32>
    %select_n3A_464 = arith.select %eq3A_463, %broadcast_in_dim3A_462, %broadcast_in_dim3A_428 : vector<16xi1>, vector<16xi32>
    %min3A_465 = arith.minsi %min3A_460, %select_n3A_464 : vector<16xi32>
    %broadcast_in_dim3A_466 = arith.constant 6 : i32
    %broadcast_in_dim3A_467 = vector.broadcast %broadcast_in_dim3A_466 : i32 to vector<16xi32>
    %eq3A_468 = arith.cmpf oeq, %mul3A_425, %max3A_435 : vector<16xf32>
    %select_n3A_469 = arith.select %eq3A_468, %broadcast_in_dim3A_467, %broadcast_in_dim3A_428 : vector<16xi1>, vector<16xi32>
    %min3A_470 = arith.minsi %min3A_465, %select_n3A_469 : vector<16xi32>
    %broadcast_in_dim3A_471 = arith.constant 7 : i32
    %broadcast_in_dim3A_472 = vector.broadcast %broadcast_in_dim3A_471 : i32 to vector<16xi32>
    %eq3A_473 = arith.cmpf oeq, %mul3A_426, %max3A_435 : vector<16xf32>
    %select_n3A_474 = arith.select %eq3A_473, %broadcast_in_dim3A_472, %broadcast_in_dim3A_428 : vector<16xi1>, vector<16xi32>
    %min3A_475 = arith.minsi %min3A_470, %select_n3A_474 : vector<16xi32>
    %broadcast_in_dim3A_476 = arith.constant 0xFF800000 : f32
    %broadcast_in_dim3A_477 = vector.broadcast %broadcast_in_dim3A_476 : f32 to vector<16xf32>
    %broadcast_in_dim3A_478 = arith.constant 0 : i32
    %broadcast_in_dim3A_479 = vector.broadcast %broadcast_in_dim3A_478 : i32 to vector<16xi32>
    %eq3A_480 = arith.cmpi eq, %broadcast_in_dim3A_479, %min3A_475 : vector<16xi32>
    %select_n3A_481 = arith.select %eq3A_480, %broadcast_in_dim3A_477, %mul3A_419 : vector<16xi1>, vector<16xf32>
    %broadcast_in_dim3A_482 = arith.constant 1 : i32
    %broadcast_in_dim3A_483 = vector.broadcast %broadcast_in_dim3A_482 : i32 to vector<16xi32>
    %eq3A_484 = arith.cmpi eq, %broadcast_in_dim3A_483, %min3A_475 : vector<16xi32>
    %select_n3A_485 = arith.select %eq3A_484, %broadcast_in_dim3A_477, %mul3A_420 : vector<16xi1>, vector<16xf32>
    %broadcast_in_dim3A_486 = arith.constant 2 : i32
    %broadcast_in_dim3A_487 = vector.broadcast %broadcast_in_dim3A_486 : i32 to vector<16xi32>
    %eq3A_488 = arith.cmpi eq, %broadcast_in_dim3A_487, %min3A_475 : vector<16xi32>
    %select_n3A_489 = arith.select %eq3A_488, %broadcast_in_dim3A_477, %mul3A_421 : vector<16xi1>, vector<16xf32>
    %broadcast_in_dim3A_490 = arith.constant 3 : i32
    %broadcast_in_dim3A_491 = vector.broadcast %broadcast_in_dim3A_490 : i32 to vector<16xi32>
    %eq3A_492 = arith.cmpi eq, %broadcast_in_dim3A_491, %min3A_475 : vector<16xi32>
    %select_n3A_493 = arith.select %eq3A_492, %broadcast_in_dim3A_477, %mul3A_422 : vector<16xi1>, vector<16xf32>
    %broadcast_in_dim3A_494 = arith.constant 4 : i32
    %broadcast_in_dim3A_495 = vector.broadcast %broadcast_in_dim3A_494 : i32 to vector<16xi32>
    %eq3A_496 = arith.cmpi eq, %broadcast_in_dim3A_495, %min3A_475 : vector<16xi32>
    %select_n3A_497 = arith.select %eq3A_496, %broadcast_in_dim3A_477, %mul3A_423 : vector<16xi1>, vector<16xf32>
    %broadcast_in_dim3A_498 = arith.constant 5 : i32
    %broadcast_in_dim3A_499 = vector.broadcast %broadcast_in_dim3A_498 : i32 to vector<16xi32>
    %eq3A_500 = arith.cmpi eq, %broadcast_in_dim3A_499, %min3A_475 : vector<16xi32>
    %select_n3A_501 = arith.select %eq3A_500, %broadcast_in_dim3A_477, %mul3A_424 : vector<16xi1>, vector<16xf32>
    %broadcast_in_dim3A_502 = arith.constant 6 : i32
    %broadcast_in_dim3A_503 = vector.broadcast %broadcast_in_dim3A_502 : i32 to vector<16xi32>
    %eq3A_504 = arith.cmpi eq, %broadcast_in_dim3A_503, %min3A_475 : vector<16xi32>
    %select_n3A_505 = arith.select %eq3A_504, %broadcast_in_dim3A_477, %mul3A_425 : vector<16xi1>, vector<16xf32>
    %broadcast_in_dim3A_506 = arith.constant 7 : i32
    %broadcast_in_dim3A_507 = vector.broadcast %broadcast_in_dim3A_506 : i32 to vector<16xi32>
    %eq3A_508 = arith.cmpi eq, %broadcast_in_dim3A_507, %min3A_475 : vector<16xi32>
    %select_n3A_509 = arith.select %eq3A_508, %broadcast_in_dim3A_477, %mul3A_426 : vector<16xi1>, vector<16xf32>
    %max3A_510 = arith.maximumf %select_n3A_481, %select_n3A_485 : vector<16xf32>
    %max3A_511 = arith.maximumf %max3A_510, %select_n3A_489 : vector<16xf32>
    %max3A_512 = arith.maximumf %max3A_511, %select_n3A_493 : vector<16xf32>
    %max3A_513 = arith.maximumf %max3A_512, %select_n3A_497 : vector<16xf32>
    %max3A_514 = arith.maximumf %max3A_513, %select_n3A_501 : vector<16xf32>
    %max3A_515 = arith.maximumf %max3A_514, %select_n3A_505 : vector<16xf32>
    %max3A_516 = arith.maximumf %max3A_515, %select_n3A_509 : vector<16xf32>
    %broadcast_in_dim3A_517 = arith.constant 0 : i32
    %broadcast_in_dim3A_518 = vector.broadcast %broadcast_in_dim3A_517 : i32 to vector<16xi32>
    %eq3A_519 = arith.cmpf oeq, %select_n3A_481, %max3A_516 : vector<16xf32>
    %select_n3A_520 = arith.select %eq3A_519, %broadcast_in_dim3A_518, %broadcast_in_dim3A_428 : vector<16xi1>, vector<16xi32>
    %min3A_521 = arith.minsi %broadcast_in_dim3A_428, %select_n3A_520 : vector<16xi32>
    %broadcast_in_dim3A_522 = arith.constant 1 : i32
    %broadcast_in_dim3A_523 = vector.broadcast %broadcast_in_dim3A_522 : i32 to vector<16xi32>
    %eq3A_524 = arith.cmpf oeq, %select_n3A_485, %max3A_516 : vector<16xf32>
    %select_n3A_525 = arith.select %eq3A_524, %broadcast_in_dim3A_523, %broadcast_in_dim3A_428 : vector<16xi1>, vector<16xi32>
    %min3A_526 = arith.minsi %min3A_521, %select_n3A_525 : vector<16xi32>
    %broadcast_in_dim3A_527 = arith.constant 2 : i32
    %broadcast_in_dim3A_528 = vector.broadcast %broadcast_in_dim3A_527 : i32 to vector<16xi32>
    %eq3A_529 = arith.cmpf oeq, %select_n3A_489, %max3A_516 : vector<16xf32>
    %select_n3A_530 = arith.select %eq3A_529, %broadcast_in_dim3A_528, %broadcast_in_dim3A_428 : vector<16xi1>, vector<16xi32>
    %min3A_531 = arith.minsi %min3A_526, %select_n3A_530 : vector<16xi32>
    %broadcast_in_dim3A_532 = arith.constant 3 : i32
    %broadcast_in_dim3A_533 = vector.broadcast %broadcast_in_dim3A_532 : i32 to vector<16xi32>
    %eq3A_534 = arith.cmpf oeq, %select_n3A_493, %max3A_516 : vector<16xf32>
    %select_n3A_535 = arith.select %eq3A_534, %broadcast_in_dim3A_533, %broadcast_in_dim3A_428 : vector<16xi1>, vector<16xi32>
    %min3A_536 = arith.minsi %min3A_531, %select_n3A_535 : vector<16xi32>
    %broadcast_in_dim3A_537 = arith.constant 4 : i32
    %broadcast_in_dim3A_538 = vector.broadcast %broadcast_in_dim3A_537 : i32 to vector<16xi32>
    %eq3A_539 = arith.cmpf oeq, %select_n3A_497, %max3A_516 : vector<16xf32>
    %select_n3A_540 = arith.select %eq3A_539, %broadcast_in_dim3A_538, %broadcast_in_dim3A_428 : vector<16xi1>, vector<16xi32>
    %min3A_541 = arith.minsi %min3A_536, %select_n3A_540 : vector<16xi32>
    %broadcast_in_dim3A_542 = arith.constant 5 : i32
    %broadcast_in_dim3A_543 = vector.broadcast %broadcast_in_dim3A_542 : i32 to vector<16xi32>
    %eq3A_544 = arith.cmpf oeq, %select_n3A_501, %max3A_516 : vector<16xf32>
    %select_n3A_545 = arith.select %eq3A_544, %broadcast_in_dim3A_543, %broadcast_in_dim3A_428 : vector<16xi1>, vector<16xi32>
    %min3A_546 = arith.minsi %min3A_541, %select_n3A_545 : vector<16xi32>
    %broadcast_in_dim3A_547 = arith.constant 6 : i32
    %broadcast_in_dim3A_548 = vector.broadcast %broadcast_in_dim3A_547 : i32 to vector<16xi32>
    %eq3A_549 = arith.cmpf oeq, %select_n3A_505, %max3A_516 : vector<16xf32>
    %select_n3A_550 = arith.select %eq3A_549, %broadcast_in_dim3A_548, %broadcast_in_dim3A_428 : vector<16xi1>, vector<16xi32>
    %min3A_551 = arith.minsi %min3A_546, %select_n3A_550 : vector<16xi32>
    %broadcast_in_dim3A_552 = arith.constant 7 : i32
    %broadcast_in_dim3A_553 = vector.broadcast %broadcast_in_dim3A_552 : i32 to vector<16xi32>
    %eq3A_554 = arith.cmpf oeq, %select_n3A_509, %max3A_516 : vector<16xf32>
    %select_n3A_555 = arith.select %eq3A_554, %broadcast_in_dim3A_553, %broadcast_in_dim3A_428 : vector<16xi1>, vector<16xi32>
    %min3A_556 = arith.minsi %min3A_551, %select_n3A_555 : vector<16xi32>
    %add3A_557 = arith.addf %max3A_435, %max3A_516 : vector<16xf32>
    %div3A_558 = arith.divf %max3A_435, %add3A_557 : vector<16xf32>
    %div3A_559 = arith.divf %max3A_516, %add3A_557 : vector<16xf32>
    %broadcast_in_dim3A_560 = arith.constant 0.000000e+00 : f32
    %broadcast_in_dim3A_561 = vector.broadcast %broadcast_in_dim3A_560 : f32 to vector<16xf32>
    %broadcast_in_dim3A_562 = arith.constant 1.000000e+00 : f32
    %broadcast_in_dim3A_563 = vector.broadcast %broadcast_in_dim3A_562 : f32 to vector<16xf32>
    %broadcast_in_dim3A_564 = arith.constant 0 : i32
    %broadcast_in_dim3A_565 = vector.broadcast %broadcast_in_dim3A_564 : i32 to vector<16xi32>
    %eq3A_566 = arith.cmpi eq, %broadcast_in_dim3A_565, %min3A_475 : vector<16xi32>
    %eq3A_567 = arith.cmpi eq, %broadcast_in_dim3A_565, %min3A_556 : vector<16xi32>
    %select_n3A_568 = arith.select %eq3A_566, %div3A_558, %broadcast_in_dim3A_561 : vector<16xi1>, vector<16xf32>
    %select_n3A_569 = arith.select %eq3A_567, %div3A_559, %broadcast_in_dim3A_561 : vector<16xi1>, vector<16xf32>
    %add3A_570 = arith.addf %select_n3A_568, %select_n3A_569 : vector<16xf32>
    %swap3A_571 = arith.constant 16 : index
    %swap3A_572 = tpu.vector_load %arg7[%swap3A_571] {strides = array<i32>} : memref<512xf32, #tpu.memory_space<vmem>>, vector<16xf32>,
    %swap3A_573 = vector.shape_cast %swap3A_572 : vector<16xf32> to vector<16xf32>
    %swap3A_574 = vector.shape_cast %add3A_570 : vector<16xf32> to vector<16xf32>
    tpu.vector_store %arg7[%swap3A_571], %swap3A_574 {strides = array<i32>} : memref<512xf32, #tpu.memory_space<vmem>>, vector<16xf32>,
    %select_n3A_575 = arith.select %eq3A_566, %broadcast_in_dim3A_563, %broadcast_in_dim3A_561 : vector<16xi1>, vector<16xf32>
    %add3A_576 = arith.addf %add3A_248, %select_n3A_575 : vector<16xf32>
    %select_n3A_577 = arith.select %eq3A_567, %broadcast_in_dim3A_563, %broadcast_in_dim3A_561 : vector<16xi1>, vector<16xf32>
    %add3A_578 = arith.addf %add3A_576, %select_n3A_577 : vector<16xf32>
    %add3A_579 = arith.addf %add3A_249, %mul3A_419 : vector<16xf32>
    %broadcast_in_dim3A_580 = arith.constant 1 : i32
    %broadcast_in_dim3A_581 = vector.broadcast %broadcast_in_dim3A_580 : i32 to vector<16xi32>
    %eq3A_582 = arith.cmpi eq, %broadcast_in_dim3A_581, %min3A_475 : vector<16xi32>
    %eq3A_583 = arith.cmpi eq, %broadcast_in_dim3A_581, %min3A_556 : vector<16xi32>
    %select_n3A_584 = arith.select %eq3A_582, %div3A_558, %broadcast_in_dim3A_561 : vector<16xi1>, vector<16xf32>
    %select_n3A_585 = arith.select %eq3A_583, %div3A_559, %broadcast_in_dim3A_561 : vector<16xi1>, vector<16xf32>
    %add3A_586 = arith.addf %select_n3A_584, %select_n3A_585 : vector<16xf32>
    %swap3A_587 = arith.constant 80 : index
    %swap3A_588 = tpu.vector_load %arg7[%swap3A_587] {strides = array<i32>} : memref<512xf32, #tpu.memory_space<vmem>>, vector<16xf32>,
    %swap3A_589 = vector.shape_cast %swap3A_588 : vector<16xf32> to vector<16xf32>
    %swap3A_590 = vector.shape_cast %add3A_586 : vector<16xf32> to vector<16xf32>
    tpu.vector_store %arg7[%swap3A_587], %swap3A_590 {strides = array<i32>} : memref<512xf32, #tpu.memory_space<vmem>>, vector<16xf32>,
    %select_n3A_591 = arith.select %eq3A_582, %broadcast_in_dim3A_563, %broadcast_in_dim3A_561 : vector<16xi1>, vector<16xf32>
    %add3A_592 = arith.addf %add3A_264, %select_n3A_591 : vector<16xf32>
    %select_n3A_593 = arith.select %eq3A_583, %broadcast_in_dim3A_563, %broadcast_in_dim3A_561 : vector<16xi1>, vector<16xf32>
    %add3A_594 = arith.addf %add3A_592, %select_n3A_593 : vector<16xf32>
    %add3A_595 = arith.addf %add3A_265, %mul3A_420 : vector<16xf32>
    %broadcast_in_dim3A_596 = arith.constant 2 : i32
    %broadcast_in_dim3A_597 = vector.broadcast %broadcast_in_dim3A_596 : i32 to vector<16xi32>
    %eq3A_598 = arith.cmpi eq, %broadcast_in_dim3A_597, %min3A_475 : vector<16xi32>
    %eq3A_599 = arith.cmpi eq, %broadcast_in_dim3A_597, %min3A_556 : vector<16xi32>
    %select_n3A_600 = arith.select %eq3A_598, %div3A_558, %broadcast_in_dim3A_561 : vector<16xi1>, vector<16xf32>
    %select_n3A_601 = arith.select %eq3A_599, %div3A_559, %broadcast_in_dim3A_561 : vector<16xi1>, vector<16xf32>
    %add3A_602 = arith.addf %select_n3A_600, %select_n3A_601 : vector<16xf32>
    %swap3A_603 = arith.constant 144 : index
    %swap3A_604 = tpu.vector_load %arg7[%swap3A_603] {strides = array<i32>} : memref<512xf32, #tpu.memory_space<vmem>>, vector<16xf32>,
    %swap3A_605 = vector.shape_cast %swap3A_604 : vector<16xf32> to vector<16xf32>
    %swap3A_606 = vector.shape_cast %add3A_602 : vector<16xf32> to vector<16xf32>
    tpu.vector_store %arg7[%swap3A_603], %swap3A_606 {strides = array<i32>} : memref<512xf32, #tpu.memory_space<vmem>>, vector<16xf32>,
    %select_n3A_607 = arith.select %eq3A_598, %broadcast_in_dim3A_563, %broadcast_in_dim3A_561 : vector<16xi1>, vector<16xf32>
    %add3A_608 = arith.addf %add3A_280, %select_n3A_607 : vector<16xf32>
    %select_n3A_609 = arith.select %eq3A_599, %broadcast_in_dim3A_563, %broadcast_in_dim3A_561 : vector<16xi1>, vector<16xf32>
    %add3A_610 = arith.addf %add3A_608, %select_n3A_609 : vector<16xf32>
    %add3A_611 = arith.addf %add3A_281, %mul3A_421 : vector<16xf32>
    %broadcast_in_dim3A_612 = arith.constant 3 : i32
    %broadcast_in_dim3A_613 = vector.broadcast %broadcast_in_dim3A_612 : i32 to vector<16xi32>
    %eq3A_614 = arith.cmpi eq, %broadcast_in_dim3A_613, %min3A_475 : vector<16xi32>
    %eq3A_615 = arith.cmpi eq, %broadcast_in_dim3A_613, %min3A_556 : vector<16xi32>
    %select_n3A_616 = arith.select %eq3A_614, %div3A_558, %broadcast_in_dim3A_561 : vector<16xi1>, vector<16xf32>
    %select_n3A_617 = arith.select %eq3A_615, %div3A_559, %broadcast_in_dim3A_561 : vector<16xi1>, vector<16xf32>
    %add3A_618 = arith.addf %select_n3A_616, %select_n3A_617 : vector<16xf32>
    %swap3A_619 = arith.constant 208 : index
    %swap3A_620 = tpu.vector_load %arg7[%swap3A_619] {strides = array<i32>} : memref<512xf32, #tpu.memory_space<vmem>>, vector<16xf32>,
    %swap3A_621 = vector.shape_cast %swap3A_620 : vector<16xf32> to vector<16xf32>
    %swap3A_622 = vector.shape_cast %add3A_618 : vector<16xf32> to vector<16xf32>
    tpu.vector_store %arg7[%swap3A_619], %swap3A_622 {strides = array<i32>} : memref<512xf32, #tpu.memory_space<vmem>>, vector<16xf32>,
    %select_n3A_623 = arith.select %eq3A_614, %broadcast_in_dim3A_563, %broadcast_in_dim3A_561 : vector<16xi1>, vector<16xf32>
    %add3A_624 = arith.addf %add3A_296, %select_n3A_623 : vector<16xf32>
    %select_n3A_625 = arith.select %eq3A_615, %broadcast_in_dim3A_563, %broadcast_in_dim3A_561 : vector<16xi1>, vector<16xf32>
    %add3A_626 = arith.addf %add3A_624, %select_n3A_625 : vector<16xf32>
    %add3A_627 = arith.addf %add3A_297, %mul3A_422 : vector<16xf32>
    %broadcast_in_dim3A_628 = arith.constant 4 : i32
    %broadcast_in_dim3A_629 = vector.broadcast %broadcast_in_dim3A_628 : i32 to vector<16xi32>
    %eq3A_630 = arith.cmpi eq, %broadcast_in_dim3A_629, %min3A_475 : vector<16xi32>
    %eq3A_631 = arith.cmpi eq, %broadcast_in_dim3A_629, %min3A_556 : vector<16xi32>
    %select_n3A_632 = arith.select %eq3A_630, %div3A_558, %broadcast_in_dim3A_561 : vector<16xi1>, vector<16xf32>
    %select_n3A_633 = arith.select %eq3A_631, %div3A_559, %broadcast_in_dim3A_561 : vector<16xi1>, vector<16xf32>
    %add3A_634 = arith.addf %select_n3A_632, %select_n3A_633 : vector<16xf32>
    %swap3A_635 = arith.constant 272 : index
    %swap3A_636 = tpu.vector_load %arg7[%swap3A_635] {strides = array<i32>} : memref<512xf32, #tpu.memory_space<vmem>>, vector<16xf32>,
    %swap3A_637 = vector.shape_cast %swap3A_636 : vector<16xf32> to vector<16xf32>
    %swap3A_638 = vector.shape_cast %add3A_634 : vector<16xf32> to vector<16xf32>
    tpu.vector_store %arg7[%swap3A_635], %swap3A_638 {strides = array<i32>} : memref<512xf32, #tpu.memory_space<vmem>>, vector<16xf32>,
    %select_n3A_639 = arith.select %eq3A_630, %broadcast_in_dim3A_563, %broadcast_in_dim3A_561 : vector<16xi1>, vector<16xf32>
    %add3A_640 = arith.addf %add3A_312, %select_n3A_639 : vector<16xf32>
    %select_n3A_641 = arith.select %eq3A_631, %broadcast_in_dim3A_563, %broadcast_in_dim3A_561 : vector<16xi1>, vector<16xf32>
    %add3A_642 = arith.addf %add3A_640, %select_n3A_641 : vector<16xf32>
    %add3A_643 = arith.addf %add3A_313, %mul3A_423 : vector<16xf32>
    %broadcast_in_dim3A_644 = arith.constant 5 : i32
    %broadcast_in_dim3A_645 = vector.broadcast %broadcast_in_dim3A_644 : i32 to vector<16xi32>
    %eq3A_646 = arith.cmpi eq, %broadcast_in_dim3A_645, %min3A_475 : vector<16xi32>
    %eq3A_647 = arith.cmpi eq, %broadcast_in_dim3A_645, %min3A_556 : vector<16xi32>
    %select_n3A_648 = arith.select %eq3A_646, %div3A_558, %broadcast_in_dim3A_561 : vector<16xi1>, vector<16xf32>
    %select_n3A_649 = arith.select %eq3A_647, %div3A_559, %broadcast_in_dim3A_561 : vector<16xi1>, vector<16xf32>
    %add3A_650 = arith.addf %select_n3A_648, %select_n3A_649 : vector<16xf32>
    %swap3A_651 = arith.constant 336 : index
    %swap3A_652 = tpu.vector_load %arg7[%swap3A_651] {strides = array<i32>} : memref<512xf32, #tpu.memory_space<vmem>>, vector<16xf32>,
    %swap3A_653 = vector.shape_cast %swap3A_652 : vector<16xf32> to vector<16xf32>
    %swap3A_654 = vector.shape_cast %add3A_650 : vector<16xf32> to vector<16xf32>
    tpu.vector_store %arg7[%swap3A_651], %swap3A_654 {strides = array<i32>} : memref<512xf32, #tpu.memory_space<vmem>>, vector<16xf32>,
    %select_n3A_655 = arith.select %eq3A_646, %broadcast_in_dim3A_563, %broadcast_in_dim3A_561 : vector<16xi1>, vector<16xf32>
    %add3A_656 = arith.addf %add3A_328, %select_n3A_655 : vector<16xf32>
    %select_n3A_657 = arith.select %eq3A_647, %broadcast_in_dim3A_563, %broadcast_in_dim3A_561 : vector<16xi1>, vector<16xf32>
    %add3A_658 = arith.addf %add3A_656, %select_n3A_657 : vector<16xf32>
    %add3A_659 = arith.addf %add3A_329, %mul3A_424 : vector<16xf32>
    %broadcast_in_dim3A_660 = arith.constant 6 : i32
    %broadcast_in_dim3A_661 = vector.broadcast %broadcast_in_dim3A_660 : i32 to vector<16xi32>
    %eq3A_662 = arith.cmpi eq, %broadcast_in_dim3A_661, %min3A_475 : vector<16xi32>
    %eq3A_663 = arith.cmpi eq, %broadcast_in_dim3A_661, %min3A_556 : vector<16xi32>
    %select_n3A_664 = arith.select %eq3A_662, %div3A_558, %broadcast_in_dim3A_561 : vector<16xi1>, vector<16xf32>
    %select_n3A_665 = arith.select %eq3A_663, %div3A_559, %broadcast_in_dim3A_561 : vector<16xi1>, vector<16xf32>
    %add3A_666 = arith.addf %select_n3A_664, %select_n3A_665 : vector<16xf32>
    %swap3A_667 = arith.constant 400 : index
    %swap3A_668 = tpu.vector_load %arg7[%swap3A_667] {strides = array<i32>} : memref<512xf32, #tpu.memory_space<vmem>>, vector<16xf32>,
    %swap3A_669 = vector.shape_cast %swap3A_668 : vector<16xf32> to vector<16xf32>
    %swap3A_670 = vector.shape_cast %add3A_666 : vector<16xf32> to vector<16xf32>
    tpu.vector_store %arg7[%swap3A_667], %swap3A_670 {strides = array<i32>} : memref<512xf32, #tpu.memory_space<vmem>>, vector<16xf32>,
    %select_n3A_671 = arith.select %eq3A_662, %broadcast_in_dim3A_563, %broadcast_in_dim3A_561 : vector<16xi1>, vector<16xf32>
    %add3A_672 = arith.addf %add3A_344, %select_n3A_671 : vector<16xf32>
    %select_n3A_673 = arith.select %eq3A_663, %broadcast_in_dim3A_563, %broadcast_in_dim3A_561 : vector<16xi1>, vector<16xf32>
    %add3A_674 = arith.addf %add3A_672, %select_n3A_673 : vector<16xf32>
    %add3A_675 = arith.addf %add3A_345, %mul3A_425 : vector<16xf32>
    %broadcast_in_dim3A_676 = arith.constant 7 : i32
    %broadcast_in_dim3A_677 = vector.broadcast %broadcast_in_dim3A_676 : i32 to vector<16xi32>
    %eq3A_678 = arith.cmpi eq, %broadcast_in_dim3A_677, %min3A_475 : vector<16xi32>
    %eq3A_679 = arith.cmpi eq, %broadcast_in_dim3A_677, %min3A_556 : vector<16xi32>
    %select_n3A_680 = arith.select %eq3A_678, %div3A_558, %broadcast_in_dim3A_561 : vector<16xi1>, vector<16xf32>
    %select_n3A_681 = arith.select %eq3A_679, %div3A_559, %broadcast_in_dim3A_561 : vector<16xi1>, vector<16xf32>
    %add3A_682 = arith.addf %select_n3A_680, %select_n3A_681 : vector<16xf32>
    %swap3A_683 = arith.constant 464 : index
    %swap3A_684 = tpu.vector_load %arg7[%swap3A_683] {strides = array<i32>} : memref<512xf32, #tpu.memory_space<vmem>>, vector<16xf32>,
    %swap3A_685 = vector.shape_cast %swap3A_684 : vector<16xf32> to vector<16xf32>
    %swap3A_686 = vector.shape_cast %add3A_682 : vector<16xf32> to vector<16xf32>
    tpu.vector_store %arg7[%swap3A_683], %swap3A_686 {strides = array<i32>} : memref<512xf32, #tpu.memory_space<vmem>>, vector<16xf32>,
    %select_n3A_687 = arith.select %eq3A_678, %broadcast_in_dim3A_563, %broadcast_in_dim3A_561 : vector<16xi1>, vector<16xf32>
    %add3A_688 = arith.addf %add3A_360, %select_n3A_687 : vector<16xf32>
    %select_n3A_689 = arith.select %eq3A_679, %broadcast_in_dim3A_563, %broadcast_in_dim3A_561 : vector<16xi1>, vector<16xf32>
    %add3A_690 = arith.addf %add3A_688, %select_n3A_689 : vector<16xf32>
    %add3A_691 = arith.addf %add3A_361, %mul3A_426 : vector<16xf32>
    %get3A_692 = arith.constant 32 : index
    %get3A_693 = tpu.vector_load %arg6[%get3A_692] {strides = array<i32>} : memref<512xf32, #tpu.memory_space<vmem>>, vector<16xf32>,
    %get3A_694 = vector.shape_cast %get3A_693 : vector<16xf32> to vector<16xf32>
    %get3A_695 = arith.constant 96 : index
    %get3A_696 = tpu.vector_load %arg6[%get3A_695] {strides = array<i32>} : memref<512xf32, #tpu.memory_space<vmem>>, vector<16xf32>,
    %get3A_697 = vector.shape_cast %get3A_696 : vector<16xf32> to vector<16xf32>
    %get3A_698 = arith.constant 160 : index
    %get3A_699 = tpu.vector_load %arg6[%get3A_698] {strides = array<i32>} : memref<512xf32, #tpu.memory_space<vmem>>, vector<16xf32>,
    %get3A_700 = vector.shape_cast %get3A_699 : vector<16xf32> to vector<16xf32>
    %get3A_701 = arith.constant 224 : index
    %get3A_702 = tpu.vector_load %arg6[%get3A_701] {strides = array<i32>} : memref<512xf32, #tpu.memory_space<vmem>>, vector<16xf32>,
    %get3A_703 = vector.shape_cast %get3A_702 : vector<16xf32> to vector<16xf32>
    %get3A_704 = arith.constant 288 : index
    %get3A_705 = tpu.vector_load %arg6[%get3A_704] {strides = array<i32>} : memref<512xf32, #tpu.memory_space<vmem>>, vector<16xf32>,
    %get3A_706 = vector.shape_cast %get3A_705 : vector<16xf32> to vector<16xf32>
    %get3A_707 = arith.constant 352 : index
    %get3A_708 = tpu.vector_load %arg6[%get3A_707] {strides = array<i32>} : memref<512xf32, #tpu.memory_space<vmem>>, vector<16xf32>,
    %get3A_709 = vector.shape_cast %get3A_708 : vector<16xf32> to vector<16xf32>
    %get3A_710 = arith.constant 416 : index
    %get3A_711 = tpu.vector_load %arg6[%get3A_710] {strides = array<i32>} : memref<512xf32, #tpu.memory_space<vmem>>, vector<16xf32>,
    %get3A_712 = vector.shape_cast %get3A_711 : vector<16xf32> to vector<16xf32>
    %get3A_713 = arith.constant 480 : index
    %get3A_714 = tpu.vector_load %arg6[%get3A_713] {strides = array<i32>} : memref<512xf32, #tpu.memory_space<vmem>>, vector<16xf32>,
    %get3A_715 = vector.shape_cast %get3A_714 : vector<16xf32> to vector<16xf32>
    %max3A_716 = arith.maximumf %get3A_694, %get3A_697 : vector<16xf32>
    %max3A_717 = arith.maximumf %max3A_716, %get3A_700 : vector<16xf32>
    %max3A_718 = arith.maximumf %max3A_717, %get3A_703 : vector<16xf32>
    %max3A_719 = arith.maximumf %max3A_718, %get3A_706 : vector<16xf32>
    %max3A_720 = arith.maximumf %max3A_719, %get3A_709 : vector<16xf32>
    %max3A_721 = arith.maximumf %max3A_720, %get3A_712 : vector<16xf32>
    %max3A_722 = arith.maximumf %max3A_721, %get3A_715 : vector<16xf32>
    %sub3A_723 = arith.subf %get3A_694, %max3A_722 : vector<16xf32>
    %exp3A_724 = math.exp %sub3A_723 : vector<16xf32>
    %sub3A_725 = arith.subf %get3A_697, %max3A_722 : vector<16xf32>
    %exp3A_726 = math.exp %sub3A_725 : vector<16xf32>
    %sub3A_727 = arith.subf %get3A_700, %max3A_722 : vector<16xf32>
    %exp3A_728 = math.exp %sub3A_727 : vector<16xf32>
    %sub3A_729 = arith.subf %get3A_703, %max3A_722 : vector<16xf32>
    %exp3A_730 = math.exp %sub3A_729 : vector<16xf32>
    %sub3A_731 = arith.subf %get3A_706, %max3A_722 : vector<16xf32>
    %exp3A_732 = math.exp %sub3A_731 : vector<16xf32>
    %sub3A_733 = arith.subf %get3A_709, %max3A_722 : vector<16xf32>
    %exp3A_734 = math.exp %sub3A_733 : vector<16xf32>
    %sub3A_735 = arith.subf %get3A_712, %max3A_722 : vector<16xf32>
    %exp3A_736 = math.exp %sub3A_735 : vector<16xf32>
    %sub3A_737 = arith.subf %get3A_715, %max3A_722 : vector<16xf32>
    %exp3A_738 = math.exp %sub3A_737 : vector<16xf32>
    %add3A_739 = arith.addf %exp3A_724, %exp3A_726 : vector<16xf32>
    %add3A_740 = arith.addf %add3A_739, %exp3A_728 : vector<16xf32>
    %add3A_741 = arith.addf %add3A_740, %exp3A_730 : vector<16xf32>
    %add3A_742 = arith.addf %add3A_741, %exp3A_732 : vector<16xf32>
    %add3A_743 = arith.addf %add3A_742, %exp3A_734 : vector<16xf32>
    %add3A_744 = arith.addf %add3A_743, %exp3A_736 : vector<16xf32>
    %add3A_745 = arith.addf %add3A_744, %exp3A_738 : vector<16xf32>
    %div3A_746 = arith.constant 1.000000e+00 : f32
    %div3A_747 = vector.broadcast %div3A_746 : f32 to vector<16xf32>
    %div3A_748 = arith.divf %div3A_747, %add3A_745 : vector<16xf32>
    %mul3A_749 = arith.mulf %exp3A_724, %div3A_748 : vector<16xf32>
    %mul3A_750 = arith.mulf %exp3A_726, %div3A_748 : vector<16xf32>
    %mul3A_751 = arith.mulf %exp3A_728, %div3A_748 : vector<16xf32>
    %mul3A_752 = arith.mulf %exp3A_730, %div3A_748 : vector<16xf32>
    %mul3A_753 = arith.mulf %exp3A_732, %div3A_748 : vector<16xf32>
    %mul3A_754 = arith.mulf %exp3A_734, %div3A_748 : vector<16xf32>
    %mul3A_755 = arith.mulf %exp3A_736, %div3A_748 : vector<16xf32>
    %mul3A_756 = arith.mulf %exp3A_738, %div3A_748 : vector<16xf32>
    %broadcast_in_dim3A_757 = arith.constant 8 : i32
    %broadcast_in_dim3A_758 = vector.broadcast %broadcast_in_dim3A_757 : i32 to vector<16xi32>
    %max3A_759 = arith.maximumf %mul3A_749, %mul3A_750 : vector<16xf32>
    %max3A_760 = arith.maximumf %max3A_759, %mul3A_751 : vector<16xf32>
    %max3A_761 = arith.maximumf %max3A_760, %mul3A_752 : vector<16xf32>
    %max3A_762 = arith.maximumf %max3A_761, %mul3A_753 : vector<16xf32>
    %max3A_763 = arith.maximumf %max3A_762, %mul3A_754 : vector<16xf32>
    %max3A_764 = arith.maximumf %max3A_763, %mul3A_755 : vector<16xf32>
    %max3A_765 = arith.maximumf %max3A_764, %mul3A_756 : vector<16xf32>
    %broadcast_in_dim3A_766 = arith.constant 0 : i32
    %broadcast_in_dim3A_767 = vector.broadcast %broadcast_in_dim3A_766 : i32 to vector<16xi32>
    %eq3A_768 = arith.cmpf oeq, %mul3A_749, %max3A_765 : vector<16xf32>
    %select_n3A_769 = arith.select %eq3A_768, %broadcast_in_dim3A_767, %broadcast_in_dim3A_758 : vector<16xi1>, vector<16xi32>
    %min3A_770 = arith.minsi %broadcast_in_dim3A_758, %select_n3A_769 : vector<16xi32>
    %broadcast_in_dim3A_771 = arith.constant 1 : i32
    %broadcast_in_dim3A_772 = vector.broadcast %broadcast_in_dim3A_771 : i32 to vector<16xi32>
    %eq3A_773 = arith.cmpf oeq, %mul3A_750, %max3A_765 : vector<16xf32>
    %select_n3A_774 = arith.select %eq3A_773, %broadcast_in_dim3A_772, %broadcast_in_dim3A_758 : vector<16xi1>, vector<16xi32>
    %min3A_775 = arith.minsi %min3A_770, %select_n3A_774 : vector<16xi32>
    %broadcast_in_dim3A_776 = arith.constant 2 : i32
    %broadcast_in_dim3A_777 = vector.broadcast %broadcast_in_dim3A_776 : i32 to vector<16xi32>
    %eq3A_778 = arith.cmpf oeq, %mul3A_751, %max3A_765 : vector<16xf32>
    %select_n3A_779 = arith.select %eq3A_778, %broadcast_in_dim3A_777, %broadcast_in_dim3A_758 : vector<16xi1>, vector<16xi32>
    %min3A_780 = arith.minsi %min3A_775, %select_n3A_779 : vector<16xi32>
    %broadcast_in_dim3A_781 = arith.constant 3 : i32
    %broadcast_in_dim3A_782 = vector.broadcast %broadcast_in_dim3A_781 : i32 to vector<16xi32>
    %eq3A_783 = arith.cmpf oeq, %mul3A_752, %max3A_765 : vector<16xf32>
    %select_n3A_784 = arith.select %eq3A_783, %broadcast_in_dim3A_782, %broadcast_in_dim3A_758 : vector<16xi1>, vector<16xi32>
    %min3A_785 = arith.minsi %min3A_780, %select_n3A_784 : vector<16xi32>
    %broadcast_in_dim3A_786 = arith.constant 4 : i32
    %broadcast_in_dim3A_787 = vector.broadcast %broadcast_in_dim3A_786 : i32 to vector<16xi32>
    %eq3A_788 = arith.cmpf oeq, %mul3A_753, %max3A_765 : vector<16xf32>
    %select_n3A_789 = arith.select %eq3A_788, %broadcast_in_dim3A_787, %broadcast_in_dim3A_758 : vector<16xi1>, vector<16xi32>
    %min3A_790 = arith.minsi %min3A_785, %select_n3A_789 : vector<16xi32>
    %broadcast_in_dim3A_791 = arith.constant 5 : i32
    %broadcast_in_dim3A_792 = vector.broadcast %broadcast_in_dim3A_791 : i32 to vector<16xi32>
    %eq3A_793 = arith.cmpf oeq, %mul3A_754, %max3A_765 : vector<16xf32>
    %select_n3A_794 = arith.select %eq3A_793, %broadcast_in_dim3A_792, %broadcast_in_dim3A_758 : vector<16xi1>, vector<16xi32>
    %min3A_795 = arith.minsi %min3A_790, %select_n3A_794 : vector<16xi32>
    %broadcast_in_dim3A_796 = arith.constant 6 : i32
    %broadcast_in_dim3A_797 = vector.broadcast %broadcast_in_dim3A_796 : i32 to vector<16xi32>
    %eq3A_798 = arith.cmpf oeq, %mul3A_755, %max3A_765 : vector<16xf32>
    %select_n3A_799 = arith.select %eq3A_798, %broadcast_in_dim3A_797, %broadcast_in_dim3A_758 : vector<16xi1>, vector<16xi32>
    %min3A_800 = arith.minsi %min3A_795, %select_n3A_799 : vector<16xi32>
    %broadcast_in_dim3A_801 = arith.constant 7 : i32
    %broadcast_in_dim3A_802 = vector.broadcast %broadcast_in_dim3A_801 : i32 to vector<16xi32>
    %eq3A_803 = arith.cmpf oeq, %mul3A_756, %max3A_765 : vector<16xf32>
    %select_n3A_804 = arith.select %eq3A_803, %broadcast_in_dim3A_802, %broadcast_in_dim3A_758 : vector<16xi1>, vector<16xi32>
    %min3A_805 = arith.minsi %min3A_800, %select_n3A_804 : vector<16xi32>
    %broadcast_in_dim3A_806 = arith.constant 0xFF800000 : f32
    %broadcast_in_dim3A_807 = vector.broadcast %broadcast_in_dim3A_806 : f32 to vector<16xf32>
    %broadcast_in_dim3A_808 = arith.constant 0 : i32
    %broadcast_in_dim3A_809 = vector.broadcast %broadcast_in_dim3A_808 : i32 to vector<16xi32>
    %eq3A_810 = arith.cmpi eq, %broadcast_in_dim3A_809, %min3A_805 : vector<16xi32>
    %select_n3A_811 = arith.select %eq3A_810, %broadcast_in_dim3A_807, %mul3A_749 : vector<16xi1>, vector<16xf32>
    %broadcast_in_dim3A_812 = arith.constant 1 : i32
    %broadcast_in_dim3A_813 = vector.broadcast %broadcast_in_dim3A_812 : i32 to vector<16xi32>
    %eq3A_814 = arith.cmpi eq, %broadcast_in_dim3A_813, %min3A_805 : vector<16xi32>
    %select_n3A_815 = arith.select %eq3A_814, %broadcast_in_dim3A_807, %mul3A_750 : vector<16xi1>, vector<16xf32>
    %broadcast_in_dim3A_816 = arith.constant 2 : i32
    %broadcast_in_dim3A_817 = vector.broadcast %broadcast_in_dim3A_816 : i32 to vector<16xi32>
    %eq3A_818 = arith.cmpi eq, %broadcast_in_dim3A_817, %min3A_805 : vector<16xi32>
    %select_n3A_819 = arith.select %eq3A_818, %broadcast_in_dim3A_807, %mul3A_751 : vector<16xi1>, vector<16xf32>
    %broadcast_in_dim3A_820 = arith.constant 3 : i32
    %broadcast_in_dim3A_821 = vector.broadcast %broadcast_in_dim3A_820 : i32 to vector<16xi32>
    %eq3A_822 = arith.cmpi eq, %broadcast_in_dim3A_821, %min3A_805 : vector<16xi32>
    %select_n3A_823 = arith.select %eq3A_822, %broadcast_in_dim3A_807, %mul3A_752 : vector<16xi1>, vector<16xf32>
    %broadcast_in_dim3A_824 = arith.constant 4 : i32
    %broadcast_in_dim3A_825 = vector.broadcast %broadcast_in_dim3A_824 : i32 to vector<16xi32>
    %eq3A_826 = arith.cmpi eq, %broadcast_in_dim3A_825, %min3A_805 : vector<16xi32>
    %select_n3A_827 = arith.select %eq3A_826, %broadcast_in_dim3A_807, %mul3A_753 : vector<16xi1>, vector<16xf32>
    %broadcast_in_dim3A_828 = arith.constant 5 : i32
    %broadcast_in_dim3A_829 = vector.broadcast %broadcast_in_dim3A_828 : i32 to vector<16xi32>
    %eq3A_830 = arith.cmpi eq, %broadcast_in_dim3A_829, %min3A_805 : vector<16xi32>
    %select_n3A_831 = arith.select %eq3A_830, %broadcast_in_dim3A_807, %mul3A_754 : vector<16xi1>, vector<16xf32>
    %broadcast_in_dim3A_832 = arith.constant 6 : i32
    %broadcast_in_dim3A_833 = vector.broadcast %broadcast_in_dim3A_832 : i32 to vector<16xi32>
    %eq3A_834 = arith.cmpi eq, %broadcast_in_dim3A_833, %min3A_805 : vector<16xi32>
    %select_n3A_835 = arith.select %eq3A_834, %broadcast_in_dim3A_807, %mul3A_755 : vector<16xi1>, vector<16xf32>
    %broadcast_in_dim3A_836 = arith.constant 7 : i32
    %broadcast_in_dim3A_837 = vector.broadcast %broadcast_in_dim3A_836 : i32 to vector<16xi32>
    %eq3A_838 = arith.cmpi eq, %broadcast_in_dim3A_837, %min3A_805 : vector<16xi32>
    %select_n3A_839 = arith.select %eq3A_838, %broadcast_in_dim3A_807, %mul3A_756 : vector<16xi1>, vector<16xf32>
    %max3A_840 = arith.maximumf %select_n3A_811, %select_n3A_815 : vector<16xf32>
    %max3A_841 = arith.maximumf %max3A_840, %select_n3A_819 : vector<16xf32>
    %max3A_842 = arith.maximumf %max3A_841, %select_n3A_823 : vector<16xf32>
    %max3A_843 = arith.maximumf %max3A_842, %select_n3A_827 : vector<16xf32>
    %max3A_844 = arith.maximumf %max3A_843, %select_n3A_831 : vector<16xf32>
    %max3A_845 = arith.maximumf %max3A_844, %select_n3A_835 : vector<16xf32>
    %max3A_846 = arith.maximumf %max3A_845, %select_n3A_839 : vector<16xf32>
    %broadcast_in_dim3A_847 = arith.constant 0 : i32
    %broadcast_in_dim3A_848 = vector.broadcast %broadcast_in_dim3A_847 : i32 to vector<16xi32>
    %eq3A_849 = arith.cmpf oeq, %select_n3A_811, %max3A_846 : vector<16xf32>
    %select_n3A_850 = arith.select %eq3A_849, %broadcast_in_dim3A_848, %broadcast_in_dim3A_758 : vector<16xi1>, vector<16xi32>
    %min3A_851 = arith.minsi %broadcast_in_dim3A_758, %select_n3A_850 : vector<16xi32>
    %broadcast_in_dim3A_852 = arith.constant 1 : i32
    %broadcast_in_dim3A_853 = vector.broadcast %broadcast_in_dim3A_852 : i32 to vector<16xi32>
    %eq3A_854 = arith.cmpf oeq, %select_n3A_815, %max3A_846 : vector<16xf32>
    %select_n3A_855 = arith.select %eq3A_854, %broadcast_in_dim3A_853, %broadcast_in_dim3A_758 : vector<16xi1>, vector<16xi32>
    %min3A_856 = arith.minsi %min3A_851, %select_n3A_855 : vector<16xi32>
    %broadcast_in_dim3A_857 = arith.constant 2 : i32
    %broadcast_in_dim3A_858 = vector.broadcast %broadcast_in_dim3A_857 : i32 to vector<16xi32>
    %eq3A_859 = arith.cmpf oeq, %select_n3A_819, %max3A_846 : vector<16xf32>
    %select_n3A_860 = arith.select %eq3A_859, %broadcast_in_dim3A_858, %broadcast_in_dim3A_758 : vector<16xi1>, vector<16xi32>
    %min3A_861 = arith.minsi %min3A_856, %select_n3A_860 : vector<16xi32>
    %broadcast_in_dim3A_862 = arith.constant 3 : i32
    %broadcast_in_dim3A_863 = vector.broadcast %broadcast_in_dim3A_862 : i32 to vector<16xi32>
    %eq3A_864 = arith.cmpf oeq, %select_n3A_823, %max3A_846 : vector<16xf32>
    %select_n3A_865 = arith.select %eq3A_864, %broadcast_in_dim3A_863, %broadcast_in_dim3A_758 : vector<16xi1>, vector<16xi32>
    %min3A_866 = arith.minsi %min3A_861, %select_n3A_865 : vector<16xi32>
    %broadcast_in_dim3A_867 = arith.constant 4 : i32
    %broadcast_in_dim3A_868 = vector.broadcast %broadcast_in_dim3A_867 : i32 to vector<16xi32>
    %eq3A_869 = arith.cmpf oeq, %select_n3A_827, %max3A_846 : vector<16xf32>
    %select_n3A_870 = arith.select %eq3A_869, %broadcast_in_dim3A_868, %broadcast_in_dim3A_758 : vector<16xi1>, vector<16xi32>
    %min3A_871 = arith.minsi %min3A_866, %select_n3A_870 : vector<16xi32>
    %broadcast_in_dim3A_872 = arith.constant 5 : i32
    %broadcast_in_dim3A_873 = vector.broadcast %broadcast_in_dim3A_872 : i32 to vector<16xi32>
    %eq3A_874 = arith.cmpf oeq, %select_n3A_831, %max3A_846 : vector<16xf32>
    %select_n3A_875 = arith.select %eq3A_874, %broadcast_in_dim3A_873, %broadcast_in_dim3A_758 : vector<16xi1>, vector<16xi32>
    %min3A_876 = arith.minsi %min3A_871, %select_n3A_875 : vector<16xi32>
    %broadcast_in_dim3A_877 = arith.constant 6 : i32
    %broadcast_in_dim3A_878 = vector.broadcast %broadcast_in_dim3A_877 : i32 to vector<16xi32>
    %eq3A_879 = arith.cmpf oeq, %select_n3A_835, %max3A_846 : vector<16xf32>
    %select_n3A_880 = arith.select %eq3A_879, %broadcast_in_dim3A_878, %broadcast_in_dim3A_758 : vector<16xi1>, vector<16xi32>
    %min3A_881 = arith.minsi %min3A_876, %select_n3A_880 : vector<16xi32>
    %broadcast_in_dim3A_882 = arith.constant 7 : i32
    %broadcast_in_dim3A_883 = vector.broadcast %broadcast_in_dim3A_882 : i32 to vector<16xi32>
    %eq3A_884 = arith.cmpf oeq, %select_n3A_839, %max3A_846 : vector<16xf32>
    %select_n3A_885 = arith.select %eq3A_884, %broadcast_in_dim3A_883, %broadcast_in_dim3A_758 : vector<16xi1>, vector<16xi32>
    %min3A_886 = arith.minsi %min3A_881, %select_n3A_885 : vector<16xi32>
    %add3A_887 = arith.addf %max3A_765, %max3A_846 : vector<16xf32>
    %div3A_888 = arith.divf %max3A_765, %add3A_887 : vector<16xf32>
    %div3A_889 = arith.divf %max3A_846, %add3A_887 : vector<16xf32>
    %broadcast_in_dim3A_890 = arith.constant 0.000000e+00 : f32
    %broadcast_in_dim3A_891 = vector.broadcast %broadcast_in_dim3A_890 : f32 to vector<16xf32>
    %broadcast_in_dim3A_892 = arith.constant 1.000000e+00 : f32
    %broadcast_in_dim3A_893 = vector.broadcast %broadcast_in_dim3A_892 : f32 to vector<16xf32>
    %broadcast_in_dim3A_894 = arith.constant 0 : i32
    %broadcast_in_dim3A_895 = vector.broadcast %broadcast_in_dim3A_894 : i32 to vector<16xi32>
    %eq3A_896 = arith.cmpi eq, %broadcast_in_dim3A_895, %min3A_805 : vector<16xi32>
    %eq3A_897 = arith.cmpi eq, %broadcast_in_dim3A_895, %min3A_886 : vector<16xi32>
    %select_n3A_898 = arith.select %eq3A_896, %div3A_888, %broadcast_in_dim3A_891 : vector<16xi1>, vector<16xf32>
    %select_n3A_899 = arith.select %eq3A_897, %div3A_889, %broadcast_in_dim3A_891 : vector<16xi1>, vector<16xf32>
    %add3A_900 = arith.addf %select_n3A_898, %select_n3A_899 : vector<16xf32>
    %swap3A_901 = arith.constant 32 : index
    %swap3A_902 = tpu.vector_load %arg7[%swap3A_901] {strides = array<i32>} : memref<512xf32, #tpu.memory_space<vmem>>, vector<16xf32>,
    %swap3A_903 = vector.shape_cast %swap3A_902 : vector<16xf32> to vector<16xf32>
    %swap3A_904 = vector.shape_cast %add3A_900 : vector<16xf32> to vector<16xf32>
    tpu.vector_store %arg7[%swap3A_901], %swap3A_904 {strides = array<i32>} : memref<512xf32, #tpu.memory_space<vmem>>, vector<16xf32>,
    %select_n3A_905 = arith.select %eq3A_896, %broadcast_in_dim3A_893, %broadcast_in_dim3A_891 : vector<16xi1>, vector<16xf32>
    %add3A_906 = arith.addf %add3A_578, %select_n3A_905 : vector<16xf32>
    %select_n3A_907 = arith.select %eq3A_897, %broadcast_in_dim3A_893, %broadcast_in_dim3A_891 : vector<16xi1>, vector<16xf32>
    %add3A_908 = arith.addf %add3A_906, %select_n3A_907 : vector<16xf32>
    %add3A_909 = arith.addf %add3A_579, %mul3A_749 : vector<16xf32>
    %broadcast_in_dim3A_910 = arith.constant 1 : i32
    %broadcast_in_dim3A_911 = vector.broadcast %broadcast_in_dim3A_910 : i32 to vector<16xi32>
    %eq3A_912 = arith.cmpi eq, %broadcast_in_dim3A_911, %min3A_805 : vector<16xi32>
    %eq3A_913 = arith.cmpi eq, %broadcast_in_dim3A_911, %min3A_886 : vector<16xi32>
    %select_n3A_914 = arith.select %eq3A_912, %div3A_888, %broadcast_in_dim3A_891 : vector<16xi1>, vector<16xf32>
    %select_n3A_915 = arith.select %eq3A_913, %div3A_889, %broadcast_in_dim3A_891 : vector<16xi1>, vector<16xf32>
    %add3A_916 = arith.addf %select_n3A_914, %select_n3A_915 : vector<16xf32>
    %swap3A_917 = arith.constant 96 : index
    %swap3A_918 = tpu.vector_load %arg7[%swap3A_917] {strides = array<i32>} : memref<512xf32, #tpu.memory_space<vmem>>, vector<16xf32>,
    %swap3A_919 = vector.shape_cast %swap3A_918 : vector<16xf32> to vector<16xf32>
    %swap3A_920 = vector.shape_cast %add3A_916 : vector<16xf32> to vector<16xf32>
    tpu.vector_store %arg7[%swap3A_917], %swap3A_920 {strides = array<i32>} : memref<512xf32, #tpu.memory_space<vmem>>, vector<16xf32>,
    %select_n3A_921 = arith.select %eq3A_912, %broadcast_in_dim3A_893, %broadcast_in_dim3A_891 : vector<16xi1>, vector<16xf32>
    %add3A_922 = arith.addf %add3A_594, %select_n3A_921 : vector<16xf32>
    %select_n3A_923 = arith.select %eq3A_913, %broadcast_in_dim3A_893, %broadcast_in_dim3A_891 : vector<16xi1>, vector<16xf32>
    %add3A_924 = arith.addf %add3A_922, %select_n3A_923 : vector<16xf32>
    %add3A_925 = arith.addf %add3A_595, %mul3A_750 : vector<16xf32>
    %broadcast_in_dim3A_926 = arith.constant 2 : i32
    %broadcast_in_dim3A_927 = vector.broadcast %broadcast_in_dim3A_926 : i32 to vector<16xi32>
    %eq3A_928 = arith.cmpi eq, %broadcast_in_dim3A_927, %min3A_805 : vector<16xi32>
    %eq3A_929 = arith.cmpi eq, %broadcast_in_dim3A_927, %min3A_886 : vector<16xi32>
    %select_n3A_930 = arith.select %eq3A_928, %div3A_888, %broadcast_in_dim3A_891 : vector<16xi1>, vector<16xf32>
    %select_n3A_931 = arith.select %eq3A_929, %div3A_889, %broadcast_in_dim3A_891 : vector<16xi1>, vector<16xf32>
    %add3A_932 = arith.addf %select_n3A_930, %select_n3A_931 : vector<16xf32>
    %swap3A_933 = arith.constant 160 : index
    %swap3A_934 = tpu.vector_load %arg7[%swap3A_933] {strides = array<i32>} : memref<512xf32, #tpu.memory_space<vmem>>, vector<16xf32>,
    %swap3A_935 = vector.shape_cast %swap3A_934 : vector<16xf32> to vector<16xf32>
    %swap3A_936 = vector.shape_cast %add3A_932 : vector<16xf32> to vector<16xf32>
    tpu.vector_store %arg7[%swap3A_933], %swap3A_936 {strides = array<i32>} : memref<512xf32, #tpu.memory_space<vmem>>, vector<16xf32>,
    %select_n3A_937 = arith.select %eq3A_928, %broadcast_in_dim3A_893, %broadcast_in_dim3A_891 : vector<16xi1>, vector<16xf32>
    %add3A_938 = arith.addf %add3A_610, %select_n3A_937 : vector<16xf32>
    %select_n3A_939 = arith.select %eq3A_929, %broadcast_in_dim3A_893, %broadcast_in_dim3A_891 : vector<16xi1>, vector<16xf32>
    %add3A_940 = arith.addf %add3A_938, %select_n3A_939 : vector<16xf32>
    %add3A_941 = arith.addf %add3A_611, %mul3A_751 : vector<16xf32>
    %broadcast_in_dim3A_942 = arith.constant 3 : i32
    %broadcast_in_dim3A_943 = vector.broadcast %broadcast_in_dim3A_942 : i32 to vector<16xi32>
    %eq3A_944 = arith.cmpi eq, %broadcast_in_dim3A_943, %min3A_805 : vector<16xi32>
    %eq3A_945 = arith.cmpi eq, %broadcast_in_dim3A_943, %min3A_886 : vector<16xi32>
    %select_n3A_946 = arith.select %eq3A_944, %div3A_888, %broadcast_in_dim3A_891 : vector<16xi1>, vector<16xf32>
    %select_n3A_947 = arith.select %eq3A_945, %div3A_889, %broadcast_in_dim3A_891 : vector<16xi1>, vector<16xf32>
    %add3A_948 = arith.addf %select_n3A_946, %select_n3A_947 : vector<16xf32>
    %swap3A_949 = arith.constant 224 : index
    %swap3A_950 = tpu.vector_load %arg7[%swap3A_949] {strides = array<i32>} : memref<512xf32, #tpu.memory_space<vmem>>, vector<16xf32>,
    %swap3A_951 = vector.shape_cast %swap3A_950 : vector<16xf32> to vector<16xf32>
    %swap3A_952 = vector.shape_cast %add3A_948 : vector<16xf32> to vector<16xf32>
    tpu.vector_store %arg7[%swap3A_949], %swap3A_952 {strides = array<i32>} : memref<512xf32, #tpu.memory_space<vmem>>, vector<16xf32>,
    %select_n3A_953 = arith.select %eq3A_944, %broadcast_in_dim3A_893, %broadcast_in_dim3A_891 : vector<16xi1>, vector<16xf32>
    %add3A_954 = arith.addf %add3A_626, %select_n3A_953 : vector<16xf32>
    %select_n3A_955 = arith.select %eq3A_945, %broadcast_in_dim3A_893, %broadcast_in_dim3A_891 : vector<16xi1>, vector<16xf32>
    %add3A_956 = arith.addf %add3A_954, %select_n3A_955 : vector<16xf32>
    %add3A_957 = arith.addf %add3A_627, %mul3A_752 : vector<16xf32>
    %broadcast_in_dim3A_958 = arith.constant 4 : i32
    %broadcast_in_dim3A_959 = vector.broadcast %broadcast_in_dim3A_958 : i32 to vector<16xi32>
    %eq3A_960 = arith.cmpi eq, %broadcast_in_dim3A_959, %min3A_805 : vector<16xi32>
    %eq3A_961 = arith.cmpi eq, %broadcast_in_dim3A_959, %min3A_886 : vector<16xi32>
    %select_n3A_962 = arith.select %eq3A_960, %div3A_888, %broadcast_in_dim3A_891 : vector<16xi1>, vector<16xf32>
    %select_n3A_963 = arith.select %eq3A_961, %div3A_889, %broadcast_in_dim3A_891 : vector<16xi1>, vector<16xf32>
    %add3A_964 = arith.addf %select_n3A_962, %select_n3A_963 : vector<16xf32>
    %swap3A_965 = arith.constant 288 : index
    %swap3A_966 = tpu.vector_load %arg7[%swap3A_965] {strides = array<i32>} : memref<512xf32, #tpu.memory_space<vmem>>, vector<16xf32>,
    %swap3A_967 = vector.shape_cast %swap3A_966 : vector<16xf32> to vector<16xf32>
    %swap3A_968 = vector.shape_cast %add3A_964 : vector<16xf32> to vector<16xf32>
    tpu.vector_store %arg7[%swap3A_965], %swap3A_968 {strides = array<i32>} : memref<512xf32, #tpu.memory_space<vmem>>, vector<16xf32>,
    %select_n3A_969 = arith.select %eq3A_960, %broadcast_in_dim3A_893, %broadcast_in_dim3A_891 : vector<16xi1>, vector<16xf32>
    %add3A_970 = arith.addf %add3A_642, %select_n3A_969 : vector<16xf32>
    %select_n3A_971 = arith.select %eq3A_961, %broadcast_in_dim3A_893, %broadcast_in_dim3A_891 : vector<16xi1>, vector<16xf32>
    %add3A_972 = arith.addf %add3A_970, %select_n3A_971 : vector<16xf32>
    %add3A_973 = arith.addf %add3A_643, %mul3A_753 : vector<16xf32>
    %broadcast_in_dim3A_974 = arith.constant 5 : i32
    %broadcast_in_dim3A_975 = vector.broadcast %broadcast_in_dim3A_974 : i32 to vector<16xi32>
    %eq3A_976 = arith.cmpi eq, %broadcast_in_dim3A_975, %min3A_805 : vector<16xi32>
    %eq3A_977 = arith.cmpi eq, %broadcast_in_dim3A_975, %min3A_886 : vector<16xi32>
    %select_n3A_978 = arith.select %eq3A_976, %div3A_888, %broadcast_in_dim3A_891 : vector<16xi1>, vector<16xf32>
    %select_n3A_979 = arith.select %eq3A_977, %div3A_889, %broadcast_in_dim3A_891 : vector<16xi1>, vector<16xf32>
    %add3A_980 = arith.addf %select_n3A_978, %select_n3A_979 : vector<16xf32>
    %swap3A_981 = arith.constant 352 : index
    %swap3A_982 = tpu.vector_load %arg7[%swap3A_981] {strides = array<i32>} : memref<512xf32, #tpu.memory_space<vmem>>, vector<16xf32>,
    %swap3A_983 = vector.shape_cast %swap3A_982 : vector<16xf32> to vector<16xf32>
    %swap3A_984 = vector.shape_cast %add3A_980 : vector<16xf32> to vector<16xf32>
    tpu.vector_store %arg7[%swap3A_981], %swap3A_984 {strides = array<i32>} : memref<512xf32, #tpu.memory_space<vmem>>, vector<16xf32>,
    %select_n3A_985 = arith.select %eq3A_976, %broadcast_in_dim3A_893, %broadcast_in_dim3A_891 : vector<16xi1>, vector<16xf32>
    %add3A_986 = arith.addf %add3A_658, %select_n3A_985 : vector<16xf32>
    %select_n3A_987 = arith.select %eq3A_977, %broadcast_in_dim3A_893, %broadcast_in_dim3A_891 : vector<16xi1>, vector<16xf32>
    %add3A_988 = arith.addf %add3A_986, %select_n3A_987 : vector<16xf32>
    %add3A_989 = arith.addf %add3A_659, %mul3A_754 : vector<16xf32>
    %broadcast_in_dim3A_990 = arith.constant 6 : i32
    %broadcast_in_dim3A_991 = vector.broadcast %broadcast_in_dim3A_990 : i32 to vector<16xi32>
    %eq3A_992 = arith.cmpi eq, %broadcast_in_dim3A_991, %min3A_805 : vector<16xi32>
    %eq3A_993 = arith.cmpi eq, %broadcast_in_dim3A_991, %min3A_886 : vector<16xi32>
    %select_n3A_994 = arith.select %eq3A_992, %div3A_888, %broadcast_in_dim3A_891 : vector<16xi1>, vector<16xf32>
    %select_n3A_995 = arith.select %eq3A_993, %div3A_889, %broadcast_in_dim3A_891 : vector<16xi1>, vector<16xf32>
    %add3A_996 = arith.addf %select_n3A_994, %select_n3A_995 : vector<16xf32>
    %swap3A_997 = arith.constant 416 : index
    %swap3A_998 = tpu.vector_load %arg7[%swap3A_997] {strides = array<i32>} : memref<512xf32, #tpu.memory_space<vmem>>, vector<16xf32>,
    %swap3A_999 = vector.shape_cast %swap3A_998 : vector<16xf32> to vector<16xf32>
    %swap3A_1000 = vector.shape_cast %add3A_996 : vector<16xf32> to vector<16xf32>
    tpu.vector_store %arg7[%swap3A_997], %swap3A_1000 {strides = array<i32>} : memref<512xf32, #tpu.memory_space<vmem>>, vector<16xf32>,
    %select_n3A_1001 = arith.select %eq3A_992, %broadcast_in_dim3A_893, %broadcast_in_dim3A_891 : vector<16xi1>, vector<16xf32>
    %add3A_1002 = arith.addf %add3A_674, %select_n3A_1001 : vector<16xf32>
    %select_n3A_1003 = arith.select %eq3A_993, %broadcast_in_dim3A_893, %broadcast_in_dim3A_891 : vector<16xi1>, vector<16xf32>
    %add3A_1004 = arith.addf %add3A_1002, %select_n3A_1003 : vector<16xf32>
    %add3A_1005 = arith.addf %add3A_675, %mul3A_755 : vector<16xf32>
    %broadcast_in_dim3A_1006 = arith.constant 7 : i32
    %broadcast_in_dim3A_1007 = vector.broadcast %broadcast_in_dim3A_1006 : i32 to vector<16xi32>
    %eq3A_1008 = arith.cmpi eq, %broadcast_in_dim3A_1007, %min3A_805 : vector<16xi32>
    %eq3A_1009 = arith.cmpi eq, %broadcast_in_dim3A_1007, %min3A_886 : vector<16xi32>
    %select_n3A_1010 = arith.select %eq3A_1008, %div3A_888, %broadcast_in_dim3A_891 : vector<16xi1>, vector<16xf32>
    %select_n3A_1011 = arith.select %eq3A_1009, %div3A_889, %broadcast_in_dim3A_891 : vector<16xi1>, vector<16xf32>
    %add3A_1012 = arith.addf %select_n3A_1010, %select_n3A_1011 : vector<16xf32>
    %swap3A_1013 = arith.constant 480 : index
    %swap3A_1014 = tpu.vector_load %arg7[%swap3A_1013] {strides = array<i32>} : memref<512xf32, #tpu.memory_space<vmem>>, vector<16xf32>,
    %swap3A_1015 = vector.shape_cast %swap3A_1014 : vector<16xf32> to vector<16xf32>
    %swap3A_1016 = vector.shape_cast %add3A_1012 : vector<16xf32> to vector<16xf32>
    tpu.vector_store %arg7[%swap3A_1013], %swap3A_1016 {strides = array<i32>} : memref<512xf32, #tpu.memory_space<vmem>>, vector<16xf32>,
    %select_n3A_1017 = arith.select %eq3A_1008, %broadcast_in_dim3A_893, %broadcast_in_dim3A_891 : vector<16xi1>, vector<16xf32>
    %add3A_1018 = arith.addf %add3A_690, %select_n3A_1017 : vector<16xf32>
    %select_n3A_1019 = arith.select %eq3A_1009, %broadcast_in_dim3A_893, %broadcast_in_dim3A_891 : vector<16xi1>, vector<16xf32>
    %add3A_1020 = arith.addf %add3A_1018, %select_n3A_1019 : vector<16xf32>
    %add3A_1021 = arith.addf %add3A_691, %mul3A_756 : vector<16xf32>
    %get3A_1022 = arith.constant 48 : index
    %get3A_1023 = tpu.vector_load %arg6[%get3A_1022] {strides = array<i32>} : memref<512xf32, #tpu.memory_space<vmem>>, vector<16xf32>,
    %get3A_1024 = vector.shape_cast %get3A_1023 : vector<16xf32> to vector<16xf32>
    %get3A_1025 = arith.constant 112 : index
    %get3A_1026 = tpu.vector_load %arg6[%get3A_1025] {strides = array<i32>} : memref<512xf32, #tpu.memory_space<vmem>>, vector<16xf32>,
    %get3A_1027 = vector.shape_cast %get3A_1026 : vector<16xf32> to vector<16xf32>
    %get3A_1028 = arith.constant 176 : index
    %get3A_1029 = tpu.vector_load %arg6[%get3A_1028] {strides = array<i32>} : memref<512xf32, #tpu.memory_space<vmem>>, vector<16xf32>,
    %get3A_1030 = vector.shape_cast %get3A_1029 : vector<16xf32> to vector<16xf32>
    %get3A_1031 = arith.constant 240 : index
    %get3A_1032 = tpu.vector_load %arg6[%get3A_1031] {strides = array<i32>} : memref<512xf32, #tpu.memory_space<vmem>>, vector<16xf32>,
    %get3A_1033 = vector.shape_cast %get3A_1032 : vector<16xf32> to vector<16xf32>
    %get3A_1034 = arith.constant 304 : index
    %get3A_1035 = tpu.vector_load %arg6[%get3A_1034] {strides = array<i32>} : memref<512xf32, #tpu.memory_space<vmem>>, vector<16xf32>,
    %get3A_1036 = vector.shape_cast %get3A_1035 : vector<16xf32> to vector<16xf32>
    %get3A_1037 = arith.constant 368 : index
    %get3A_1038 = tpu.vector_load %arg6[%get3A_1037] {strides = array<i32>} : memref<512xf32, #tpu.memory_space<vmem>>, vector<16xf32>,
    %get3A_1039 = vector.shape_cast %get3A_1038 : vector<16xf32> to vector<16xf32>
    %get3A_1040 = arith.constant 432 : index
    %get3A_1041 = tpu.vector_load %arg6[%get3A_1040] {strides = array<i32>} : memref<512xf32, #tpu.memory_space<vmem>>, vector<16xf32>,
    %get3A_1042 = vector.shape_cast %get3A_1041 : vector<16xf32> to vector<16xf32>
    %get3A_1043 = arith.constant 496 : index
    %get3A_1044 = tpu.vector_load %arg6[%get3A_1043] {strides = array<i32>} : memref<512xf32, #tpu.memory_space<vmem>>, vector<16xf32>,
    %get3A_1045 = vector.shape_cast %get3A_1044 : vector<16xf32> to vector<16xf32>
    %max3A_1046 = arith.maximumf %get3A_1024, %get3A_1027 : vector<16xf32>
    %max3A_1047 = arith.maximumf %max3A_1046, %get3A_1030 : vector<16xf32>
    %max3A_1048 = arith.maximumf %max3A_1047, %get3A_1033 : vector<16xf32>
    %max3A_1049 = arith.maximumf %max3A_1048, %get3A_1036 : vector<16xf32>
    %max3A_1050 = arith.maximumf %max3A_1049, %get3A_1039 : vector<16xf32>
    %max3A_1051 = arith.maximumf %max3A_1050, %get3A_1042 : vector<16xf32>
    %max3A_1052 = arith.maximumf %max3A_1051, %get3A_1045 : vector<16xf32>
    %sub3A_1053 = arith.subf %get3A_1024, %max3A_1052 : vector<16xf32>
    %exp3A_1054 = math.exp %sub3A_1053 : vector<16xf32>
    %sub3A_1055 = arith.subf %get3A_1027, %max3A_1052 : vector<16xf32>
    %exp3A_1056 = math.exp %sub3A_1055 : vector<16xf32>
    %sub3A_1057 = arith.subf %get3A_1030, %max3A_1052 : vector<16xf32>
    %exp3A_1058 = math.exp %sub3A_1057 : vector<16xf32>
    %sub3A_1059 = arith.subf %get3A_1033, %max3A_1052 : vector<16xf32>
    %exp3A_1060 = math.exp %sub3A_1059 : vector<16xf32>
    %sub3A_1061 = arith.subf %get3A_1036, %max3A_1052 : vector<16xf32>
    %exp3A_1062 = math.exp %sub3A_1061 : vector<16xf32>
    %sub3A_1063 = arith.subf %get3A_1039, %max3A_1052 : vector<16xf32>
    %exp3A_1064 = math.exp %sub3A_1063 : vector<16xf32>
    %sub3A_1065 = arith.subf %get3A_1042, %max3A_1052 : vector<16xf32>
    %exp3A_1066 = math.exp %sub3A_1065 : vector<16xf32>
    %sub3A_1067 = arith.subf %get3A_1045, %max3A_1052 : vector<16xf32>
    %exp3A_1068 = math.exp %sub3A_1067 : vector<16xf32>
    %add3A_1069 = arith.addf %exp3A_1054, %exp3A_1056 : vector<16xf32>
    %add3A_1070 = arith.addf %add3A_1069, %exp3A_1058 : vector<16xf32>
    %add3A_1071 = arith.addf %add3A_1070, %exp3A_1060 : vector<16xf32>
    %add3A_1072 = arith.addf %add3A_1071, %exp3A_1062 : vector<16xf32>
    %add3A_1073 = arith.addf %add3A_1072, %exp3A_1064 : vector<16xf32>
    %add3A_1074 = arith.addf %add3A_1073, %exp3A_1066 : vector<16xf32>
    %add3A_1075 = arith.addf %add3A_1074, %exp3A_1068 : vector<16xf32>
    %div3A_1076 = arith.constant 1.000000e+00 : f32
    %div3A_1077 = vector.broadcast %div3A_1076 : f32 to vector<16xf32>
    %div3A_1078 = arith.divf %div3A_1077, %add3A_1075 : vector<16xf32>
    %mul3A_1079 = arith.mulf %exp3A_1054, %div3A_1078 : vector<16xf32>
    %mul3A_1080 = arith.mulf %exp3A_1056, %div3A_1078 : vector<16xf32>
    %mul3A_1081 = arith.mulf %exp3A_1058, %div3A_1078 : vector<16xf32>
    %mul3A_1082 = arith.mulf %exp3A_1060, %div3A_1078 : vector<16xf32>
    %mul3A_1083 = arith.mulf %exp3A_1062, %div3A_1078 : vector<16xf32>
    %mul3A_1084 = arith.mulf %exp3A_1064, %div3A_1078 : vector<16xf32>
    %mul3A_1085 = arith.mulf %exp3A_1066, %div3A_1078 : vector<16xf32>
    %mul3A_1086 = arith.mulf %exp3A_1068, %div3A_1078 : vector<16xf32>
    %broadcast_in_dim3A_1087 = arith.constant 8 : i32
    %broadcast_in_dim3A_1088 = vector.broadcast %broadcast_in_dim3A_1087 : i32 to vector<16xi32>
    %max3A_1089 = arith.maximumf %mul3A_1079, %mul3A_1080 : vector<16xf32>
    %max3A_1090 = arith.maximumf %max3A_1089, %mul3A_1081 : vector<16xf32>
    %max3A_1091 = arith.maximumf %max3A_1090, %mul3A_1082 : vector<16xf32>
    %max3A_1092 = arith.maximumf %max3A_1091, %mul3A_1083 : vector<16xf32>
    %max3A_1093 = arith.maximumf %max3A_1092, %mul3A_1084 : vector<16xf32>
    %max3A_1094 = arith.maximumf %max3A_1093, %mul3A_1085 : vector<16xf32>
    %max3A_1095 = arith.maximumf %max3A_1094, %mul3A_1086 : vector<16xf32>
    %broadcast_in_dim3A_1096 = arith.constant 0 : i32
    %broadcast_in_dim3A_1097 = vector.broadcast %broadcast_in_dim3A_1096 : i32 to vector<16xi32>
    %eq3A_1098 = arith.cmpf oeq, %mul3A_1079, %max3A_1095 : vector<16xf32>
    %select_n3A_1099 = arith.select %eq3A_1098, %broadcast_in_dim3A_1097, %broadcast_in_dim3A_1088 : vector<16xi1>, vector<16xi32>
    %min3A_1100 = arith.minsi %broadcast_in_dim3A_1088, %select_n3A_1099 : vector<16xi32>
    %broadcast_in_dim3A_1101 = arith.constant 1 : i32
    %broadcast_in_dim3A_1102 = vector.broadcast %broadcast_in_dim3A_1101 : i32 to vector<16xi32>
    %eq3A_1103 = arith.cmpf oeq, %mul3A_1080, %max3A_1095 : vector<16xf32>
    %select_n3A_1104 = arith.select %eq3A_1103, %broadcast_in_dim3A_1102, %broadcast_in_dim3A_1088 : vector<16xi1>, vector<16xi32>
    %min3A_1105 = arith.minsi %min3A_1100, %select_n3A_1104 : vector<16xi32>
    %broadcast_in_dim3A_1106 = arith.constant 2 : i32
    %broadcast_in_dim3A_1107 = vector.broadcast %broadcast_in_dim3A_1106 : i32 to vector<16xi32>
    %eq3A_1108 = arith.cmpf oeq, %mul3A_1081, %max3A_1095 : vector<16xf32>
    %select_n3A_1109 = arith.select %eq3A_1108, %broadcast_in_dim3A_1107, %broadcast_in_dim3A_1088 : vector<16xi1>, vector<16xi32>
    %min3A_1110 = arith.minsi %min3A_1105, %select_n3A_1109 : vector<16xi32>
    %broadcast_in_dim3A_1111 = arith.constant 3 : i32
    %broadcast_in_dim3A_1112 = vector.broadcast %broadcast_in_dim3A_1111 : i32 to vector<16xi32>
    %eq3A_1113 = arith.cmpf oeq, %mul3A_1082, %max3A_1095 : vector<16xf32>
    %select_n3A_1114 = arith.select %eq3A_1113, %broadcast_in_dim3A_1112, %broadcast_in_dim3A_1088 : vector<16xi1>, vector<16xi32>
    %min3A_1115 = arith.minsi %min3A_1110, %select_n3A_1114 : vector<16xi32>
    %broadcast_in_dim3A_1116 = arith.constant 4 : i32
    %broadcast_in_dim3A_1117 = vector.broadcast %broadcast_in_dim3A_1116 : i32 to vector<16xi32>
    %eq3A_1118 = arith.cmpf oeq, %mul3A_1083, %max3A_1095 : vector<16xf32>
    %select_n3A_1119 = arith.select %eq3A_1118, %broadcast_in_dim3A_1117, %broadcast_in_dim3A_1088 : vector<16xi1>, vector<16xi32>
    %min3A_1120 = arith.minsi %min3A_1115, %select_n3A_1119 : vector<16xi32>
    %broadcast_in_dim3A_1121 = arith.constant 5 : i32
    %broadcast_in_dim3A_1122 = vector.broadcast %broadcast_in_dim3A_1121 : i32 to vector<16xi32>
    %eq3A_1123 = arith.cmpf oeq, %mul3A_1084, %max3A_1095 : vector<16xf32>
    %select_n3A_1124 = arith.select %eq3A_1123, %broadcast_in_dim3A_1122, %broadcast_in_dim3A_1088 : vector<16xi1>, vector<16xi32>
    %min3A_1125 = arith.minsi %min3A_1120, %select_n3A_1124 : vector<16xi32>
    %broadcast_in_dim3A_1126 = arith.constant 6 : i32
    %broadcast_in_dim3A_1127 = vector.broadcast %broadcast_in_dim3A_1126 : i32 to vector<16xi32>
    %eq3A_1128 = arith.cmpf oeq, %mul3A_1085, %max3A_1095 : vector<16xf32>
    %select_n3A_1129 = arith.select %eq3A_1128, %broadcast_in_dim3A_1127, %broadcast_in_dim3A_1088 : vector<16xi1>, vector<16xi32>
    %min3A_1130 = arith.minsi %min3A_1125, %select_n3A_1129 : vector<16xi32>
    %broadcast_in_dim3A_1131 = arith.constant 7 : i32
    %broadcast_in_dim3A_1132 = vector.broadcast %broadcast_in_dim3A_1131 : i32 to vector<16xi32>
    %eq3A_1133 = arith.cmpf oeq, %mul3A_1086, %max3A_1095 : vector<16xf32>
    %select_n3A_1134 = arith.select %eq3A_1133, %broadcast_in_dim3A_1132, %broadcast_in_dim3A_1088 : vector<16xi1>, vector<16xi32>
    %min3A_1135 = arith.minsi %min3A_1130, %select_n3A_1134 : vector<16xi32>
    %broadcast_in_dim3A_1136 = arith.constant 0xFF800000 : f32
    %broadcast_in_dim3A_1137 = vector.broadcast %broadcast_in_dim3A_1136 : f32 to vector<16xf32>
    %broadcast_in_dim3A_1138 = arith.constant 0 : i32
    %broadcast_in_dim3A_1139 = vector.broadcast %broadcast_in_dim3A_1138 : i32 to vector<16xi32>
    %eq3A_1140 = arith.cmpi eq, %broadcast_in_dim3A_1139, %min3A_1135 : vector<16xi32>
    %select_n3A_1141 = arith.select %eq3A_1140, %broadcast_in_dim3A_1137, %mul3A_1079 : vector<16xi1>, vector<16xf32>
    %broadcast_in_dim3A_1142 = arith.constant 1 : i32
    %broadcast_in_dim3A_1143 = vector.broadcast %broadcast_in_dim3A_1142 : i32 to vector<16xi32>
    %eq3A_1144 = arith.cmpi eq, %broadcast_in_dim3A_1143, %min3A_1135 : vector<16xi32>
    %select_n3A_1145 = arith.select %eq3A_1144, %broadcast_in_dim3A_1137, %mul3A_1080 : vector<16xi1>, vector<16xf32>
    %broadcast_in_dim3A_1146 = arith.constant 2 : i32
    %broadcast_in_dim3A_1147 = vector.broadcast %broadcast_in_dim3A_1146 : i32 to vector<16xi32>
    %eq3A_1148 = arith.cmpi eq, %broadcast_in_dim3A_1147, %min3A_1135 : vector<16xi32>
    %select_n3A_1149 = arith.select %eq3A_1148, %broadcast_in_dim3A_1137, %mul3A_1081 : vector<16xi1>, vector<16xf32>
    %broadcast_in_dim3A_1150 = arith.constant 3 : i32
    %broadcast_in_dim3A_1151 = vector.broadcast %broadcast_in_dim3A_1150 : i32 to vector<16xi32>
    %eq3A_1152 = arith.cmpi eq, %broadcast_in_dim3A_1151, %min3A_1135 : vector<16xi32>
    %select_n3A_1153 = arith.select %eq3A_1152, %broadcast_in_dim3A_1137, %mul3A_1082 : vector<16xi1>, vector<16xf32>
    %broadcast_in_dim3A_1154 = arith.constant 4 : i32
    %broadcast_in_dim3A_1155 = vector.broadcast %broadcast_in_dim3A_1154 : i32 to vector<16xi32>
    %eq3A_1156 = arith.cmpi eq, %broadcast_in_dim3A_1155, %min3A_1135 : vector<16xi32>
    %select_n3A_1157 = arith.select %eq3A_1156, %broadcast_in_dim3A_1137, %mul3A_1083 : vector<16xi1>, vector<16xf32>
    %broadcast_in_dim3A_1158 = arith.constant 5 : i32
    %broadcast_in_dim3A_1159 = vector.broadcast %broadcast_in_dim3A_1158 : i32 to vector<16xi32>
    %eq3A_1160 = arith.cmpi eq, %broadcast_in_dim3A_1159, %min3A_1135 : vector<16xi32>
    %select_n3A_1161 = arith.select %eq3A_1160, %broadcast_in_dim3A_1137, %mul3A_1084 : vector<16xi1>, vector<16xf32>
    %broadcast_in_dim3A_1162 = arith.constant 6 : i32
    %broadcast_in_dim3A_1163 = vector.broadcast %broadcast_in_dim3A_1162 : i32 to vector<16xi32>
    %eq3A_1164 = arith.cmpi eq, %broadcast_in_dim3A_1163, %min3A_1135 : vector<16xi32>
    %select_n3A_1165 = arith.select %eq3A_1164, %broadcast_in_dim3A_1137, %mul3A_1085 : vector<16xi1>, vector<16xf32>
    %broadcast_in_dim3A_1166 = arith.constant 7 : i32
    %broadcast_in_dim3A_1167 = vector.broadcast %broadcast_in_dim3A_1166 : i32 to vector<16xi32>
    %eq3A_1168 = arith.cmpi eq, %broadcast_in_dim3A_1167, %min3A_1135 : vector<16xi32>
    %select_n3A_1169 = arith.select %eq3A_1168, %broadcast_in_dim3A_1137, %mul3A_1086 : vector<16xi1>, vector<16xf32>
    %max3A_1170 = arith.maximumf %select_n3A_1141, %select_n3A_1145 : vector<16xf32>
    %max3A_1171 = arith.maximumf %max3A_1170, %select_n3A_1149 : vector<16xf32>
    %max3A_1172 = arith.maximumf %max3A_1171, %select_n3A_1153 : vector<16xf32>
    %max3A_1173 = arith.maximumf %max3A_1172, %select_n3A_1157 : vector<16xf32>
    %max3A_1174 = arith.maximumf %max3A_1173, %select_n3A_1161 : vector<16xf32>
    %max3A_1175 = arith.maximumf %max3A_1174, %select_n3A_1165 : vector<16xf32>
    %max3A_1176 = arith.maximumf %max3A_1175, %select_n3A_1169 : vector<16xf32>
    %broadcast_in_dim3A_1177 = arith.constant 0 : i32
    %broadcast_in_dim3A_1178 = vector.broadcast %broadcast_in_dim3A_1177 : i32 to vector<16xi32>
    %eq3A_1179 = arith.cmpf oeq, %select_n3A_1141, %max3A_1176 : vector<16xf32>
    %select_n3A_1180 = arith.select %eq3A_1179, %broadcast_in_dim3A_1178, %broadcast_in_dim3A_1088 : vector<16xi1>, vector<16xi32>
    %min3A_1181 = arith.minsi %broadcast_in_dim3A_1088, %select_n3A_1180 : vector<16xi32>
    %broadcast_in_dim3A_1182 = arith.constant 1 : i32
    %broadcast_in_dim3A_1183 = vector.broadcast %broadcast_in_dim3A_1182 : i32 to vector<16xi32>
    %eq3A_1184 = arith.cmpf oeq, %select_n3A_1145, %max3A_1176 : vector<16xf32>
    %select_n3A_1185 = arith.select %eq3A_1184, %broadcast_in_dim3A_1183, %broadcast_in_dim3A_1088 : vector<16xi1>, vector<16xi32>
    %min3A_1186 = arith.minsi %min3A_1181, %select_n3A_1185 : vector<16xi32>
    %broadcast_in_dim3A_1187 = arith.constant 2 : i32
    %broadcast_in_dim3A_1188 = vector.broadcast %broadcast_in_dim3A_1187 : i32 to vector<16xi32>
    %eq3A_1189 = arith.cmpf oeq, %select_n3A_1149, %max3A_1176 : vector<16xf32>
    %select_n3A_1190 = arith.select %eq3A_1189, %broadcast_in_dim3A_1188, %broadcast_in_dim3A_1088 : vector<16xi1>, vector<16xi32>
    %min3A_1191 = arith.minsi %min3A_1186, %select_n3A_1190 : vector<16xi32>
    %broadcast_in_dim3A_1192 = arith.constant 3 : i32
    %broadcast_in_dim3A_1193 = vector.broadcast %broadcast_in_dim3A_1192 : i32 to vector<16xi32>
    %eq3A_1194 = arith.cmpf oeq, %select_n3A_1153, %max3A_1176 : vector<16xf32>
    %select_n3A_1195 = arith.select %eq3A_1194, %broadcast_in_dim3A_1193, %broadcast_in_dim3A_1088 : vector<16xi1>, vector<16xi32>
    %min3A_1196 = arith.minsi %min3A_1191, %select_n3A_1195 : vector<16xi32>
    %broadcast_in_dim3A_1197 = arith.constant 4 : i32
    %broadcast_in_dim3A_1198 = vector.broadcast %broadcast_in_dim3A_1197 : i32 to vector<16xi32>
    %eq3A_1199 = arith.cmpf oeq, %select_n3A_1157, %max3A_1176 : vector<16xf32>
    %select_n3A_1200 = arith.select %eq3A_1199, %broadcast_in_dim3A_1198, %broadcast_in_dim3A_1088 : vector<16xi1>, vector<16xi32>
    %min3A_1201 = arith.minsi %min3A_1196, %select_n3A_1200 : vector<16xi32>
    %broadcast_in_dim3A_1202 = arith.constant 5 : i32
    %broadcast_in_dim3A_1203 = vector.broadcast %broadcast_in_dim3A_1202 : i32 to vector<16xi32>
    %eq3A_1204 = arith.cmpf oeq, %select_n3A_1161, %max3A_1176 : vector<16xf32>
    %select_n3A_1205 = arith.select %eq3A_1204, %broadcast_in_dim3A_1203, %broadcast_in_dim3A_1088 : vector<16xi1>, vector<16xi32>
    %min3A_1206 = arith.minsi %min3A_1201, %select_n3A_1205 : vector<16xi32>
    %broadcast_in_dim3A_1207 = arith.constant 6 : i32
    %broadcast_in_dim3A_1208 = vector.broadcast %broadcast_in_dim3A_1207 : i32 to vector<16xi32>
    %eq3A_1209 = arith.cmpf oeq, %select_n3A_1165, %max3A_1176 : vector<16xf32>
    %select_n3A_1210 = arith.select %eq3A_1209, %broadcast_in_dim3A_1208, %broadcast_in_dim3A_1088 : vector<16xi1>, vector<16xi32>
    %min3A_1211 = arith.minsi %min3A_1206, %select_n3A_1210 : vector<16xi32>
    %broadcast_in_dim3A_1212 = arith.constant 7 : i32
    %broadcast_in_dim3A_1213 = vector.broadcast %broadcast_in_dim3A_1212 : i32 to vector<16xi32>
    %eq3A_1214 = arith.cmpf oeq, %select_n3A_1169, %max3A_1176 : vector<16xf32>
    %select_n3A_1215 = arith.select %eq3A_1214, %broadcast_in_dim3A_1213, %broadcast_in_dim3A_1088 : vector<16xi1>, vector<16xi32>
    %min3A_1216 = arith.minsi %min3A_1211, %select_n3A_1215 : vector<16xi32>
    %add3A_1217 = arith.addf %max3A_1095, %max3A_1176 : vector<16xf32>
    %div3A_1218 = arith.divf %max3A_1095, %add3A_1217 : vector<16xf32>
    %div3A_1219 = arith.divf %max3A_1176, %add3A_1217 : vector<16xf32>
    %broadcast_in_dim3A_1220 = arith.constant 0.000000e+00 : f32
    %broadcast_in_dim3A_1221 = vector.broadcast %broadcast_in_dim3A_1220 : f32 to vector<16xf32>
    %broadcast_in_dim3A_1222 = arith.constant 1.000000e+00 : f32
    %broadcast_in_dim3A_1223 = vector.broadcast %broadcast_in_dim3A_1222 : f32 to vector<16xf32>
    %broadcast_in_dim3A_1224 = arith.constant 0 : i32
    %broadcast_in_dim3A_1225 = vector.broadcast %broadcast_in_dim3A_1224 : i32 to vector<16xi32>
    %eq3A_1226 = arith.cmpi eq, %broadcast_in_dim3A_1225, %min3A_1135 : vector<16xi32>
    %eq3A_1227 = arith.cmpi eq, %broadcast_in_dim3A_1225, %min3A_1216 : vector<16xi32>
    %select_n3A_1228 = arith.select %eq3A_1226, %div3A_1218, %broadcast_in_dim3A_1221 : vector<16xi1>, vector<16xf32>
    %select_n3A_1229 = arith.select %eq3A_1227, %div3A_1219, %broadcast_in_dim3A_1221 : vector<16xi1>, vector<16xf32>
    %add3A_1230 = arith.addf %select_n3A_1228, %select_n3A_1229 : vector<16xf32>
    %swap3A_1231 = arith.constant 48 : index
    %swap3A_1232 = tpu.vector_load %arg7[%swap3A_1231] {strides = array<i32>} : memref<512xf32, #tpu.memory_space<vmem>>, vector<16xf32>,
    %swap3A_1233 = vector.shape_cast %swap3A_1232 : vector<16xf32> to vector<16xf32>
    %swap3A_1234 = vector.shape_cast %add3A_1230 : vector<16xf32> to vector<16xf32>
    tpu.vector_store %arg7[%swap3A_1231], %swap3A_1234 {strides = array<i32>} : memref<512xf32, #tpu.memory_space<vmem>>, vector<16xf32>,
    %select_n3A_1235 = arith.select %eq3A_1226, %broadcast_in_dim3A_1223, %broadcast_in_dim3A_1221 : vector<16xi1>, vector<16xf32>
    %add3A_1236 = arith.addf %add3A_908, %select_n3A_1235 : vector<16xf32>
    %select_n3A_1237 = arith.select %eq3A_1227, %broadcast_in_dim3A_1223, %broadcast_in_dim3A_1221 : vector<16xi1>, vector<16xf32>
    %add3A_1238 = arith.addf %add3A_1236, %select_n3A_1237 : vector<16xf32>
    %add3A_1239 = arith.addf %add3A_909, %mul3A_1079 : vector<16xf32>
    %broadcast_in_dim3A_1240 = arith.constant 1 : i32
    %broadcast_in_dim3A_1241 = vector.broadcast %broadcast_in_dim3A_1240 : i32 to vector<16xi32>
    %eq3A_1242 = arith.cmpi eq, %broadcast_in_dim3A_1241, %min3A_1135 : vector<16xi32>
    %eq3A_1243 = arith.cmpi eq, %broadcast_in_dim3A_1241, %min3A_1216 : vector<16xi32>
    %select_n3A_1244 = arith.select %eq3A_1242, %div3A_1218, %broadcast_in_dim3A_1221 : vector<16xi1>, vector<16xf32>
    %select_n3A_1245 = arith.select %eq3A_1243, %div3A_1219, %broadcast_in_dim3A_1221 : vector<16xi1>, vector<16xf32>
    %add3A_1246 = arith.addf %select_n3A_1244, %select_n3A_1245 : vector<16xf32>
    %swap3A_1247 = arith.constant 112 : index
    %swap3A_1248 = tpu.vector_load %arg7[%swap3A_1247] {strides = array<i32>} : memref<512xf32, #tpu.memory_space<vmem>>, vector<16xf32>,
    %swap3A_1249 = vector.shape_cast %swap3A_1248 : vector<16xf32> to vector<16xf32>
    %swap3A_1250 = vector.shape_cast %add3A_1246 : vector<16xf32> to vector<16xf32>
    tpu.vector_store %arg7[%swap3A_1247], %swap3A_1250 {strides = array<i32>} : memref<512xf32, #tpu.memory_space<vmem>>, vector<16xf32>,
    %select_n3A_1251 = arith.select %eq3A_1242, %broadcast_in_dim3A_1223, %broadcast_in_dim3A_1221 : vector<16xi1>, vector<16xf32>
    %add3A_1252 = arith.addf %add3A_924, %select_n3A_1251 : vector<16xf32>
    %select_n3A_1253 = arith.select %eq3A_1243, %broadcast_in_dim3A_1223, %broadcast_in_dim3A_1221 : vector<16xi1>, vector<16xf32>
    %add3A_1254 = arith.addf %add3A_1252, %select_n3A_1253 : vector<16xf32>
    %add3A_1255 = arith.addf %add3A_925, %mul3A_1080 : vector<16xf32>
    %broadcast_in_dim3A_1256 = arith.constant 2 : i32
    %broadcast_in_dim3A_1257 = vector.broadcast %broadcast_in_dim3A_1256 : i32 to vector<16xi32>
    %eq3A_1258 = arith.cmpi eq, %broadcast_in_dim3A_1257, %min3A_1135 : vector<16xi32>
    %eq3A_1259 = arith.cmpi eq, %broadcast_in_dim3A_1257, %min3A_1216 : vector<16xi32>
    %select_n3A_1260 = arith.select %eq3A_1258, %div3A_1218, %broadcast_in_dim3A_1221 : vector<16xi1>, vector<16xf32>
    %select_n3A_1261 = arith.select %eq3A_1259, %div3A_1219, %broadcast_in_dim3A_1221 : vector<16xi1>, vector<16xf32>
    %add3A_1262 = arith.addf %select_n3A_1260, %select_n3A_1261 : vector<16xf32>
    %swap3A_1263 = arith.constant 176 : index
    %swap3A_1264 = tpu.vector_load %arg7[%swap3A_1263] {strides = array<i32>} : memref<512xf32, #tpu.memory_space<vmem>>, vector<16xf32>,
    %swap3A_1265 = vector.shape_cast %swap3A_1264 : vector<16xf32> to vector<16xf32>
    %swap3A_1266 = vector.shape_cast %add3A_1262 : vector<16xf32> to vector<16xf32>
    tpu.vector_store %arg7[%swap3A_1263], %swap3A_1266 {strides = array<i32>} : memref<512xf32, #tpu.memory_space<vmem>>, vector<16xf32>,
    %select_n3A_1267 = arith.select %eq3A_1258, %broadcast_in_dim3A_1223, %broadcast_in_dim3A_1221 : vector<16xi1>, vector<16xf32>
    %add3A_1268 = arith.addf %add3A_940, %select_n3A_1267 : vector<16xf32>
    %select_n3A_1269 = arith.select %eq3A_1259, %broadcast_in_dim3A_1223, %broadcast_in_dim3A_1221 : vector<16xi1>, vector<16xf32>
    %add3A_1270 = arith.addf %add3A_1268, %select_n3A_1269 : vector<16xf32>
    %add3A_1271 = arith.addf %add3A_941, %mul3A_1081 : vector<16xf32>
    %broadcast_in_dim3A_1272 = arith.constant 3 : i32
    %broadcast_in_dim3A_1273 = vector.broadcast %broadcast_in_dim3A_1272 : i32 to vector<16xi32>
    %eq3A_1274 = arith.cmpi eq, %broadcast_in_dim3A_1273, %min3A_1135 : vector<16xi32>
    %eq3A_1275 = arith.cmpi eq, %broadcast_in_dim3A_1273, %min3A_1216 : vector<16xi32>
    %select_n3A_1276 = arith.select %eq3A_1274, %div3A_1218, %broadcast_in_dim3A_1221 : vector<16xi1>, vector<16xf32>
    %select_n3A_1277 = arith.select %eq3A_1275, %div3A_1219, %broadcast_in_dim3A_1221 : vector<16xi1>, vector<16xf32>
    %add3A_1278 = arith.addf %select_n3A_1276, %select_n3A_1277 : vector<16xf32>
    %swap3A_1279 = arith.constant 240 : index
    %swap3A_1280 = tpu.vector_load %arg7[%swap3A_1279] {strides = array<i32>} : memref<512xf32, #tpu.memory_space<vmem>>, vector<16xf32>,
    %swap3A_1281 = vector.shape_cast %swap3A_1280 : vector<16xf32> to vector<16xf32>
    %swap3A_1282 = vector.shape_cast %add3A_1278 : vector<16xf32> to vector<16xf32>
    tpu.vector_store %arg7[%swap3A_1279], %swap3A_1282 {strides = array<i32>} : memref<512xf32, #tpu.memory_space<vmem>>, vector<16xf32>,
    %select_n3A_1283 = arith.select %eq3A_1274, %broadcast_in_dim3A_1223, %broadcast_in_dim3A_1221 : vector<16xi1>, vector<16xf32>
    %add3A_1284 = arith.addf %add3A_956, %select_n3A_1283 : vector<16xf32>
    %select_n3A_1285 = arith.select %eq3A_1275, %broadcast_in_dim3A_1223, %broadcast_in_dim3A_1221 : vector<16xi1>, vector<16xf32>
    %add3A_1286 = arith.addf %add3A_1284, %select_n3A_1285 : vector<16xf32>
    %add3A_1287 = arith.addf %add3A_957, %mul3A_1082 : vector<16xf32>
    %broadcast_in_dim3A_1288 = arith.constant 4 : i32
    %broadcast_in_dim3A_1289 = vector.broadcast %broadcast_in_dim3A_1288 : i32 to vector<16xi32>
    %eq3A_1290 = arith.cmpi eq, %broadcast_in_dim3A_1289, %min3A_1135 : vector<16xi32>
    %eq3A_1291 = arith.cmpi eq, %broadcast_in_dim3A_1289, %min3A_1216 : vector<16xi32>
    %select_n3A_1292 = arith.select %eq3A_1290, %div3A_1218, %broadcast_in_dim3A_1221 : vector<16xi1>, vector<16xf32>
    %select_n3A_1293 = arith.select %eq3A_1291, %div3A_1219, %broadcast_in_dim3A_1221 : vector<16xi1>, vector<16xf32>
    %add3A_1294 = arith.addf %select_n3A_1292, %select_n3A_1293 : vector<16xf32>
    %swap3A_1295 = arith.constant 304 : index
    %swap3A_1296 = tpu.vector_load %arg7[%swap3A_1295] {strides = array<i32>} : memref<512xf32, #tpu.memory_space<vmem>>, vector<16xf32>,
    %swap3A_1297 = vector.shape_cast %swap3A_1296 : vector<16xf32> to vector<16xf32>
    %swap3A_1298 = vector.shape_cast %add3A_1294 : vector<16xf32> to vector<16xf32>
    tpu.vector_store %arg7[%swap3A_1295], %swap3A_1298 {strides = array<i32>} : memref<512xf32, #tpu.memory_space<vmem>>, vector<16xf32>,
    %select_n3A_1299 = arith.select %eq3A_1290, %broadcast_in_dim3A_1223, %broadcast_in_dim3A_1221 : vector<16xi1>, vector<16xf32>
    %add3A_1300 = arith.addf %add3A_972, %select_n3A_1299 : vector<16xf32>
    %select_n3A_1301 = arith.select %eq3A_1291, %broadcast_in_dim3A_1223, %broadcast_in_dim3A_1221 : vector<16xi1>, vector<16xf32>
    %add3A_1302 = arith.addf %add3A_1300, %select_n3A_1301 : vector<16xf32>
    %add3A_1303 = arith.addf %add3A_973, %mul3A_1083 : vector<16xf32>
    %broadcast_in_dim3A_1304 = arith.constant 5 : i32
    %broadcast_in_dim3A_1305 = vector.broadcast %broadcast_in_dim3A_1304 : i32 to vector<16xi32>
    %eq3A_1306 = arith.cmpi eq, %broadcast_in_dim3A_1305, %min3A_1135 : vector<16xi32>
    %eq3A_1307 = arith.cmpi eq, %broadcast_in_dim3A_1305, %min3A_1216 : vector<16xi32>
    %select_n3A_1308 = arith.select %eq3A_1306, %div3A_1218, %broadcast_in_dim3A_1221 : vector<16xi1>, vector<16xf32>
    %select_n3A_1309 = arith.select %eq3A_1307, %div3A_1219, %broadcast_in_dim3A_1221 : vector<16xi1>, vector<16xf32>
    %add3A_1310 = arith.addf %select_n3A_1308, %select_n3A_1309 : vector<16xf32>
    %swap3A_1311 = arith.constant 368 : index
    %swap3A_1312 = tpu.vector_load %arg7[%swap3A_1311] {strides = array<i32>} : memref<512xf32, #tpu.memory_space<vmem>>, vector<16xf32>,
    %swap3A_1313 = vector.shape_cast %swap3A_1312 : vector<16xf32> to vector<16xf32>
    %swap3A_1314 = vector.shape_cast %add3A_1310 : vector<16xf32> to vector<16xf32>
    tpu.vector_store %arg7[%swap3A_1311], %swap3A_1314 {strides = array<i32>} : memref<512xf32, #tpu.memory_space<vmem>>, vector<16xf32>,
    %select_n3A_1315 = arith.select %eq3A_1306, %broadcast_in_dim3A_1223, %broadcast_in_dim3A_1221 : vector<16xi1>, vector<16xf32>
    %add3A_1316 = arith.addf %add3A_988, %select_n3A_1315 : vector<16xf32>
    %select_n3A_1317 = arith.select %eq3A_1307, %broadcast_in_dim3A_1223, %broadcast_in_dim3A_1221 : vector<16xi1>, vector<16xf32>
    %add3A_1318 = arith.addf %add3A_1316, %select_n3A_1317 : vector<16xf32>
    %add3A_1319 = arith.addf %add3A_989, %mul3A_1084 : vector<16xf32>
    %broadcast_in_dim3A_1320 = arith.constant 6 : i32
    %broadcast_in_dim3A_1321 = vector.broadcast %broadcast_in_dim3A_1320 : i32 to vector<16xi32>
    %eq3A_1322 = arith.cmpi eq, %broadcast_in_dim3A_1321, %min3A_1135 : vector<16xi32>
    %eq3A_1323 = arith.cmpi eq, %broadcast_in_dim3A_1321, %min3A_1216 : vector<16xi32>
    %select_n3A_1324 = arith.select %eq3A_1322, %div3A_1218, %broadcast_in_dim3A_1221 : vector<16xi1>, vector<16xf32>
    %select_n3A_1325 = arith.select %eq3A_1323, %div3A_1219, %broadcast_in_dim3A_1221 : vector<16xi1>, vector<16xf32>
    %add3A_1326 = arith.addf %select_n3A_1324, %select_n3A_1325 : vector<16xf32>
    %swap3A_1327 = arith.constant 432 : index
    %swap3A_1328 = tpu.vector_load %arg7[%swap3A_1327] {strides = array<i32>} : memref<512xf32, #tpu.memory_space<vmem>>, vector<16xf32>,
    %swap3A_1329 = vector.shape_cast %swap3A_1328 : vector<16xf32> to vector<16xf32>
    %swap3A_1330 = vector.shape_cast %add3A_1326 : vector<16xf32> to vector<16xf32>
    tpu.vector_store %arg7[%swap3A_1327], %swap3A_1330 {strides = array<i32>} : memref<512xf32, #tpu.memory_space<vmem>>, vector<16xf32>,
    %select_n3A_1331 = arith.select %eq3A_1322, %broadcast_in_dim3A_1223, %broadcast_in_dim3A_1221 : vector<16xi1>, vector<16xf32>
    %add3A_1332 = arith.addf %add3A_1004, %select_n3A_1331 : vector<16xf32>
    %select_n3A_1333 = arith.select %eq3A_1323, %broadcast_in_dim3A_1223, %broadcast_in_dim3A_1221 : vector<16xi1>, vector<16xf32>
    %add3A_1334 = arith.addf %add3A_1332, %select_n3A_1333 : vector<16xf32>
    %add3A_1335 = arith.addf %add3A_1005, %mul3A_1085 : vector<16xf32>
    %broadcast_in_dim3A_1336 = arith.constant 7 : i32
    %broadcast_in_dim3A_1337 = vector.broadcast %broadcast_in_dim3A_1336 : i32 to vector<16xi32>
    %eq3A_1338 = arith.cmpi eq, %broadcast_in_dim3A_1337, %min3A_1135 : vector<16xi32>
    %eq3A_1339 = arith.cmpi eq, %broadcast_in_dim3A_1337, %min3A_1216 : vector<16xi32>
    %select_n3A_1340 = arith.select %eq3A_1338, %div3A_1218, %broadcast_in_dim3A_1221 : vector<16xi1>, vector<16xf32>
    %select_n3A_1341 = arith.select %eq3A_1339, %div3A_1219, %broadcast_in_dim3A_1221 : vector<16xi1>, vector<16xf32>
    %add3A_1342 = arith.addf %select_n3A_1340, %select_n3A_1341 : vector<16xf32>
    %swap3A_1343 = arith.constant 496 : index
    %swap3A_1344 = tpu.vector_load %arg7[%swap3A_1343] {strides = array<i32>} : memref<512xf32, #tpu.memory_space<vmem>>, vector<16xf32>,
    %swap3A_1345 = vector.shape_cast %swap3A_1344 : vector<16xf32> to vector<16xf32>
    %swap3A_1346 = vector.shape_cast %add3A_1342 : vector<16xf32> to vector<16xf32>
    tpu.vector_store %arg7[%swap3A_1343], %swap3A_1346 {strides = array<i32>} : memref<512xf32, #tpu.memory_space<vmem>>, vector<16xf32>,
    %select_n3A_1347 = arith.select %eq3A_1338, %broadcast_in_dim3A_1223, %broadcast_in_dim3A_1221 : vector<16xi1>, vector<16xf32>
    %add3A_1348 = arith.addf %add3A_1020, %select_n3A_1347 : vector<16xf32>
    %select_n3A_1349 = arith.select %eq3A_1339, %broadcast_in_dim3A_1223, %broadcast_in_dim3A_1221 : vector<16xi1>, vector<16xf32>
    %add3A_1350 = arith.addf %add3A_1348, %select_n3A_1349 : vector<16xf32>
    %add3A_1351 = arith.addf %add3A_1021, %mul3A_1086 : vector<16xf32>
    %swap3A_1352 = arith.constant 0 : index
    %swap3A_1353 = tpu.vector_load %arg8[%swap3A_1352] {strides = array<i32>} : memref<128xf32, #tpu.memory_space<vmem>>, vector<16xf32>,
    %swap3A_1354 = vector.shape_cast %swap3A_1353 : vector<16xf32> to vector<16xf32>
    %swap3A_1355 = vector.shape_cast %add3A_1238 : vector<16xf32> to vector<16xf32>
    tpu.vector_store %arg8[%swap3A_1352], %swap3A_1355 {strides = array<i32>} : memref<128xf32, #tpu.memory_space<vmem>>, vector<16xf32>,
    %swap3A_1356 = arith.constant 0 : index
    %swap3A_1357 = tpu.vector_load %arg9[%swap3A_1356] {strides = array<i32>} : memref<128xf32, #tpu.memory_space<vmem>>, vector<16xf32>,
    %swap3A_1358 = vector.shape_cast %swap3A_1357 : vector<16xf32> to vector<16xf32>
    %swap3A_1359 = vector.shape_cast %add3A_1239 : vector<16xf32> to vector<16xf32>
    tpu.vector_store %arg9[%swap3A_1356], %swap3A_1359 {strides = array<i32>} : memref<128xf32, #tpu.memory_space<vmem>>, vector<16xf32>,
    %run_scoped3A_1360 = arith.constant 0 : i32
    "tpu.region"() ({
      %run_scoped3A_1424 = tpu.sem_alloc : memref<!tpu.dma_semaphore, #tpu.memory_space<semaphore_mem>>
      %dma_start3A = arith.constant 0 : i32
      %dma_start3A_1425 = tpu.memref_slice %arg7[%dma_start3A] : memref<512xf32, #tpu.memory_space<vmem>> -> memref<64xf32, #tpu.memory_space<vmem>>
      %dma_start3A_1426 = tpu.memref_slice %arg3[%run_scoped3A_1360, %mul3A_2] : memref<8x2048xf32, #tpu.memory_space<hbm>> -> memref<1x64xf32, #tpu.memory_space<hbm>>
      %dma_start3A_1427 = tpu.memref_squeeze %dma_start3A_1426 : memref<1x64xf32, #tpu.memory_space<hbm>> -> memref<64xf32, #tpu.memory_space<hbm>>
      %dma_start3A_1428 = tpu.memref_slice %arg3[%run_scoped3A_1360, %mul3A_2] : memref<8x2048xf32, #tpu.memory_space<hbm>> -> memref<1x64xf32, #tpu.memory_space<hbm>>
      %dma_start3A_1429 = tpu.memref_squeeze %dma_start3A_1428 : memref<1x64xf32, #tpu.memory_space<hbm>> -> memref<64xf32, #tpu.memory_space<hbm>>
      %dma_start3A_1430 = arith.constant 0 : i32
      %dma_start3A_1431 = tpu.memref_slice %arg7[%dma_start3A_1430] : memref<512xf32, #tpu.memory_space<vmem>> -> memref<64xf32, #tpu.memory_space<vmem>>
      tpu.enqueue_dma source(%dma_start3A_1431 : memref<64xf32, #tpu.memory_space<vmem>>) target(%dma_start3A_1429 : memref<64xf32, #tpu.memory_space<hbm>>) target_semaphore(%run_scoped3A_1424 : memref<!tpu.dma_semaphore, #tpu.memory_space<semaphore_mem>>)
      %dma_wait3A = arith.constant 0 : i32
      %dma_wait3A_1432 = tpu.memref_slice %arg7[%dma_wait3A] : memref<512xf32, #tpu.memory_space<vmem>> -> memref<64xf32, #tpu.memory_space<vmem>>
      %dma_wait3A_1433 = tpu.memref_slice %arg3[%run_scoped3A_1360, %mul3A_2] : memref<8x2048xf32, #tpu.memory_space<hbm>> -> memref<1x64xf32, #tpu.memory_space<hbm>>
      %dma_wait3A_1434 = tpu.memref_squeeze %dma_wait3A_1433 : memref<1x64xf32, #tpu.memory_space<hbm>> -> memref<64xf32, #tpu.memory_space<hbm>>
      %dma_wait3A_1435 = tpu.memref_slice %arg3[%run_scoped3A_1360, %mul3A_2] : memref<8x2048xf32, #tpu.memory_space<hbm>> -> memref<1x64xf32, #tpu.memory_space<hbm>>
      %dma_wait3A_1436 = tpu.memref_squeeze %dma_wait3A_1435 : memref<1x64xf32, #tpu.memory_space<hbm>> -> memref<64xf32, #tpu.memory_space<hbm>>
      %dma_wait3A_1437 = arith.constant 0 : i32
      %dma_wait3A_1438 = tpu.memref_slice %arg7[%dma_wait3A_1437] : memref<512xf32, #tpu.memory_space<vmem>> -> memref<64xf32, #tpu.memory_space<vmem>>
      tpu.wait_dma2 semaphore(%run_scoped3A_1424 : memref<!tpu.dma_semaphore, #tpu.memory_space<semaphore_mem>>) src(%dma_wait3A_1438 : memref<64xf32, #tpu.memory_space<vmem>>) dst(%dma_wait3A_1436 : memref<64xf32, #tpu.memory_space<hbm>>)
      tpu.yield
    }) : () -> ()
    %swap3A_1361 = arith.constant 16 : index
    %swap3A_1362 = tpu.vector_load %arg8[%swap3A_1361] {strides = array<i32>} : memref<128xf32, #tpu.memory_space<vmem>>, vector<16xf32>,
    %swap3A_1363 = vector.shape_cast %swap3A_1362 : vector<16xf32> to vector<16xf32>
    %swap3A_1364 = vector.shape_cast %add3A_1254 : vector<16xf32> to vector<16xf32>
    tpu.vector_store %arg8[%swap3A_1361], %swap3A_1364 {strides = array<i32>} : memref<128xf32, #tpu.memory_space<vmem>>, vector<16xf32>,
    %swap3A_1365 = arith.constant 16 : index
    %swap3A_1366 = tpu.vector_load %arg9[%swap3A_1365] {strides = array<i32>} : memref<128xf32, #tpu.memory_space<vmem>>, vector<16xf32>,
    %swap3A_1367 = vector.shape_cast %swap3A_1366 : vector<16xf32> to vector<16xf32>
    %swap3A_1368 = vector.shape_cast %add3A_1255 : vector<16xf32> to vector<16xf32>
    tpu.vector_store %arg9[%swap3A_1365], %swap3A_1368 {strides = array<i32>} : memref<128xf32, #tpu.memory_space<vmem>>, vector<16xf32>,
    %run_scoped3A_1369 = arith.constant 1 : i32
    "tpu.region"() ({
      %run_scoped3A_1424 = tpu.sem_alloc : memref<!tpu.dma_semaphore, #tpu.memory_space<semaphore_mem>>
      %dma_start3A = arith.constant 64 : i32
      %dma_start3A_1425 = tpu.memref_slice %arg7[%dma_start3A] : memref<512xf32, #tpu.memory_space<vmem>> -> memref<64xf32, #tpu.memory_space<vmem>>
      %dma_start3A_1426 = tpu.memref_slice %arg3[%run_scoped3A_1369, %mul3A_2] : memref<8x2048xf32, #tpu.memory_space<hbm>> -> memref<1x64xf32, #tpu.memory_space<hbm>>
      %dma_start3A_1427 = tpu.memref_squeeze %dma_start3A_1426 : memref<1x64xf32, #tpu.memory_space<hbm>> -> memref<64xf32, #tpu.memory_space<hbm>>
      %dma_start3A_1428 = tpu.memref_slice %arg3[%run_scoped3A_1369, %mul3A_2] : memref<8x2048xf32, #tpu.memory_space<hbm>> -> memref<1x64xf32, #tpu.memory_space<hbm>>
      %dma_start3A_1429 = tpu.memref_squeeze %dma_start3A_1428 : memref<1x64xf32, #tpu.memory_space<hbm>> -> memref<64xf32, #tpu.memory_space<hbm>>
      %dma_start3A_1430 = arith.constant 64 : i32
      %dma_start3A_1431 = tpu.memref_slice %arg7[%dma_start3A_1430] : memref<512xf32, #tpu.memory_space<vmem>> -> memref<64xf32, #tpu.memory_space<vmem>>
      tpu.enqueue_dma source(%dma_start3A_1431 : memref<64xf32, #tpu.memory_space<vmem>>) target(%dma_start3A_1429 : memref<64xf32, #tpu.memory_space<hbm>>) target_semaphore(%run_scoped3A_1424 : memref<!tpu.dma_semaphore, #tpu.memory_space<semaphore_mem>>)
      %dma_wait3A = arith.constant 64 : i32
      %dma_wait3A_1432 = tpu.memref_slice %arg7[%dma_wait3A] : memref<512xf32, #tpu.memory_space<vmem>> -> memref<64xf32, #tpu.memory_space<vmem>>
      %dma_wait3A_1433 = tpu.memref_slice %arg3[%run_scoped3A_1369, %mul3A_2] : memref<8x2048xf32, #tpu.memory_space<hbm>> -> memref<1x64xf32, #tpu.memory_space<hbm>>
      %dma_wait3A_1434 = tpu.memref_squeeze %dma_wait3A_1433 : memref<1x64xf32, #tpu.memory_space<hbm>> -> memref<64xf32, #tpu.memory_space<hbm>>
      %dma_wait3A_1435 = tpu.memref_slice %arg3[%run_scoped3A_1369, %mul3A_2] : memref<8x2048xf32, #tpu.memory_space<hbm>> -> memref<1x64xf32, #tpu.memory_space<hbm>>
      %dma_wait3A_1436 = tpu.memref_squeeze %dma_wait3A_1435 : memref<1x64xf32, #tpu.memory_space<hbm>> -> memref<64xf32, #tpu.memory_space<hbm>>
      %dma_wait3A_1437 = arith.constant 64 : i32
      %dma_wait3A_1438 = tpu.memref_slice %arg7[%dma_wait3A_1437] : memref<512xf32, #tpu.memory_space<vmem>> -> memref<64xf32, #tpu.memory_space<vmem>>
      tpu.wait_dma2 semaphore(%run_scoped3A_1424 : memref<!tpu.dma_semaphore, #tpu.memory_space<semaphore_mem>>) src(%dma_wait3A_1438 : memref<64xf32, #tpu.memory_space<vmem>>) dst(%dma_wait3A_1436 : memref<64xf32, #tpu.memory_space<hbm>>)
      tpu.yield
    }) : () -> ()
    %swap3A_1370 = arith.constant 32 : index
    %swap3A_1371 = tpu.vector_load %arg8[%swap3A_1370] {strides = array<i32>} : memref<128xf32, #tpu.memory_space<vmem>>, vector<16xf32>,
    %swap3A_1372 = vector.shape_cast %swap3A_1371 : vector<16xf32> to vector<16xf32>
    %swap3A_1373 = vector.shape_cast %add3A_1270 : vector<16xf32> to vector<16xf32>
    tpu.vector_store %arg8[%swap3A_1370], %swap3A_1373 {strides = array<i32>} : memref<128xf32, #tpu.memory_space<vmem>>, vector<16xf32>,
    %swap3A_1374 = arith.constant 32 : index
    %swap3A_1375 = tpu.vector_load %arg9[%swap3A_1374] {strides = array<i32>} : memref<128xf32, #tpu.memory_space<vmem>>, vector<16xf32>,
    %swap3A_1376 = vector.shape_cast %swap3A_1375 : vector<16xf32> to vector<16xf32>
    %swap3A_1377 = vector.shape_cast %add3A_1271 : vector<16xf32> to vector<16xf32>
    tpu.vector_store %arg9[%swap3A_1374], %swap3A_1377 {strides = array<i32>} : memref<128xf32, #tpu.memory_space<vmem>>, vector<16xf32>,
    %run_scoped3A_1378 = arith.constant 2 : i32
    "tpu.region"() ({
      %run_scoped3A_1424 = tpu.sem_alloc : memref<!tpu.dma_semaphore, #tpu.memory_space<semaphore_mem>>
      %dma_start3A = arith.constant 128 : i32
      %dma_start3A_1425 = tpu.memref_slice %arg7[%dma_start3A] : memref<512xf32, #tpu.memory_space<vmem>> -> memref<64xf32, #tpu.memory_space<vmem>>
      %dma_start3A_1426 = tpu.memref_slice %arg3[%run_scoped3A_1378, %mul3A_2] : memref<8x2048xf32, #tpu.memory_space<hbm>> -> memref<1x64xf32, #tpu.memory_space<hbm>>
      %dma_start3A_1427 = tpu.memref_squeeze %dma_start3A_1426 : memref<1x64xf32, #tpu.memory_space<hbm>> -> memref<64xf32, #tpu.memory_space<hbm>>
      %dma_start3A_1428 = tpu.memref_slice %arg3[%run_scoped3A_1378, %mul3A_2] : memref<8x2048xf32, #tpu.memory_space<hbm>> -> memref<1x64xf32, #tpu.memory_space<hbm>>
      %dma_start3A_1429 = tpu.memref_squeeze %dma_start3A_1428 : memref<1x64xf32, #tpu.memory_space<hbm>> -> memref<64xf32, #tpu.memory_space<hbm>>
      %dma_start3A_1430 = arith.constant 128 : i32
      %dma_start3A_1431 = tpu.memref_slice %arg7[%dma_start3A_1430] : memref<512xf32, #tpu.memory_space<vmem>> -> memref<64xf32, #tpu.memory_space<vmem>>
      tpu.enqueue_dma source(%dma_start3A_1431 : memref<64xf32, #tpu.memory_space<vmem>>) target(%dma_start3A_1429 : memref<64xf32, #tpu.memory_space<hbm>>) target_semaphore(%run_scoped3A_1424 : memref<!tpu.dma_semaphore, #tpu.memory_space<semaphore_mem>>)
      %dma_wait3A = arith.constant 128 : i32
      %dma_wait3A_1432 = tpu.memref_slice %arg7[%dma_wait3A] : memref<512xf32, #tpu.memory_space<vmem>> -> memref<64xf32, #tpu.memory_space<vmem>>
      %dma_wait3A_1433 = tpu.memref_slice %arg3[%run_scoped3A_1378, %mul3A_2] : memref<8x2048xf32, #tpu.memory_space<hbm>> -> memref<1x64xf32, #tpu.memory_space<hbm>>
      %dma_wait3A_1434 = tpu.memref_squeeze %dma_wait3A_1433 : memref<1x64xf32, #tpu.memory_space<hbm>> -> memref<64xf32, #tpu.memory_space<hbm>>
      %dma_wait3A_1435 = tpu.memref_slice %arg3[%run_scoped3A_1378, %mul3A_2] : memref<8x2048xf32, #tpu.memory_space<hbm>> -> memref<1x64xf32, #tpu.memory_space<hbm>>
      %dma_wait3A_1436 = tpu.memref_squeeze %dma_wait3A_1435 : memref<1x64xf32, #tpu.memory_space<hbm>> -> memref<64xf32, #tpu.memory_space<hbm>>
      %dma_wait3A_1437 = arith.constant 128 : i32
      %dma_wait3A_1438 = tpu.memref_slice %arg7[%dma_wait3A_1437] : memref<512xf32, #tpu.memory_space<vmem>> -> memref<64xf32, #tpu.memory_space<vmem>>
      tpu.wait_dma2 semaphore(%run_scoped3A_1424 : memref<!tpu.dma_semaphore, #tpu.memory_space<semaphore_mem>>) src(%dma_wait3A_1438 : memref<64xf32, #tpu.memory_space<vmem>>) dst(%dma_wait3A_1436 : memref<64xf32, #tpu.memory_space<hbm>>)
      tpu.yield
    }) : () -> ()
    %swap3A_1379 = arith.constant 48 : index
    %swap3A_1380 = tpu.vector_load %arg8[%swap3A_1379] {strides = array<i32>} : memref<128xf32, #tpu.memory_space<vmem>>, vector<16xf32>,
    %swap3A_1381 = vector.shape_cast %swap3A_1380 : vector<16xf32> to vector<16xf32>
    %swap3A_1382 = vector.shape_cast %add3A_1286 : vector<16xf32> to vector<16xf32>
    tpu.vector_store %arg8[%swap3A_1379], %swap3A_1382 {strides = array<i32>} : memref<128xf32, #tpu.memory_space<vmem>>, vector<16xf32>,
    %swap3A_1383 = arith.constant 48 : index
    %swap3A_1384 = tpu.vector_load %arg9[%swap3A_1383] {strides = array<i32>} : memref<128xf32, #tpu.memory_space<vmem>>, vector<16xf32>,
    %swap3A_1385 = vector.shape_cast %swap3A_1384 : vector<16xf32> to vector<16xf32>
    %swap3A_1386 = vector.shape_cast %add3A_1287 : vector<16xf32> to vector<16xf32>
    tpu.vector_store %arg9[%swap3A_1383], %swap3A_1386 {strides = array<i32>} : memref<128xf32, #tpu.memory_space<vmem>>, vector<16xf32>,
    %run_scoped3A_1387 = arith.constant 3 : i32
    "tpu.region"() ({
      %run_scoped3A_1424 = tpu.sem_alloc : memref<!tpu.dma_semaphore, #tpu.memory_space<semaphore_mem>>
      %dma_start3A = arith.constant 192 : i32
      %dma_start3A_1425 = tpu.memref_slice %arg7[%dma_start3A] : memref<512xf32, #tpu.memory_space<vmem>> -> memref<64xf32, #tpu.memory_space<vmem>>
      %dma_start3A_1426 = tpu.memref_slice %arg3[%run_scoped3A_1387, %mul3A_2] : memref<8x2048xf32, #tpu.memory_space<hbm>> -> memref<1x64xf32, #tpu.memory_space<hbm>>
      %dma_start3A_1427 = tpu.memref_squeeze %dma_start3A_1426 : memref<1x64xf32, #tpu.memory_space<hbm>> -> memref<64xf32, #tpu.memory_space<hbm>>
      %dma_start3A_1428 = tpu.memref_slice %arg3[%run_scoped3A_1387, %mul3A_2] : memref<8x2048xf32, #tpu.memory_space<hbm>> -> memref<1x64xf32, #tpu.memory_space<hbm>>
      %dma_start3A_1429 = tpu.memref_squeeze %dma_start3A_1428 : memref<1x64xf32, #tpu.memory_space<hbm>> -> memref<64xf32, #tpu.memory_space<hbm>>
      %dma_start3A_1430 = arith.constant 192 : i32
      %dma_start3A_1431 = tpu.memref_slice %arg7[%dma_start3A_1430] : memref<512xf32, #tpu.memory_space<vmem>> -> memref<64xf32, #tpu.memory_space<vmem>>
      tpu.enqueue_dma source(%dma_start3A_1431 : memref<64xf32, #tpu.memory_space<vmem>>) target(%dma_start3A_1429 : memref<64xf32, #tpu.memory_space<hbm>>) target_semaphore(%run_scoped3A_1424 : memref<!tpu.dma_semaphore, #tpu.memory_space<semaphore_mem>>)
      %dma_wait3A = arith.constant 192 : i32
      %dma_wait3A_1432 = tpu.memref_slice %arg7[%dma_wait3A] : memref<512xf32, #tpu.memory_space<vmem>> -> memref<64xf32, #tpu.memory_space<vmem>>
      %dma_wait3A_1433 = tpu.memref_slice %arg3[%run_scoped3A_1387, %mul3A_2] : memref<8x2048xf32, #tpu.memory_space<hbm>> -> memref<1x64xf32, #tpu.memory_space<hbm>>
      %dma_wait3A_1434 = tpu.memref_squeeze %dma_wait3A_1433 : memref<1x64xf32, #tpu.memory_space<hbm>> -> memref<64xf32, #tpu.memory_space<hbm>>
      %dma_wait3A_1435 = tpu.memref_slice %arg3[%run_scoped3A_1387, %mul3A_2] : memref<8x2048xf32, #tpu.memory_space<hbm>> -> memref<1x64xf32, #tpu.memory_space<hbm>>
      %dma_wait3A_1436 = tpu.memref_squeeze %dma_wait3A_1435 : memref<1x64xf32, #tpu.memory_space<hbm>> -> memref<64xf32, #tpu.memory_space<hbm>>
      %dma_wait3A_1437 = arith.constant 192 : i32
      %dma_wait3A_1438 = tpu.memref_slice %arg7[%dma_wait3A_1437] : memref<512xf32, #tpu.memory_space<vmem>> -> memref<64xf32, #tpu.memory_space<vmem>>
      tpu.wait_dma2 semaphore(%run_scoped3A_1424 : memref<!tpu.dma_semaphore, #tpu.memory_space<semaphore_mem>>) src(%dma_wait3A_1438 : memref<64xf32, #tpu.memory_space<vmem>>) dst(%dma_wait3A_1436 : memref<64xf32, #tpu.memory_space<hbm>>)
      tpu.yield
    }) : () -> ()
    %swap3A_1388 = arith.constant 64 : index
    %swap3A_1389 = tpu.vector_load %arg8[%swap3A_1388] {strides = array<i32>} : memref<128xf32, #tpu.memory_space<vmem>>, vector<16xf32>,
    %swap3A_1390 = vector.shape_cast %swap3A_1389 : vector<16xf32> to vector<16xf32>
    %swap3A_1391 = vector.shape_cast %add3A_1302 : vector<16xf32> to vector<16xf32>
    tpu.vector_store %arg8[%swap3A_1388], %swap3A_1391 {strides = array<i32>} : memref<128xf32, #tpu.memory_space<vmem>>, vector<16xf32>,
    %swap3A_1392 = arith.constant 64 : index
    %swap3A_1393 = tpu.vector_load %arg9[%swap3A_1392] {strides = array<i32>} : memref<128xf32, #tpu.memory_space<vmem>>, vector<16xf32>,
    %swap3A_1394 = vector.shape_cast %swap3A_1393 : vector<16xf32> to vector<16xf32>
    %swap3A_1395 = vector.shape_cast %add3A_1303 : vector<16xf32> to vector<16xf32>
    tpu.vector_store %arg9[%swap3A_1392], %swap3A_1395 {strides = array<i32>} : memref<128xf32, #tpu.memory_space<vmem>>, vector<16xf32>,
    %run_scoped3A_1396 = arith.constant 4 : i32
    "tpu.region"() ({
      %run_scoped3A_1424 = tpu.sem_alloc : memref<!tpu.dma_semaphore, #tpu.memory_space<semaphore_mem>>
      %dma_start3A = arith.constant 256 : i32
      %dma_start3A_1425 = tpu.memref_slice %arg7[%dma_start3A] : memref<512xf32, #tpu.memory_space<vmem>> -> memref<64xf32, #tpu.memory_space<vmem>>
      %dma_start3A_1426 = tpu.memref_slice %arg3[%run_scoped3A_1396, %mul3A_2] : memref<8x2048xf32, #tpu.memory_space<hbm>> -> memref<1x64xf32, #tpu.memory_space<hbm>>
      %dma_start3A_1427 = tpu.memref_squeeze %dma_start3A_1426 : memref<1x64xf32, #tpu.memory_space<hbm>> -> memref<64xf32, #tpu.memory_space<hbm>>
      %dma_start3A_1428 = tpu.memref_slice %arg3[%run_scoped3A_1396, %mul3A_2] : memref<8x2048xf32, #tpu.memory_space<hbm>> -> memref<1x64xf32, #tpu.memory_space<hbm>>
      %dma_start3A_1429 = tpu.memref_squeeze %dma_start3A_1428 : memref<1x64xf32, #tpu.memory_space<hbm>> -> memref<64xf32, #tpu.memory_space<hbm>>
      %dma_start3A_1430 = arith.constant 256 : i32
      %dma_start3A_1431 = tpu.memref_slice %arg7[%dma_start3A_1430] : memref<512xf32, #tpu.memory_space<vmem>> -> memref<64xf32, #tpu.memory_space<vmem>>
      tpu.enqueue_dma source(%dma_start3A_1431 : memref<64xf32, #tpu.memory_space<vmem>>) target(%dma_start3A_1429 : memref<64xf32, #tpu.memory_space<hbm>>) target_semaphore(%run_scoped3A_1424 : memref<!tpu.dma_semaphore, #tpu.memory_space<semaphore_mem>>)
      %dma_wait3A = arith.constant 256 : i32
      %dma_wait3A_1432 = tpu.memref_slice %arg7[%dma_wait3A] : memref<512xf32, #tpu.memory_space<vmem>> -> memref<64xf32, #tpu.memory_space<vmem>>
      %dma_wait3A_1433 = tpu.memref_slice %arg3[%run_scoped3A_1396, %mul3A_2] : memref<8x2048xf32, #tpu.memory_space<hbm>> -> memref<1x64xf32, #tpu.memory_space<hbm>>
      %dma_wait3A_1434 = tpu.memref_squeeze %dma_wait3A_1433 : memref<1x64xf32, #tpu.memory_space<hbm>> -> memref<64xf32, #tpu.memory_space<hbm>>
      %dma_wait3A_1435 = tpu.memref_slice %arg3[%run_scoped3A_1396, %mul3A_2] : memref<8x2048xf32, #tpu.memory_space<hbm>> -> memref<1x64xf32, #tpu.memory_space<hbm>>
      %dma_wait3A_1436 = tpu.memref_squeeze %dma_wait3A_1435 : memref<1x64xf32, #tpu.memory_space<hbm>> -> memref<64xf32, #tpu.memory_space<hbm>>
      %dma_wait3A_1437 = arith.constant 256 : i32
      %dma_wait3A_1438 = tpu.memref_slice %arg7[%dma_wait3A_1437] : memref<512xf32, #tpu.memory_space<vmem>> -> memref<64xf32, #tpu.memory_space<vmem>>
      tpu.wait_dma2 semaphore(%run_scoped3A_1424 : memref<!tpu.dma_semaphore, #tpu.memory_space<semaphore_mem>>) src(%dma_wait3A_1438 : memref<64xf32, #tpu.memory_space<vmem>>) dst(%dma_wait3A_1436 : memref<64xf32, #tpu.memory_space<hbm>>)
      tpu.yield
    }) : () -> ()
    %swap3A_1397 = arith.constant 80 : index
    %swap3A_1398 = tpu.vector_load %arg8[%swap3A_1397] {strides = array<i32>} : memref<128xf32, #tpu.memory_space<vmem>>, vector<16xf32>,
    %swap3A_1399 = vector.shape_cast %swap3A_1398 : vector<16xf32> to vector<16xf32>
    %swap3A_1400 = vector.shape_cast %add3A_1318 : vector<16xf32> to vector<16xf32>
    tpu.vector_store %arg8[%swap3A_1397], %swap3A_1400 {strides = array<i32>} : memref<128xf32, #tpu.memory_space<vmem>>, vector<16xf32>,
    %swap3A_1401 = arith.constant 80 : index
    %swap3A_1402 = tpu.vector_load %arg9[%swap3A_1401] {strides = array<i32>} : memref<128xf32, #tpu.memory_space<vmem>>, vector<16xf32>,
    %swap3A_1403 = vector.shape_cast %swap3A_1402 : vector<16xf32> to vector<16xf32>
    %swap3A_1404 = vector.shape_cast %add3A_1319 : vector<16xf32> to vector<16xf32>
    tpu.vector_store %arg9[%swap3A_1401], %swap3A_1404 {strides = array<i32>} : memref<128xf32, #tpu.memory_space<vmem>>, vector<16xf32>,
    %run_scoped3A_1405 = arith.constant 5 : i32
    "tpu.region"() ({
      %run_scoped3A_1424 = tpu.sem_alloc : memref<!tpu.dma_semaphore, #tpu.memory_space<semaphore_mem>>
      %dma_start3A = arith.constant 320 : i32
      %dma_start3A_1425 = tpu.memref_slice %arg7[%dma_start3A] : memref<512xf32, #tpu.memory_space<vmem>> -> memref<64xf32, #tpu.memory_space<vmem>>
      %dma_start3A_1426 = tpu.memref_slice %arg3[%run_scoped3A_1405, %mul3A_2] : memref<8x2048xf32, #tpu.memory_space<hbm>> -> memref<1x64xf32, #tpu.memory_space<hbm>>
      %dma_start3A_1427 = tpu.memref_squeeze %dma_start3A_1426 : memref<1x64xf32, #tpu.memory_space<hbm>> -> memref<64xf32, #tpu.memory_space<hbm>>
      %dma_start3A_1428 = tpu.memref_slice %arg3[%run_scoped3A_1405, %mul3A_2] : memref<8x2048xf32, #tpu.memory_space<hbm>> -> memref<1x64xf32, #tpu.memory_space<hbm>>
      %dma_start3A_1429 = tpu.memref_squeeze %dma_start3A_1428 : memref<1x64xf32, #tpu.memory_space<hbm>> -> memref<64xf32, #tpu.memory_space<hbm>>
      %dma_start3A_1430 = arith.constant 320 : i32
      %dma_start3A_1431 = tpu.memref_slice %arg7[%dma_start3A_1430] : memref<512xf32, #tpu.memory_space<vmem>> -> memref<64xf32, #tpu.memory_space<vmem>>
      tpu.enqueue_dma source(%dma_start3A_1431 : memref<64xf32, #tpu.memory_space<vmem>>) target(%dma_start3A_1429 : memref<64xf32, #tpu.memory_space<hbm>>) target_semaphore(%run_scoped3A_1424 : memref<!tpu.dma_semaphore, #tpu.memory_space<semaphore_mem>>)
      %dma_wait3A = arith.constant 320 : i32
      %dma_wait3A_1432 = tpu.memref_slice %arg7[%dma_wait3A] : memref<512xf32, #tpu.memory_space<vmem>> -> memref<64xf32, #tpu.memory_space<vmem>>
      %dma_wait3A_1433 = tpu.memref_slice %arg3[%run_scoped3A_1405, %mul3A_2] : memref<8x2048xf32, #tpu.memory_space<hbm>> -> memref<1x64xf32, #tpu.memory_space<hbm>>
      %dma_wait3A_1434 = tpu.memref_squeeze %dma_wait3A_1433 : memref<1x64xf32, #tpu.memory_space<hbm>> -> memref<64xf32, #tpu.memory_space<hbm>>
      %dma_wait3A_1435 = tpu.memref_slice %arg3[%run_scoped3A_1405, %mul3A_2] : memref<8x2048xf32, #tpu.memory_space<hbm>> -> memref<1x64xf32, #tpu.memory_space<hbm>>
      %dma_wait3A_1436 = tpu.memref_squeeze %dma_wait3A_1435 : memref<1x64xf32, #tpu.memory_space<hbm>> -> memref<64xf32, #tpu.memory_space<hbm>>
      %dma_wait3A_1437 = arith.constant 320 : i32
      %dma_wait3A_1438 = tpu.memref_slice %arg7[%dma_wait3A_1437] : memref<512xf32, #tpu.memory_space<vmem>> -> memref<64xf32, #tpu.memory_space<vmem>>
      tpu.wait_dma2 semaphore(%run_scoped3A_1424 : memref<!tpu.dma_semaphore, #tpu.memory_space<semaphore_mem>>) src(%dma_wait3A_1438 : memref<64xf32, #tpu.memory_space<vmem>>) dst(%dma_wait3A_1436 : memref<64xf32, #tpu.memory_space<hbm>>)
      tpu.yield
    }) : () -> ()
    %swap3A_1406 = arith.constant 96 : index
    %swap3A_1407 = tpu.vector_load %arg8[%swap3A_1406] {strides = array<i32>} : memref<128xf32, #tpu.memory_space<vmem>>, vector<16xf32>,
    %swap3A_1408 = vector.shape_cast %swap3A_1407 : vector<16xf32> to vector<16xf32>
    %swap3A_1409 = vector.shape_cast %add3A_1334 : vector<16xf32> to vector<16xf32>
    tpu.vector_store %arg8[%swap3A_1406], %swap3A_1409 {strides = array<i32>} : memref<128xf32, #tpu.memory_space<vmem>>, vector<16xf32>,
    %swap3A_1410 = arith.constant 96 : index
    %swap3A_1411 = tpu.vector_load %arg9[%swap3A_1410] {strides = array<i32>} : memref<128xf32, #tpu.memory_space<vmem>>, vector<16xf32>,
    %swap3A_1412 = vector.shape_cast %swap3A_1411 : vector<16xf32> to vector<16xf32>
    %swap3A_1413 = vector.shape_cast %add3A_1335 : vector<16xf32> to vector<16xf32>
    tpu.vector_store %arg9[%swap3A_1410], %swap3A_1413 {strides = array<i32>} : memref<128xf32, #tpu.memory_space<vmem>>, vector<16xf32>,
    %run_scoped3A_1414 = arith.constant 6 : i32
    "tpu.region"() ({
      %run_scoped3A_1424 = tpu.sem_alloc : memref<!tpu.dma_semaphore, #tpu.memory_space<semaphore_mem>>
      %dma_start3A = arith.constant 384 : i32
      %dma_start3A_1425 = tpu.memref_slice %arg7[%dma_start3A] : memref<512xf32, #tpu.memory_space<vmem>> -> memref<64xf32, #tpu.memory_space<vmem>>
      %dma_start3A_1426 = tpu.memref_slice %arg3[%run_scoped3A_1414, %mul3A_2] : memref<8x2048xf32, #tpu.memory_space<hbm>> -> memref<1x64xf32, #tpu.memory_space<hbm>>
      %dma_start3A_1427 = tpu.memref_squeeze %dma_start3A_1426 : memref<1x64xf32, #tpu.memory_space<hbm>> -> memref<64xf32, #tpu.memory_space<hbm>>
      %dma_start3A_1428 = tpu.memref_slice %arg3[%run_scoped3A_1414, %mul3A_2] : memref<8x2048xf32, #tpu.memory_space<hbm>> -> memref<1x64xf32, #tpu.memory_space<hbm>>
      %dma_start3A_1429 = tpu.memref_squeeze %dma_start3A_1428 : memref<1x64xf32, #tpu.memory_space<hbm>> -> memref<64xf32, #tpu.memory_space<hbm>>
      %dma_start3A_1430 = arith.constant 384 : i32
      %dma_start3A_1431 = tpu.memref_slice %arg7[%dma_start3A_1430] : memref<512xf32, #tpu.memory_space<vmem>> -> memref<64xf32, #tpu.memory_space<vmem>>
      tpu.enqueue_dma source(%dma_start3A_1431 : memref<64xf32, #tpu.memory_space<vmem>>) target(%dma_start3A_1429 : memref<64xf32, #tpu.memory_space<hbm>>) target_semaphore(%run_scoped3A_1424 : memref<!tpu.dma_semaphore, #tpu.memory_space<semaphore_mem>>)
      %dma_wait3A = arith.constant 384 : i32
      %dma_wait3A_1432 = tpu.memref_slice %arg7[%dma_wait3A] : memref<512xf32, #tpu.memory_space<vmem>> -> memref<64xf32, #tpu.memory_space<vmem>>
      %dma_wait3A_1433 = tpu.memref_slice %arg3[%run_scoped3A_1414, %mul3A_2] : memref<8x2048xf32, #tpu.memory_space<hbm>> -> memref<1x64xf32, #tpu.memory_space<hbm>>
      %dma_wait3A_1434 = tpu.memref_squeeze %dma_wait3A_1433 : memref<1x64xf32, #tpu.memory_space<hbm>> -> memref<64xf32, #tpu.memory_space<hbm>>
      %dma_wait3A_1435 = tpu.memref_slice %arg3[%run_scoped3A_1414, %mul3A_2] : memref<8x2048xf32, #tpu.memory_space<hbm>> -> memref<1x64xf32, #tpu.memory_space<hbm>>
      %dma_wait3A_1436 = tpu.memref_squeeze %dma_wait3A_1435 : memref<1x64xf32, #tpu.memory_space<hbm>> -> memref<64xf32, #tpu.memory_space<hbm>>
      %dma_wait3A_1437 = arith.constant 384 : i32
      %dma_wait3A_1438 = tpu.memref_slice %arg7[%dma_wait3A_1437] : memref<512xf32, #tpu.memory_space<vmem>> -> memref<64xf32, #tpu.memory_space<vmem>>
      tpu.wait_dma2 semaphore(%run_scoped3A_1424 : memref<!tpu.dma_semaphore, #tpu.memory_space<semaphore_mem>>) src(%dma_wait3A_1438 : memref<64xf32, #tpu.memory_space<vmem>>) dst(%dma_wait3A_1436 : memref<64xf32, #tpu.memory_space<hbm>>)
      tpu.yield
    }) : () -> ()
    %swap3A_1415 = arith.constant 112 : index
    %swap3A_1416 = tpu.vector_load %arg8[%swap3A_1415] {strides = array<i32>} : memref<128xf32, #tpu.memory_space<vmem>>, vector<16xf32>,
    %swap3A_1417 = vector.shape_cast %swap3A_1416 : vector<16xf32> to vector<16xf32>
    %swap3A_1418 = vector.shape_cast %add3A_1350 : vector<16xf32> to vector<16xf32>
    tpu.vector_store %arg8[%swap3A_1415], %swap3A_1418 {strides = array<i32>} : memref<128xf32, #tpu.memory_space<vmem>>, vector<16xf32>,
    %swap3A_1419 = arith.constant 112 : index
    %swap3A_1420 = tpu.vector_load %arg9[%swap3A_1419] {strides = array<i32>} : memref<128xf32, #tpu.memory_space<vmem>>, vector<16xf32>,
    %swap3A_1421 = vector.shape_cast %swap3A_1420 : vector<16xf32> to vector<16xf32>
    %swap3A_1422 = vector.shape_cast %add3A_1351 : vector<16xf32> to vector<16xf32>
    tpu.vector_store %arg9[%swap3A_1419], %swap3A_1422 {strides = array<i32>} : memref<128xf32, #tpu.memory_space<vmem>>, vector<16xf32>,
    %run_scoped3A_1423 = arith.constant 7 : i32
    "tpu.region"() ({
      %run_scoped3A_1424 = tpu.sem_alloc : memref<!tpu.dma_semaphore, #tpu.memory_space<semaphore_mem>>
      %dma_start3A = arith.constant 448 : i32
      %dma_start3A_1425 = tpu.memref_slice %arg7[%dma_start3A] : memref<512xf32, #tpu.memory_space<vmem>> -> memref<64xf32, #tpu.memory_space<vmem>>
      %dma_start3A_1426 = tpu.memref_slice %arg3[%run_scoped3A_1423, %mul3A_2] : memref<8x2048xf32, #tpu.memory_space<hbm>> -> memref<1x64xf32, #tpu.memory_space<hbm>>
      %dma_start3A_1427 = tpu.memref_squeeze %dma_start3A_1426 : memref<1x64xf32, #tpu.memory_space<hbm>> -> memref<64xf32, #tpu.memory_space<hbm>>
      %dma_start3A_1428 = tpu.memref_slice %arg3[%run_scoped3A_1423, %mul3A_2] : memref<8x2048xf32, #tpu.memory_space<hbm>> -> memref<1x64xf32, #tpu.memory_space<hbm>>
      %dma_start3A_1429 = tpu.memref_squeeze %dma_start3A_1428 : memref<1x64xf32, #tpu.memory_space<hbm>> -> memref<64xf32, #tpu.memory_space<hbm>>
      %dma_start3A_1430 = arith.constant 448 : i32
      %dma_start3A_1431 = tpu.memref_slice %arg7[%dma_start3A_1430] : memref<512xf32, #tpu.memory_space<vmem>> -> memref<64xf32, #tpu.memory_space<vmem>>
      tpu.enqueue_dma source(%dma_start3A_1431 : memref<64xf32, #tpu.memory_space<vmem>>) target(%dma_start3A_1429 : memref<64xf32, #tpu.memory_space<hbm>>) target_semaphore(%run_scoped3A_1424 : memref<!tpu.dma_semaphore, #tpu.memory_space<semaphore_mem>>)
      %dma_wait3A = arith.constant 448 : i32
      %dma_wait3A_1432 = tpu.memref_slice %arg7[%dma_wait3A] : memref<512xf32, #tpu.memory_space<vmem>> -> memref<64xf32, #tpu.memory_space<vmem>>
      %dma_wait3A_1433 = tpu.memref_slice %arg3[%run_scoped3A_1423, %mul3A_2] : memref<8x2048xf32, #tpu.memory_space<hbm>> -> memref<1x64xf32, #tpu.memory_space<hbm>>
      %dma_wait3A_1434 = tpu.memref_squeeze %dma_wait3A_1433 : memref<1x64xf32, #tpu.memory_space<hbm>> -> memref<64xf32, #tpu.memory_space<hbm>>
      %dma_wait3A_1435 = tpu.memref_slice %arg3[%run_scoped3A_1423, %mul3A_2] : memref<8x2048xf32, #tpu.memory_space<hbm>> -> memref<1x64xf32, #tpu.memory_space<hbm>>
      %dma_wait3A_1436 = tpu.memref_squeeze %dma_wait3A_1435 : memref<1x64xf32, #tpu.memory_space<hbm>> -> memref<64xf32, #tpu.memory_space<hbm>>
      %dma_wait3A_1437 = arith.constant 448 : i32
      %dma_wait3A_1438 = tpu.memref_slice %arg7[%dma_wait3A_1437] : memref<512xf32, #tpu.memory_space<vmem>> -> memref<64xf32, #tpu.memory_space<vmem>>
      tpu.wait_dma2 semaphore(%run_scoped3A_1424 : memref<!tpu.dma_semaphore, #tpu.memory_space<semaphore_mem>>) src(%dma_wait3A_1438 : memref<64xf32, #tpu.memory_space<vmem>>) dst(%dma_wait3A_1436 : memref<64xf32, #tpu.memory_space<hbm>>)
      tpu.yield
    }) : () -> ()
    "tpu.region"() ({
      %run_scoped3A_1424 = tpu.sem_alloc : memref<!tpu.dma_semaphore, #tpu.memory_space<semaphore_mem>>
      %dma_start3A = arith.constant 0 : i32
      %dma_start3A_1425 = tpu.memref_slice %arg4[%add3A, %dma_start3A] : memref<32x128xf32, #tpu.memory_space<hbm>> -> memref<1x128xf32, #tpu.memory_space<hbm>>
      %dma_start3A_1426 = tpu.memref_squeeze %dma_start3A_1425 : memref<1x128xf32, #tpu.memory_space<hbm>> -> memref<128xf32, #tpu.memory_space<hbm>>
      %dma_start3A_1427 = arith.constant 0 : i32
      %dma_start3A_1428 = tpu.memref_slice %arg4[%add3A, %dma_start3A_1427] : memref<32x128xf32, #tpu.memory_space<hbm>> -> memref<1x128xf32, #tpu.memory_space<hbm>>
      %dma_start3A_1429 = tpu.memref_squeeze %dma_start3A_1428 : memref<1x128xf32, #tpu.memory_space<hbm>> -> memref<128xf32, #tpu.memory_space<hbm>>
      tpu.enqueue_dma source(%arg8 : memref<128xf32, #tpu.memory_space<vmem>>) target(%dma_start3A_1429 : memref<128xf32, #tpu.memory_space<hbm>>) target_semaphore(%run_scoped3A_1424 : memref<!tpu.dma_semaphore, #tpu.memory_space<semaphore_mem>>)
      %dma_wait3A = arith.constant 0 : i32
      %dma_wait3A_1430 = tpu.memref_slice %arg4[%add3A, %dma_wait3A] : memref<32x128xf32, #tpu.memory_space<hbm>> -> memref<1x128xf32, #tpu.memory_space<hbm>>
      %dma_wait3A_1431 = tpu.memref_squeeze %dma_wait3A_1430 : memref<1x128xf32, #tpu.memory_space<hbm>> -> memref<128xf32, #tpu.memory_space<hbm>>
      %dma_wait3A_1432 = arith.constant 0 : i32
      %dma_wait3A_1433 = tpu.memref_slice %arg4[%add3A, %dma_wait3A_1432] : memref<32x128xf32, #tpu.memory_space<hbm>> -> memref<1x128xf32, #tpu.memory_space<hbm>>
      %dma_wait3A_1434 = tpu.memref_squeeze %dma_wait3A_1433 : memref<1x128xf32, #tpu.memory_space<hbm>> -> memref<128xf32, #tpu.memory_space<hbm>>
      tpu.wait_dma2 semaphore(%run_scoped3A_1424 : memref<!tpu.dma_semaphore, #tpu.memory_space<semaphore_mem>>) src(%arg8 : memref<128xf32, #tpu.memory_space<vmem>>) dst(%dma_wait3A_1434 : memref<128xf32, #tpu.memory_space<hbm>>)
      tpu.yield
    }) : () -> ()
    "tpu.region"() ({
      %run_scoped3A_1424 = tpu.sem_alloc : memref<!tpu.dma_semaphore, #tpu.memory_space<semaphore_mem>>
      %dma_start3A = arith.constant 0 : i32
      %dma_start3A_1425 = tpu.memref_slice %arg5[%add3A, %dma_start3A] : memref<32x128xf32, #tpu.memory_space<hbm>> -> memref<1x128xf32, #tpu.memory_space<hbm>>
      %dma_start3A_1426 = tpu.memref_squeeze %dma_start3A_1425 : memref<1x128xf32, #tpu.memory_space<hbm>> -> memref<128xf32, #tpu.memory_space<hbm>>
      %dma_start3A_1427 = arith.constant 0 : i32
      %dma_start3A_1428 = tpu.memref_slice %arg5[%add3A, %dma_start3A_1427] : memref<32x128xf32, #tpu.memory_space<hbm>> -> memref<1x128xf32, #tpu.memory_space<hbm>>
      %dma_start3A_1429 = tpu.memref_squeeze %dma_start3A_1428 : memref<1x128xf32, #tpu.memory_space<hbm>> -> memref<128xf32, #tpu.memory_space<hbm>>
      tpu.enqueue_dma source(%arg9 : memref<128xf32, #tpu.memory_space<vmem>>) target(%dma_start3A_1429 : memref<128xf32, #tpu.memory_space<hbm>>) target_semaphore(%run_scoped3A_1424 : memref<!tpu.dma_semaphore, #tpu.memory_space<semaphore_mem>>)
      %dma_wait3A = arith.constant 0 : i32
      %dma_wait3A_1430 = tpu.memref_slice %arg5[%add3A, %dma_wait3A] : memref<32x128xf32, #tpu.memory_space<hbm>> -> memref<1x128xf32, #tpu.memory_space<hbm>>
      %dma_wait3A_1431 = tpu.memref_squeeze %dma_wait3A_1430 : memref<1x128xf32, #tpu.memory_space<hbm>> -> memref<128xf32, #tpu.memory_space<hbm>>
      %dma_wait3A_1432 = arith.constant 0 : i32
      %dma_wait3A_1433 = tpu.memref_slice %arg5[%add3A, %dma_wait3A_1432] : memref<32x128xf32, #tpu.memory_space<hbm>> -> memref<1x128xf32, #tpu.memory_space<hbm>>
      %dma_wait3A_1434 = tpu.memref_squeeze %dma_wait3A_1433 : memref<1x128xf32, #tpu.memory_space<hbm>> -> memref<128xf32, #tpu.memory_space<hbm>>
      tpu.wait_dma2 semaphore(%run_scoped3A_1424 : memref<!tpu.dma_semaphore, #tpu.memory_space<semaphore_mem>>) src(%arg9 : memref<128xf32, #tpu.memory_space<vmem>>) dst(%dma_wait3A_1434 : memref<128xf32, #tpu.memory_space<hbm>>)
      tpu.yield
    }) : () -> ()
    return
  }
}

module attributes {stable_mosaic.version = 14 : i64} {
  func.func @_logits_kernel(%arg0: memref<8x768xf32, #tpu.memory_space<vmem>>, %arg1: memref<2048x768xf32, #tpu.memory_space<vmem>>, %arg2: memref<8x2048xf32, #tpu.memory_space<vmem>>) attributes {dimension_semantics = [], scalar_prefetch = 0 : i64, scratch_operands = 0 : i64, tpu.core_type = #tpu.core_type<tc>} {
    %get3A = arith.constant 0 : index
    %get3A_0 = arith.constant 0 : index
    %get3A_1 = vector.load %arg0[%get3A, %get3A_0] : memref<8x768xf32, #tpu.memory_space<vmem>>, vector<8x768xf32>
    %get3A_2 = arith.constant 0 : index
    %get3A_3 = arith.constant 0 : index
    %get3A_4 = vector.load %arg1[%get3A_2, %get3A_3] : memref<2048x768xf32, #tpu.memory_space<vmem>>, vector<2048x768xf32>
    %dot_general3A = arith.constant dense<0.000000e+00> : vector<8x2048xf32>
    %dot_general3A_5 = tpu.matmul %get3A_1, %get3A_4, %dot_general3A {dimension_numbers = #tpu.dot_dimension_numbers<[1], [1], [0], [0], [0, 0, 1, 0], [], []>, transpose_lhs_hint = false} : vector<8x768xf32>, vector<2048x768xf32>, vector<8x2048xf32> -> vector<8x2048xf32>
    %swap3A = arith.constant 0 : index
    %swap3A_6 = arith.constant 0 : index
    %swap3A_7 = vector.load %arg2[%swap3A, %swap3A_6] : memref<8x2048xf32, #tpu.memory_space<vmem>>, vector<8x2048xf32>
    tpu.vector_store %arg2[%swap3A, %swap3A_6], %dot_general3A_5 {strides = array<i32>} : memref<8x2048xf32, #tpu.memory_space<vmem>>, vector<8x2048xf32>,
    return
  }
}

module attributes {stable_mosaic.version = 14 : i64} {
  func.func @_ffn_kernel(%arg0: i32, %arg1: memref<2048x768xf32, #tpu.memory_space<vmem>>, %arg2: memref<1x768x768xf32, #tpu.memory_space<vmem>>, %arg3: memref<1x1x768xf32, #tpu.memory_space<vmem>>, %arg4: memref<1x768x768xf32, #tpu.memory_space<vmem>>, %arg5: memref<1x1x768xf32, #tpu.memory_space<vmem>>, %arg6: memref<8x2048xf32, #tpu.memory_space<vmem>>, %arg7: memref<32x128xf32, #tpu.memory_space<vmem>>, %arg8: memref<32x128xf32, #tpu.memory_space<vmem>>, %arg9: memref<2048x768xf32, #tpu.memory_space<vmem>>, %arg10: memref<1x1xf32, #tpu.memory_space<vmem>>, %arg11: memref<2048x768xbf16, #tpu.memory_space<vmem>>) attributes {dimension_semantics = [#tpu.dimension_semantics<arbitrary>], iteration_bounds = array<i64: 8>, scalar_prefetch = 0 : i64, scratch_operands = 1 : i64, tpu.core_type = #tpu.core_type<tc>, window_params = [{pipeline_mode = #tpu.pipeline_mode<synchronous>, transform_indices = @transform_0, window_bounds = array<i64: 2048, 768>}, {transform_indices = @transform_1, window_bounds = array<i64: 1, 768, 768>}, {transform_indices = @transform_2, window_bounds = array<i64: 1, 1, 768>}, {transform_indices = @transform_3, window_bounds = array<i64: 1, 768, 768>}, {transform_indices = @transform_4, window_bounds = array<i64: 1, 1, 768>}, {pipeline_mode = #tpu.pipeline_mode<synchronous>, transform_indices = @transform_5, window_bounds = array<i64: 8, 2048>}, {pipeline_mode = #tpu.pipeline_mode<synchronous>, transform_indices = @transform_6, window_bounds = array<i64: 32, 128>}, {pipeline_mode = #tpu.pipeline_mode<synchronous>, transform_indices = @transform_7, window_bounds = array<i64: 32, 128>}, {pipeline_mode = #tpu.pipeline_mode<synchronous>, transform_indices = @transform_8, window_bounds = array<i64: 2048, 768>}, {pipeline_mode = #tpu.pipeline_mode<synchronous>, transform_indices = @transform_9, window_bounds = array<i64: 1, 1>}]} {
    %eq3A = arith.constant 0 : i32
    %eq3A_0 = arith.cmpi eq, %arg0, %eq3A : i32
    %convert_element_type3A = arith.extui %eq3A_0 : i1 to i32
    %cond3A = arith.constant 0 : i32
    %cond3A_1 = arith.cmpi ne, %convert_element_type3A, %cond3A : i32
    scf.if %cond3A_1 {
      %get3A_50 = arith.constant 0 : index
      %get3A_51 = arith.constant 0 : index
      %get3A_52 = vector.load %arg1[%get3A_50, %get3A_51] : memref<2048x768xf32, #tpu.memory_space<vmem>>, vector<2048x768xf32>
      %convert_element_type3A_53 = arith.truncf %get3A_52 : vector<2048x768xf32> to vector<2048x768xbf16>
      %swap3A = arith.constant 0 : index
      %swap3A_54 = arith.constant 0 : index
      %swap3A_55 = vector.load %arg11[%swap3A, %swap3A_54] : memref<2048x768xbf16, #tpu.memory_space<vmem>>, vector<2048x768xbf16>
      tpu.vector_store %arg11[%swap3A, %swap3A_54], %convert_element_type3A_53 {strides = array<i32>} : memref<2048x768xbf16, #tpu.memory_space<vmem>>, vector<2048x768xbf16>,
      %get3A_56 = arith.constant 0 : index
      %get3A_57 = arith.constant 0 : index
      %get3A_58 = vector.load %arg7[%get3A_56, %get3A_57] : memref<32x128xf32, #tpu.memory_space<vmem>>, vector<32x128xf32>
      %get3A_59 = arith.constant 0 : index
      %get3A_60 = arith.constant 0 : index
      %get3A_61 = vector.load %arg8[%get3A_59, %get3A_60] : memref<32x128xf32, #tpu.memory_space<vmem>>, vector<32x128xf32>
      %slice3A = vector.extract_strided_slice %get3A_58 {offsets = [0, 0], sizes = [32, 16], strides = [1, 1]} : vector<32x128xf32> to vector<32x16xf32>
      %reduce_sum3A = vector.shape_cast %slice3A : vector<32x16xf32> to vector<1x32x16xf32>
      %reduce_sum3A_62 = arith.constant dense<0.000000e+00> : vector<1xf32>
      %reduce_sum3A_63 = vector.multi_reduction <add>, %reduce_sum3A, %reduce_sum3A_62 [1, 2] : vector<1x32x16xf32> to vector<1xf32>
      %reduce_sum3A_64 = vector.shape_cast %reduce_sum3A_63 : vector<1xf32> to vector<1x1x1xf32>
      %reduce_sum3A_65 = vector.extract %reduce_sum3A_64[0, 0, 0] : f32 from vector<1x1x1xf32>
      %slice3A_66 = vector.extract_strided_slice %get3A_61 {offsets = [0, 0], sizes = [32, 16], strides = [1, 1]} : vector<32x128xf32> to vector<32x16xf32>
      %reduce_sum3A_67 = vector.shape_cast %slice3A_66 : vector<32x16xf32> to vector<1x32x16xf32>
      %reduce_sum3A_68 = arith.constant dense<0.000000e+00> : vector<1xf32>
      %reduce_sum3A_69 = vector.multi_reduction <add>, %reduce_sum3A_67, %reduce_sum3A_68 [1, 2] : vector<1x32x16xf32> to vector<1xf32>
      %reduce_sum3A_70 = vector.shape_cast %reduce_sum3A_69 : vector<1xf32> to vector<1x1x1xf32>
      %reduce_sum3A_71 = vector.extract %reduce_sum3A_70[0, 0, 0] : f32 from vector<1x1x1xf32>
      %mul3A_72 = arith.mulf %reduce_sum3A_65, %reduce_sum3A_71 : f32
      %add3A_73 = arith.constant 0.000000e+00 : f32
      %add3A_74 = arith.addf %add3A_73, %mul3A_72 : f32
      %slice3A_75 = vector.extract_strided_slice %get3A_58 {offsets = [0, 16], sizes = [32, 16], strides = [1, 1]} : vector<32x128xf32> to vector<32x16xf32>
      %reduce_sum3A_76 = vector.shape_cast %slice3A_75 : vector<32x16xf32> to vector<1x32x16xf32>
      %reduce_sum3A_77 = arith.constant dense<0.000000e+00> : vector<1xf32>
      %reduce_sum3A_78 = vector.multi_reduction <add>, %reduce_sum3A_76, %reduce_sum3A_77 [1, 2] : vector<1x32x16xf32> to vector<1xf32>
      %reduce_sum3A_79 = vector.shape_cast %reduce_sum3A_78 : vector<1xf32> to vector<1x1x1xf32>
      %reduce_sum3A_80 = vector.extract %reduce_sum3A_79[0, 0, 0] : f32 from vector<1x1x1xf32>
      %slice3A_81 = vector.extract_strided_slice %get3A_61 {offsets = [0, 16], sizes = [32, 16], strides = [1, 1]} : vector<32x128xf32> to vector<32x16xf32>
      %reduce_sum3A_82 = vector.shape_cast %slice3A_81 : vector<32x16xf32> to vector<1x32x16xf32>
      %reduce_sum3A_83 = arith.constant dense<0.000000e+00> : vector<1xf32>
      %reduce_sum3A_84 = vector.multi_reduction <add>, %reduce_sum3A_82, %reduce_sum3A_83 [1, 2] : vector<1x32x16xf32> to vector<1xf32>
      %reduce_sum3A_85 = vector.shape_cast %reduce_sum3A_84 : vector<1xf32> to vector<1x1x1xf32>
      %reduce_sum3A_86 = vector.extract %reduce_sum3A_85[0, 0, 0] : f32 from vector<1x1x1xf32>
      %mul3A_87 = arith.mulf %reduce_sum3A_80, %reduce_sum3A_86 : f32
      %add3A_88 = arith.addf %add3A_74, %mul3A_87 : f32
      %slice3A_89 = vector.extract_strided_slice %get3A_58 {offsets = [0, 32], sizes = [32, 16], strides = [1, 1]} : vector<32x128xf32> to vector<32x16xf32>
      %reduce_sum3A_90 = vector.shape_cast %slice3A_89 : vector<32x16xf32> to vector<1x32x16xf32>
      %reduce_sum3A_91 = arith.constant dense<0.000000e+00> : vector<1xf32>
      %reduce_sum3A_92 = vector.multi_reduction <add>, %reduce_sum3A_90, %reduce_sum3A_91 [1, 2] : vector<1x32x16xf32> to vector<1xf32>
      %reduce_sum3A_93 = vector.shape_cast %reduce_sum3A_92 : vector<1xf32> to vector<1x1x1xf32>
      %reduce_sum3A_94 = vector.extract %reduce_sum3A_93[0, 0, 0] : f32 from vector<1x1x1xf32>
      %slice3A_95 = vector.extract_strided_slice %get3A_61 {offsets = [0, 32], sizes = [32, 16], strides = [1, 1]} : vector<32x128xf32> to vector<32x16xf32>
      %reduce_sum3A_96 = vector.shape_cast %slice3A_95 : vector<32x16xf32> to vector<1x32x16xf32>
      %reduce_sum3A_97 = arith.constant dense<0.000000e+00> : vector<1xf32>
      %reduce_sum3A_98 = vector.multi_reduction <add>, %reduce_sum3A_96, %reduce_sum3A_97 [1, 2] : vector<1x32x16xf32> to vector<1xf32>
      %reduce_sum3A_99 = vector.shape_cast %reduce_sum3A_98 : vector<1xf32> to vector<1x1x1xf32>
      %reduce_sum3A_100 = vector.extract %reduce_sum3A_99[0, 0, 0] : f32 from vector<1x1x1xf32>
      %mul3A_101 = arith.mulf %reduce_sum3A_94, %reduce_sum3A_100 : f32
      %add3A_102 = arith.addf %add3A_88, %mul3A_101 : f32
      %slice3A_103 = vector.extract_strided_slice %get3A_58 {offsets = [0, 48], sizes = [32, 16], strides = [1, 1]} : vector<32x128xf32> to vector<32x16xf32>
      %reduce_sum3A_104 = vector.shape_cast %slice3A_103 : vector<32x16xf32> to vector<1x32x16xf32>
      %reduce_sum3A_105 = arith.constant dense<0.000000e+00> : vector<1xf32>
      %reduce_sum3A_106 = vector.multi_reduction <add>, %reduce_sum3A_104, %reduce_sum3A_105 [1, 2] : vector<1x32x16xf32> to vector<1xf32>
      %reduce_sum3A_107 = vector.shape_cast %reduce_sum3A_106 : vector<1xf32> to vector<1x1x1xf32>
      %reduce_sum3A_108 = vector.extract %reduce_sum3A_107[0, 0, 0] : f32 from vector<1x1x1xf32>
      %slice3A_109 = vector.extract_strided_slice %get3A_61 {offsets = [0, 48], sizes = [32, 16], strides = [1, 1]} : vector<32x128xf32> to vector<32x16xf32>
      %reduce_sum3A_110 = vector.shape_cast %slice3A_109 : vector<32x16xf32> to vector<1x32x16xf32>
      %reduce_sum3A_111 = arith.constant dense<0.000000e+00> : vector<1xf32>
      %reduce_sum3A_112 = vector.multi_reduction <add>, %reduce_sum3A_110, %reduce_sum3A_111 [1, 2] : vector<1x32x16xf32> to vector<1xf32>
      %reduce_sum3A_113 = vector.shape_cast %reduce_sum3A_112 : vector<1xf32> to vector<1x1x1xf32>
      %reduce_sum3A_114 = vector.extract %reduce_sum3A_113[0, 0, 0] : f32 from vector<1x1x1xf32>
      %mul3A_115 = arith.mulf %reduce_sum3A_108, %reduce_sum3A_114 : f32
      %add3A_116 = arith.addf %add3A_102, %mul3A_115 : f32
      %slice3A_117 = vector.extract_strided_slice %get3A_58 {offsets = [0, 64], sizes = [32, 16], strides = [1, 1]} : vector<32x128xf32> to vector<32x16xf32>
      %reduce_sum3A_118 = vector.shape_cast %slice3A_117 : vector<32x16xf32> to vector<1x32x16xf32>
      %reduce_sum3A_119 = arith.constant dense<0.000000e+00> : vector<1xf32>
      %reduce_sum3A_120 = vector.multi_reduction <add>, %reduce_sum3A_118, %reduce_sum3A_119 [1, 2] : vector<1x32x16xf32> to vector<1xf32>
      %reduce_sum3A_121 = vector.shape_cast %reduce_sum3A_120 : vector<1xf32> to vector<1x1x1xf32>
      %reduce_sum3A_122 = vector.extract %reduce_sum3A_121[0, 0, 0] : f32 from vector<1x1x1xf32>
      %slice3A_123 = vector.extract_strided_slice %get3A_61 {offsets = [0, 64], sizes = [32, 16], strides = [1, 1]} : vector<32x128xf32> to vector<32x16xf32>
      %reduce_sum3A_124 = vector.shape_cast %slice3A_123 : vector<32x16xf32> to vector<1x32x16xf32>
      %reduce_sum3A_125 = arith.constant dense<0.000000e+00> : vector<1xf32>
      %reduce_sum3A_126 = vector.multi_reduction <add>, %reduce_sum3A_124, %reduce_sum3A_125 [1, 2] : vector<1x32x16xf32> to vector<1xf32>
      %reduce_sum3A_127 = vector.shape_cast %reduce_sum3A_126 : vector<1xf32> to vector<1x1x1xf32>
      %reduce_sum3A_128 = vector.extract %reduce_sum3A_127[0, 0, 0] : f32 from vector<1x1x1xf32>
      %mul3A_129 = arith.mulf %reduce_sum3A_122, %reduce_sum3A_128 : f32
      %add3A_130 = arith.addf %add3A_116, %mul3A_129 : f32
      %slice3A_131 = vector.extract_strided_slice %get3A_58 {offsets = [0, 80], sizes = [32, 16], strides = [1, 1]} : vector<32x128xf32> to vector<32x16xf32>
      %reduce_sum3A_132 = vector.shape_cast %slice3A_131 : vector<32x16xf32> to vector<1x32x16xf32>
      %reduce_sum3A_133 = arith.constant dense<0.000000e+00> : vector<1xf32>
      %reduce_sum3A_134 = vector.multi_reduction <add>, %reduce_sum3A_132, %reduce_sum3A_133 [1, 2] : vector<1x32x16xf32> to vector<1xf32>
      %reduce_sum3A_135 = vector.shape_cast %reduce_sum3A_134 : vector<1xf32> to vector<1x1x1xf32>
      %reduce_sum3A_136 = vector.extract %reduce_sum3A_135[0, 0, 0] : f32 from vector<1x1x1xf32>
      %slice3A_137 = vector.extract_strided_slice %get3A_61 {offsets = [0, 80], sizes = [32, 16], strides = [1, 1]} : vector<32x128xf32> to vector<32x16xf32>
      %reduce_sum3A_138 = vector.shape_cast %slice3A_137 : vector<32x16xf32> to vector<1x32x16xf32>
      %reduce_sum3A_139 = arith.constant dense<0.000000e+00> : vector<1xf32>
      %reduce_sum3A_140 = vector.multi_reduction <add>, %reduce_sum3A_138, %reduce_sum3A_139 [1, 2] : vector<1x32x16xf32> to vector<1xf32>
      %reduce_sum3A_141 = vector.shape_cast %reduce_sum3A_140 : vector<1xf32> to vector<1x1x1xf32>
      %reduce_sum3A_142 = vector.extract %reduce_sum3A_141[0, 0, 0] : f32 from vector<1x1x1xf32>
      %mul3A_143 = arith.mulf %reduce_sum3A_136, %reduce_sum3A_142 : f32
      %add3A_144 = arith.addf %add3A_130, %mul3A_143 : f32
      %slice3A_145 = vector.extract_strided_slice %get3A_58 {offsets = [0, 96], sizes = [32, 16], strides = [1, 1]} : vector<32x128xf32> to vector<32x16xf32>
      %reduce_sum3A_146 = vector.shape_cast %slice3A_145 : vector<32x16xf32> to vector<1x32x16xf32>
      %reduce_sum3A_147 = arith.constant dense<0.000000e+00> : vector<1xf32>
      %reduce_sum3A_148 = vector.multi_reduction <add>, %reduce_sum3A_146, %reduce_sum3A_147 [1, 2] : vector<1x32x16xf32> to vector<1xf32>
      %reduce_sum3A_149 = vector.shape_cast %reduce_sum3A_148 : vector<1xf32> to vector<1x1x1xf32>
      %reduce_sum3A_150 = vector.extract %reduce_sum3A_149[0, 0, 0] : f32 from vector<1x1x1xf32>
      %slice3A_151 = vector.extract_strided_slice %get3A_61 {offsets = [0, 96], sizes = [32, 16], strides = [1, 1]} : vector<32x128xf32> to vector<32x16xf32>
      %reduce_sum3A_152 = vector.shape_cast %slice3A_151 : vector<32x16xf32> to vector<1x32x16xf32>
      %reduce_sum3A_153 = arith.constant dense<0.000000e+00> : vector<1xf32>
      %reduce_sum3A_154 = vector.multi_reduction <add>, %reduce_sum3A_152, %reduce_sum3A_153 [1, 2] : vector<1x32x16xf32> to vector<1xf32>
      %reduce_sum3A_155 = vector.shape_cast %reduce_sum3A_154 : vector<1xf32> to vector<1x1x1xf32>
      %reduce_sum3A_156 = vector.extract %reduce_sum3A_155[0, 0, 0] : f32 from vector<1x1x1xf32>
      %mul3A_157 = arith.mulf %reduce_sum3A_150, %reduce_sum3A_156 : f32
      %add3A_158 = arith.addf %add3A_144, %mul3A_157 : f32
      %slice3A_159 = vector.extract_strided_slice %get3A_58 {offsets = [0, 112], sizes = [32, 16], strides = [1, 1]} : vector<32x128xf32> to vector<32x16xf32>
      %reduce_sum3A_160 = vector.shape_cast %slice3A_159 : vector<32x16xf32> to vector<1x32x16xf32>
      %reduce_sum3A_161 = arith.constant dense<0.000000e+00> : vector<1xf32>
      %reduce_sum3A_162 = vector.multi_reduction <add>, %reduce_sum3A_160, %reduce_sum3A_161 [1, 2] : vector<1x32x16xf32> to vector<1xf32>
      %reduce_sum3A_163 = vector.shape_cast %reduce_sum3A_162 : vector<1xf32> to vector<1x1x1xf32>
      %reduce_sum3A_164 = vector.extract %reduce_sum3A_163[0, 0, 0] : f32 from vector<1x1x1xf32>
      %slice3A_165 = vector.extract_strided_slice %get3A_61 {offsets = [0, 112], sizes = [32, 16], strides = [1, 1]} : vector<32x128xf32> to vector<32x16xf32>
      %reduce_sum3A_166 = vector.shape_cast %slice3A_165 : vector<32x16xf32> to vector<1x32x16xf32>
      %reduce_sum3A_167 = arith.constant dense<0.000000e+00> : vector<1xf32>
      %reduce_sum3A_168 = vector.multi_reduction <add>, %reduce_sum3A_166, %reduce_sum3A_167 [1, 2] : vector<1x32x16xf32> to vector<1xf32>
      %reduce_sum3A_169 = vector.shape_cast %reduce_sum3A_168 : vector<1xf32> to vector<1x1x1xf32>
      %reduce_sum3A_170 = vector.extract %reduce_sum3A_169[0, 0, 0] : f32 from vector<1x1x1xf32>
      %mul3A_171 = arith.mulf %reduce_sum3A_164, %reduce_sum3A_170 : f32
      %add3A_172 = arith.addf %add3A_158, %mul3A_171 : f32
      %mul3A_173 = arith.constant 8.000000e+00 : f32
      %mul3A_174 = arith.mulf %add3A_172, %mul3A_173 : f32
      %div3A = arith.constant 0x4A800000 : f32
      %div3A_175 = arith.divf %mul3A_174, %div3A : f32
      %reshape3A = vector.broadcast %div3A_175 : f32 to vector<1x1xf32>
      %swap3A_176 = arith.constant 0 : index
      %swap3A_177 = arith.constant 0 : index
      %swap3A_178 = vector.load %arg10[%swap3A_176, %swap3A_177] : memref<1x1xf32, #tpu.memory_space<vmem>>, vector<1x1xf32>
      tpu.vector_store %arg10[%swap3A_176, %swap3A_177], %reshape3A {strides = array<i32>} : memref<1x1xf32, #tpu.memory_space<vmem>>, vector<1x1xf32>,
    } else {
    }
    %get3A = arith.constant 0 : index
    %get3A_2 = arith.constant 0 : index
    %get3A_3 = vector.load %arg11[%get3A, %get3A_2] : memref<2048x768xbf16, #tpu.memory_space<vmem>>, vector<2048x768xbf16>
    %get3A_4 = arith.constant 0 : index
    %get3A_5 = arith.constant 0 : index
    %get3A_6 = arith.constant 0 : index
    %get3A_7 = vector.load %arg2[%get3A_4, %get3A_5, %get3A_6] : memref<1x768x768xf32, #tpu.memory_space<vmem>>, vector<1x768x768xf32>
    %get3A_8 = vector.shape_cast %get3A_7 : vector<1x768x768xf32> to vector<768x768xf32>
    %convert_element_type3A_9 = arith.truncf %get3A_8 : vector<768x768xf32> to vector<768x768xbf16>
    %dot_general3A = arith.constant dense<0.000000e+00> : vector<2048x768xf32>
    %dot_general3A_10 = tpu.matmul %get3A_3, %convert_element_type3A_9, %dot_general3A {dimension_numbers = #tpu.dot_dimension_numbers<[1], [1], [0], [0], [0, 0, 1, 0], [], []>, transpose_lhs_hint = false} : vector<2048x768xbf16>, vector<768x768xbf16>, vector<2048x768xf32> -> vector<2048x768xf32>
    %get3A_11 = arith.constant 0 : index
    %get3A_12 = arith.constant 0 : index
    %get3A_13 = arith.constant 0 : index
    %get3A_14 = vector.load %arg3[%get3A_11, %get3A_12, %get3A_13] : memref<1x1x768xf32, #tpu.memory_space<vmem>>, vector<1x1x768xf32>
    %get3A_15 = vector.shape_cast %get3A_14 : vector<1x1x768xf32> to vector<1x768xf32>
    %add3A = vector.broadcast %get3A_15 : vector<1x768xf32> to vector<2048x768xf32>
    %add3A_16 = arith.addf %dot_general3A_10, %add3A : vector<2048x768xf32>
    %logistic3A = arith.negf %add3A_16 : vector<2048x768xf32>
    %logistic3A_17 = math.exp %logistic3A : vector<2048x768xf32>
    %logistic3A_18 = arith.constant 1.000000e+00 : f32
    %logistic3A_19 = vector.broadcast %logistic3A_18 : f32 to vector<2048x768xf32>
    %logistic3A_20 = arith.addf %logistic3A_19, %logistic3A_17 : vector<2048x768xf32>
    %logistic3A_21 = arith.divf %logistic3A_19, %logistic3A_20 : vector<2048x768xf32>
    %mul3A = arith.mulf %add3A_16, %logistic3A_21 : vector<2048x768xf32>
    %get3A_22 = arith.constant 0 : index
    %get3A_23 = arith.constant 0 : index
    %get3A_24 = arith.constant 0 : index
    %get3A_25 = vector.load %arg4[%get3A_22, %get3A_23, %get3A_24] : memref<1x768x768xf32, #tpu.memory_space<vmem>>, vector<1x768x768xf32>
    %get3A_26 = vector.shape_cast %get3A_25 : vector<1x768x768xf32> to vector<768x768xf32>
    %convert_element_type3A_27 = arith.truncf %get3A_26 : vector<768x768xf32> to vector<768x768xbf16>
    %convert_element_type3A_28 = arith.truncf %mul3A : vector<2048x768xf32> to vector<2048x768xbf16>
    %dot_general3A_29 = arith.constant dense<0.000000e+00> : vector<2048x768xf32>
    %dot_general3A_30 = tpu.matmul %convert_element_type3A_28, %convert_element_type3A_27, %dot_general3A_29 {dimension_numbers = #tpu.dot_dimension_numbers<[1], [1], [0], [0], [0, 0, 1, 0], [], []>, transpose_lhs_hint = false} : vector<2048x768xbf16>, vector<768x768xbf16>, vector<2048x768xf32> -> vector<2048x768xf32>
    %get3A_31 = arith.constant 0 : index
    %get3A_32 = arith.constant 0 : index
    %get3A_33 = arith.constant 0 : index
    %get3A_34 = vector.load %arg5[%get3A_31, %get3A_32, %get3A_33] : memref<1x1x768xf32, #tpu.memory_space<vmem>>, vector<1x1x768xf32>
    %get3A_35 = vector.shape_cast %get3A_34 : vector<1x1x768xf32> to vector<1x768xf32>
    %add3A_36 = vector.broadcast %get3A_35 : vector<1x768xf32> to vector<2048x768xf32>
    %add3A_37 = arith.addf %dot_general3A_30, %add3A_36 : vector<2048x768xf32>
    %get3A_38 = arith.index_cast %arg0 : i32 to index
    %get3A_39 = arith.constant 0 : index
    %get3A_40 = vector.load %arg6[%get3A_38, %get3A_39] : memref<8x2048xf32, #tpu.memory_space<vmem>>, vector<1x2048xf32>
    %transpose3A = tpu.transpose %get3A_40, [1, 0] : vector<1x2048xf32> -> vector<2048x1xf32>
    %eq3A_41 = arith.constant 0 : i32
    %eq3A_42 = arith.cmpi eq, %arg0, %eq3A_41 : i32
    %convert_element_type3A_43 = arith.extui %eq3A_42 : i1 to i32
    %cond3A_44 = arith.constant 0 : i32
    %cond3A_45 = arith.cmpi ne, %convert_element_type3A_43, %cond3A_44 : i32
    scf.if %cond3A_45 {
      %mul3A_50 = vector.broadcast %transpose3A : vector<2048x1xf32> to vector<2048x768xf32>
      %mul3A_51 = arith.mulf %mul3A_50, %add3A_37 : vector<2048x768xf32>
      %swap3A = arith.constant 0 : index
      %swap3A_52 = arith.constant 0 : index
      %swap3A_53 = vector.load %arg9[%swap3A, %swap3A_52] : memref<2048x768xf32, #tpu.memory_space<vmem>>, vector<2048x768xf32>
      tpu.vector_store %arg9[%swap3A, %swap3A_52], %mul3A_51 {strides = array<i32>} : memref<2048x768xf32, #tpu.memory_space<vmem>>, vector<2048x768xf32>,
    } else {
    }
    %gt3A = arith.constant 0 : i32
    %gt3A_46 = arith.cmpi sgt, %arg0, %gt3A : i32
    %convert_element_type3A_47 = arith.extui %gt3A_46 : i1 to i32
    %cond3A_48 = arith.constant 0 : i32
    %cond3A_49 = arith.cmpi ne, %convert_element_type3A_47, %cond3A_48 : i32
    scf.if %cond3A_49 {
      %get3A_50 = arith.constant 0 : index
      %get3A_51 = arith.constant 0 : index
      %get3A_52 = vector.load %arg9[%get3A_50, %get3A_51] : memref<2048x768xf32, #tpu.memory_space<vmem>>, vector<2048x768xf32>
      %mul3A_53 = vector.broadcast %transpose3A : vector<2048x1xf32> to vector<2048x768xf32>
      %mul3A_54 = arith.mulf %mul3A_53, %add3A_37 : vector<2048x768xf32>
      %add3A_55 = arith.addf %get3A_52, %mul3A_54 : vector<2048x768xf32>
      %swap3A = arith.constant 0 : index
      %swap3A_56 = arith.constant 0 : index
      %swap3A_57 = vector.load %arg9[%swap3A, %swap3A_56] : memref<2048x768xf32, #tpu.memory_space<vmem>>, vector<2048x768xf32>
      tpu.vector_store %arg9[%swap3A, %swap3A_56], %add3A_55 {strides = array<i32>} : memref<2048x768xf32, #tpu.memory_space<vmem>>, vector<2048x768xf32>,
    } else {
    }
    return
  }
  func.func @transform_0(%arg0: i32) -> (i32, i32) {
    %c0_i32 = arith.constant 0 : i32
    %c0_i32_0 = arith.constant 0 : i32
    %c0_i32_1 = arith.constant 0 : i32
    return %c0_i32, %c0_i32_0 : i32, i32
  }
  func.func @transform_1(%arg0: i32) -> (i32, i32, i32) {
    %c0_i32 = arith.constant 0 : i32
    %c0_i32_0 = arith.constant 0 : i32
    %c0_i32_1 = arith.constant 0 : i32
    return %arg0, %c0_i32, %c0_i32_0 : i32, i32, i32
  }
  func.func @transform_2(%arg0: i32) -> (i32, i32, i32) {
    %c0_i32 = arith.constant 0 : i32
    %c0_i32_0 = arith.constant 0 : i32
    %c0_i32_1 = arith.constant 0 : i32
    return %arg0, %c0_i32, %c0_i32_0 : i32, i32, i32
  }
  func.func @transform_3(%arg0: i32) -> (i32, i32, i32) {
    %c0_i32 = arith.constant 0 : i32
    %c0_i32_0 = arith.constant 0 : i32
    %c0_i32_1 = arith.constant 0 : i32
    return %arg0, %c0_i32, %c0_i32_0 : i32, i32, i32
  }
  func.func @transform_4(%arg0: i32) -> (i32, i32, i32) {
    %c0_i32 = arith.constant 0 : i32
    %c0_i32_0 = arith.constant 0 : i32
    %c0_i32_1 = arith.constant 0 : i32
    return %arg0, %c0_i32, %c0_i32_0 : i32, i32, i32
  }
  func.func @transform_5(%arg0: i32) -> (i32, i32) {
    %c0_i32 = arith.constant 0 : i32
    %c0_i32_0 = arith.constant 0 : i32
    %c0_i32_1 = arith.constant 0 : i32
    return %c0_i32, %c0_i32_0 : i32, i32
  }
  func.func @transform_6(%arg0: i32) -> (i32, i32) {
    %c0_i32 = arith.constant 0 : i32
    %c0_i32_0 = arith.constant 0 : i32
    %c0_i32_1 = arith.constant 0 : i32
    return %c0_i32, %c0_i32_0 : i32, i32
  }
  func.func @transform_7(%arg0: i32) -> (i32, i32) {
    %c0_i32 = arith.constant 0 : i32
    %c0_i32_0 = arith.constant 0 : i32
    %c0_i32_1 = arith.constant 0 : i32
    return %c0_i32, %c0_i32_0 : i32, i32
  }
  func.func @transform_8(%arg0: i32) -> (i32, i32) {
    %c0_i32 = arith.constant 0 : i32
    %c0_i32_0 = arith.constant 0 : i32
    %c0_i32_1 = arith.constant 0 : i32
    return %c0_i32, %c0_i32_0 : i32, i32
  }
  func.func @transform_9(%arg0: i32) -> (i32, i32) {
    %c0_i32 = arith.constant 0 : i32
    %c0_i32_0 = arith.constant 0 : i32
    %c0_i32_1 = arith.constant 0 : i32
    return %c0_i32, %c0_i32_0 : i32, i32
  }
}

</mosaic_0001>

<sc_bundles>
// kernel: kernel.5.cloned.1.call-start
scs
__scs_entry_jumppad:
0x0: {  	(pc) =	sbr.rel $0x88, $3  }
0x1: {  	(tag) =	ssettag $0x0;
	lr =	simm.s32 $0x1  }
0x2: {  	[smem:$0x3F9B] =	sst lr;
	_ =	strace $0xD0000000  }
0x3: {  	_ = 	snop  }
0x4: {  	_ = 	snop  }
0x5: {  	_ = 	snop  }
0x6: {  	_ = 	snop  }
0x7: {  	_ = 	snop  }
__scs_overlays_trampoline_lowered:
0x8: {  	[smem:$0x3FAA] =	sst s0  }
0x9: {  	[smem:$0x3FAB] =	sst s1  }
0xa: {  	[smem:$0x3FAC] =	sst s2  }
0xb: {  	[smem:$0x3FAD] =	sst s3  }
0xc: {  	[smem:$0x3FAE] =	sst s4  }
0xd: {  	[smem:$0x3FAF] =	sst s5  }
0xe: {  	[smem:$0x3FB0] =	sst s6  }
0xf: {  	[smem:$0x3FB1] =	sst s7  }
0x10: {  	[smem:$0x3FB2] =	sst s8  }
0x11: {  	[smem:$0x3FB3] =	sst s9;
	s0 =	simm.s32 @!p0 $0x0  }
0x12: {  	s1 =	sld [smem:$0x3F99];
	s0 =	simm.s32 @p0 $0x1  }
0x13: {  	[smem:$0x3FB4] =	sst s0;
	s0 =	simm.s32 @!p1 $0x0  }
0x14: {  	s2 =	sld [smem:$0x3F98];
	s0 =	simm.s32 @p1 $0x1  }
0x15: {  	[smem:$0x3FB5] =	sst s0;
	s0 =	simm.s32 @!p2 $0x0  }
0x16: {  	s3 =	sld [smem:$0x3FDB];
	s0 =	simm.s32 @p2 $0x1  }
0x17: {  	s4 =	simm.s32 $0x1BF5;
	[smem:$0x3FB7] =	sst s0  }
0x18: {  	s0 =	sld [smem:$0x3F9A];
	_ =	swait.ge [sflag:s4], $0x0  }
0x19: {  	s7 =	sld [smem:$0x3F9B]  }
0x1a: {  	s8 =	sadd.s32 $0xFFFFE003, lr  }
0x1b: {  	s9 =	sadd.s32 $0xFFFFFEF7, lr;
	s5 =	simm.s32 $0xFFFFFFFF;
	p2 =	slt.u32 s8, $0xFFFFF086  }
0x1c: {  	p1 =	slt.u32 s9, $0xF7A;
	s5 =	simm.s32 @!p2 $0x0  }
0x1d: {  	s5 =	simm.s32 @p1 $0x1;
	p0 =	seq.s32 s7, s2  }
0x1e: {  	s7 =	smul.u32 @!p0 $0xF7A, s2;
	p2 =	seq.s32 @!p0 s5, $0x0  }
0x1f: {  	s9 =	smul.u32 $0xF7A, s1;
	s8 =	simm.s32 @!p0 $0x1BF5;
	p2 =	por !p2, p0  }
0x20: {  	[sflag:s8] =	ssyncset.s32 @!p0 $0xFFFFF086;
	s6 =	sadd.s32 @!p0 s3, s7;
	s7 =	simm.s32 @!p0 $0x108  }
0x21: {  	s3 =	sadd.s32 s3, s9;
	s6 =	sadd.s32 @!p0 $0x88, s6;
	s7 =	simm.s32 @p2 $0x1082  }
0x22: {  	[simem:s7], [sflag:s8] =	dma.local @!p0 [hbm:s6], $0xF7A  }
0x23: {  	s9 =	sor.u32 $0xD0000000, s2;
	s6 =	simm.s32 $0x108;
	_ =	swait.ge @!p0 [sflag:s8], $0x0  }
0x24: {  	s3 =	sadd.s32 $0x88, s3;
	s6 =	simm.s32 @!p1 $0x1082;
	[sflag:s4] =	ssyncset.s32 $0xFFFFF086  }
0x25: {  	[simem:s6], [sflag:s4] =	dma.local [hbm:s3], $0xF7A  }
0x26: {  	[smem:$0x3F9B] =	sst s1;
	(tag) =	ssettag s2;
	_ =	strace s9  }
0x27: {  	s1 =	sld [smem:$0x3FAB]  }
0x28: {  	s2 =	sld [smem:$0x3FAC]  }
0x29: {  	s4 =	sld [smem:$0x3FAE]  }
0x2a: {  	p0 =	seq.s32 s5, $0x0;
	s5 =	sld [smem:$0x3FAF]  }
0x2b: {  	s6 =	sld [smem:$0x3FB0]  }
0x2c: {  	s7 =	sld [smem:$0x3FB1]  }
0x2d: {  	s3 =	simm.s32 $0x108;
	s8 =	sld [smem:$0x3FB2]  }
0x2e: {  	s3 =	simm.s32 @!p0 $0x1082;
	s9 =	sld [smem:$0x3FB3]  }
0x2f: {  	lr =	sadd.s32 s0, s3;
	s0 =	sld [smem:$0x3FAA]  }
0x30: {  	s3 =	sld [smem:$0x3FAD]  }
0x31: {  	[smem:$0x3FB6] =	sst s10  }
0x32: {  	s10 =	sld [smem:$0x3FB4];
	_ =	sdelay $0x3  }
0x33: {  	p0 =	seq.s32 s10, $0x1;
	s10 =	sld [smem:$0x3FB6];
	_ =	sdelay $0x3  }
0x34: {  	[smem:$0x3FB6] =	sst s10  }
0x35: {  	s10 =	sld [smem:$0x3FB5];
	_ =	sdelay $0x3  }
0x36: {  	p1 =	seq.s32 s10, $0x1;
	s10 =	sld [smem:$0x3FB6];
	_ =	sdelay $0x3  }
0x37: {  	[smem:$0x3FB6] =	sst s10  }
0x38: {  	s10 =	sld [smem:$0x3FB7]  }
0x39: {  	_ = 	snop;
	(pc) =	sbr.ind lr, $3  }
0x3a: {  	_ = 	snop  }
0x3b: {  	_ = 	snop  }
0x3c: {  	p2 =	seq.s32 s10, $0x1;
	s10 =	sld [smem:$0x3FB6]  }
0x3d: {  	_ =	shalt  }
0x3e: {  	_ =	shalt  }
0x3f: {  	_ =	shalt  }
0x40: {  	_ =	shalt  }
0x41: {  	_ =	shalt  }
0x42: {  	_ =	shalt  }
0x43: {  	_ =	shalt  }
0x44: {  	_ =	shalt  }
0x45: {  	_ =	shalt  }
0x46: {  	_ =	shalt  }
0x47: {  	_ =	shalt  }
0x48: {  	_ =	shalt  }
0x49: {  	_ =	shalt  }
0x4a: {  	_ =	shalt  }
0x4b: {  	_ =	shalt  }
0x4c: {  	_ =	shalt  }
0x4d: {  	_ =	shalt  }
0x4e: {  	_ =	shalt  }
0x4f: {  	_ =	shalt  }
0x50: {  	_ =	shalt  }
0x51: {  	_ =	shalt  }
0x52: {  	_ =	shalt  }
0x53: {  	_ =	shalt  }
0x54: {  	_ =	shalt  }
0x55: {  	_ =	shalt  }
0x56: {  	_ =	shalt  }
0x57: {  	_ =	shalt  }
0x58: {  	_ =	shalt  }
0x59: {  	_ =	shalt  }
0x5a: {  	_ =	shalt  }
0x5b: {  	_ =	shalt  }
0x5c: {  	_ =	shalt  }
0x5d: {  	_ =	shalt  }
0x5e: {  	_ =	shalt  }
0x5f: {  	_ =	shalt  }
0x60: {  	_ =	shalt  }
0x61: {  	_ =	shalt  }
0x62: {  	_ =	shalt  }
0x63: {  	_ =	shalt  }
0x64: {  	_ =	shalt  }
0x65: {  	_ =	shalt  }
0x66: {  	_ =	shalt  }
0x67: {  	_ =	shalt  }
0x68: {  	_ =	shalt  }
0x69: {  	_ =	shalt  }
0x6a: {  	_ =	shalt  }
0x6b: {  	_ =	shalt  }
0x6c: {  	_ =	shalt  }
0x6d: {  	_ =	shalt  }
0x6e: {  	_ =	shalt  }
0x6f: {  	_ =	shalt  }
0x70: {  	_ =	shalt  }
0x71: {  	_ =	shalt  }
0x72: {  	_ =	shalt  }
0x73: {  	_ =	shalt  }
0x74: {  	_ =	shalt  }
0x75: {  	_ =	shalt  }
0x76: {  	_ =	shalt  }
0x77: {  	_ =	shalt  }
0x78: {  	_ =	shalt  }
0x79: {  	_ =	shalt  }
0x7a: {  	_ =	shalt  }
0x7b: {  	_ =	shalt  }
0x7c: {  	_ =	shalt  }
0x7d: {  	_ =	shalt  }
0x7e: {  	_ =	shalt  }
0x7f: {  	_ =	shalt  }
0x80: {  	_ =	shalt  }
0x81: {  	_ =	shalt  }
0x82: {  	_ =	shalt  }
0x83: {  	_ =	shalt  }
0x84: {  	_ =	shalt  }
0x85: {  	_ =	shalt  }
0x86: {  	_ =	shalt  }
0x87: {  	_ =	shalt  }
.Lfunc_end0:
.L_simem_size_0:
called_computation_lowered:
.L_overlay_start_0:
0x88: {  	s2 =	sld [smem:$0x3FD9]  }
0x89: {  	s3 =	sld [smem:$0x3FFE];
	_ =	sdelay $0x1  }
0x8a: {  	s1 =	srdreg.scid  }
0x8b: {  	s0 =	sand.u32 $0x1, s1  }
0x8c: {  	s14 =	sshll.u32 s0, $0xA;
	s2 =	sadd.s32 s3, s2  }
0x8d: {  	s2 =	sadd.s32 s2, s14  }
0x8e: {  	[smem:$0x3FC2] =	sst s2  }
0x8f: {  	_ = 	snop  }
0x90: {  	s2 =	sld [smem:$0x3FD0];
	_ =	sdelay $0x2  }
0x91: {  	s15 =	simm.s32 $0xA;
	s4 =	simm.s32 $0x10  }
0x92: {  	[smem:s4], [sflag:s15] =	dma.local [hbm:s2], $0x1  }
0x93: {  	_ =	swait.eq [sflag:s15], $0x1  }
0x94: {  	[sflag:s15] =	ssyncset.done $0x0  }
0x95: {  	[sflag:s15] =	ssyncadd.s32 $0xFFFFFFFF  }
0x96: {  	s16 =	sld [smem:$0x10];
	(tm) =	ssettm $0x1  }
0x97: {  	s17 =	sld [smem:$0x3FFB];
	_ =	sdelay $0x3  }
0x98: {  	_ =	strace s17  }
0x99: {  	s3 =	sld [smem:$0x3FFC];
	_ =	sdelay $0x3  }
0x9a: {  	_ =	strace s3  }
0x9b: {  	s3 =	sld [smem:$0x3FFD];
	_ =	sdelay $0x3  }
0x9c: {  	_ =	strace s3  }
0x9d: {  	_ =	strace $0x8FFFFFFF  }
0x9e: {  	s18 =	sld [smem:$0x3FDB];
	_ =	sdelay $0x1  }
0x9f: {  	s19 =	simm.s32 $_scs_section_size  }
0xa0: {  	s5 =	simm.s32 $_size__tile_overlayer_lowered;
	s6 =	simm.s32 $_tile_overlayer_lowered  }
0xa1: {  	s22 =	simm.s32 $0x1BFF;
	s21 =	sshll.u32 s6, $0x1;
	s3 =	sadd.s32 s19, s18  }
0xa2: {  	s7 =	simm.s32 $0x0;
	s20 =	sshll.u32 s5, $0x1;
	s5 =	sadd.s32 s21, s3  }
0xa3: {  	[timem:s7], [sflag:s22] =	dma.local [hbm:s5], s20  }
0xa4: {  	_ =	swait.ge [sflag:s22], s20  }
0xa5: {  	s4 =	ssub.s32 $0x0, s20;
	[sflag:s22] =	ssyncset.done $0x0  }
0xa6: {  	[sflag:s22] =	ssyncadd.s32 s4;
	_ =	sdelay $0x1  }
0xa7: {  	s23 =	simm.s32 $0x1B8B  }
0xa8: {  	_ =	swait.ge [sflag:s23], $0x1  }
0xa9: {  	[sflag:s23] =	ssyncset.done $0x0  }
0xaa: {  	s25 =	simm.s32 $0x1B8E;
	s24 =	sld [smem:$0x3FFE];
	[sflag:s23] =	ssyncadd.s32 $0xFFFFFFFF  }
0xab: {  	s26 =	simm.s32 $execute0_lowered;
	[smem:$0x3FD2] =	sst s25  }
0xac: {  	s5 =	sshll.u32 s26, $0x1;
	_ =	strace $0x80000046;
	[dreg:$0x1] =	wrdreg $0xFFFFFFFF  }
0xad: {  	s28 =	simm.s32 $_size_execute0_lowered;
	s3 =	sadd.s32 s3, s5;
	[dreg:$0x0] =	wrdreg $0x0  }
0xae: {  	s5 =	sshll.u32 s28, $0x1;
	[dreg:$0x2] =	wrdreg s3  }
0xaf: {  	[dreg:$0x3] =	wrdreg s5  }
0xb0: {  	[dreg:$0x4] =	wrdreg $0xC0  }
0xb1: {  	_ =	task [dreg:s7], $0x5FFFF  }
0xb2: {  	[dreg:$0x1] =	wrdreg $0xFFFFFFFF  }
0xb3: {  	[dreg:$0x0] =	wrdreg $0x60  }
0xb4: {  	[dreg:$0x2] =	wrdreg s16  }
0xb5: {  	[dreg:$0x3] =	wrdreg s24  }
0xb6: {  	[dreg:$0x4] =	wrdreg $0x9  }
0xb7: {  	_ =	task.clear_ibuf [dreg:s7], $0x5FFFF;
	_ =	strace $0x90000046  }
0xb8: {  	s29 =	simm.s32 $0x9;
	_ =	strace $0x80000048  }
0xb9: {  	_ =	swait.ge [sflag:s29], $0x1  }
0xba: {  	[sflag:s29] =	ssyncadd.s32 $0xFFFFFFFF  }
0xbb: {  	_ =	strace $0x90000048  }
0xbc: {  	_ =	sfence  }
0xbd: {  	s30 =	sld [smem:$0x0];
	_ =	sdelay $0x2  }
0xbe: {  	s31 =	sshll.u32 s1, $0xD;
	s1 =	sshrl.u32 s1, $0x2  }
0xbf: {  	s3 =	sand.u32 $0x4000, s31;
	s1 =	sadd.s32 s1, s30  }
0xc0: {  	s0 =	sor.u32 s3, s0;
	s1 =	sshll.u32 s1, $0x11  }
0xc1: {  	s0 =	sor.u32 s1, s0  }
0xc2: {  	s0 =	sadd.s32 $0x8F2B, s0  }
0xc3: {  	[sflag:s0] =	ssyncadd.remote.s32 $0x1  }
0xc4: {  	_ =	sfence.sel $0xFFFF  }
0xc5: {  	[dreg:$0x0] =	wrdreg $0xFFFFFFFF;
	(pc) =	sbr.abs _section_cstart, $3  }
0xc6: {  	[dreg:$0x1] =	wrdreg $0xFFFFFFFF  }
0xc7: {  	_ =	task.clear_ibuf [dreg:s7], $0x2FFFF;
	_ =	strace $0x9FFFFFFF  }
0xc8: {  	(tm) =	ssettm $0x7FFFFFFF  }
0xc9: {  	_ =	shalt  }
tec
execute0_lowered:
.L_overlay_start_1:
0x0: {  	(tag) =	ssettag $0x1  }
0x1: {  	s1 =	srdreg.scid  }
0x2: {  	s0 =	stileid.u32;
	s3 =	rddreg [dreg:$0x0]  }
0x3: {  	s4 =	rddreg [dreg:$0x1];
	s17 =	simm.s32 $0xC0;
	s28 =	simm.s32 $0x340  }
0x4: {  	s29 =	simm.s32 $0x380;
	s30 =	simm.s32 $0x3C0;
	s31 =	simm.s32 $0x400  }
0x5: {  	s1 =	sand.u32 $0x1, s1;
	s2 =	sshll.u32 s0, $0x1;
	s10 =	sadd.s32 $0x1800, s4  }
0x6: {  	s5 =	sor.u32 s1, s2;
	s2 =	simm.s32 $0x0;
	s7 =	sshll.u32 s1, $0x6  }
0x7: {  	s1 =	ssub.s32 $0x2, s1;
	s6 =	sshll.u32 s5, $0x9;
	[smem:$0x7FF] =	sst s2  }
0x8: {  	s5 =	sshll.u32 s5, $0x4;
	s9 =	sshrl.u32 s1, $0x1;
	s8 =	sand.u32 $0x3C00, s6  }
0x9: {  	_ =	strace $0x80000047;
	s12 =	sadd.s32 s5, s4;
	s6 =	sor.u32 s7, s6  }
0xa: {  	s1 =	ssub.s32 s1, s9;
	s8 =	sor.u32 s7, s8;
	s6 =	sshrl.u32 s6, $0x3  }
0xb: {  	s18 =	sshrl.u32 s8, $0x3;
	s13 =	sor.u32 $0x40, s6;
	s14 =	sor.u32 $0x50, s6  }
0xc: {  	s15 =	sor.u32 $0x60, s6;
	s16 =	sor.u32 $0x70, s6;
	s19 =	sadd.s32 s3, s18  }
0xd: {  	s8 =	sor.u32 $0x10, s18;
	s21 =	sor.u32 $0x20, s18;
	s11 =	sor.u32 $0x30, s18  }
0xe: {  	s24 =	sadd.s32 s3, s13;
	s25 =	sadd.s32 s3, s14;
	s26 =	sadd.s32 s3, s15  }
0xf: {  	s7 =	sadd.s32 s10, s13;
	s9 =	sadd.s32 s10, s15;
	[dreg:$0x3] =	wrdreg s19  }
0x10: {  	s13 =	smax.u32 s1, $0x1;
	s15 =	simm.s32 $0x40;
	[dreg:$0x7] =	wrdreg s24  }
0x11: {  	s1 =	simm.s32 $0x480;
	s20 =	sadd.s32 s3, s8;
	[dreg:$0x8] =	wrdreg s25  }
0x12: {  	s22 =	sadd.s32 s3, s21;
	s23 =	sadd.s32 s3, s11;
	[dreg:$0x9] =	wrdreg s26  }
0x13: {  	s3 =	sadd.s32 s3, s16;
	s4 =	sadd.s32 s10, s8;
	s5 =	sadd.s32 s10, s21  }
0x14: {  	s6 =	sadd.s32 s10, s11;
	s8 =	sadd.s32 s10, s14;
	s11 =	sadd.s32 $0x2000, s12  }
0x15: {  	s12 =	sadd.s32 $0x2200, s12;
	s14 =	simm.s32 $0x1;
	[dreg:$0x4] =	wrdreg s20  }
0x16: {  	s19 =	simm.s32 $0x140;
	s21 =	simm.s32 $0x1C0;
	[dreg:$0x5] =	wrdreg s22  }
0x17: {  	s24 =	simm.s32 $0x280;
	s25 =	simm.s32 $0x2C0;
	[dreg:$0x6] =	wrdreg s23  }
0x18: {  	s26 =	simm.s32 $0x300;
	[dreg:$0xa] =	wrdreg s3;
	s3 =	sadd.s32 s10, s18  }
0x19: {  	s10 =	sadd.s32 s10, s16;
	s16 =	simm.s32 $0x80;
	s18 =	simm.s32 $0x100  }
0x1a: {  	v33 =	vimm.f32 $0.0e+00;
	s20 =	simm.s32 $0x180;
	s22 =	simm.s32 $0x200;
	s23 =	simm.s32 $0x240  }
.LBB2_1:
0x1b: {  	s0 =	rddreg [dreg:$0x3]  }
0x1c: {  	[tilespmem:s2], [sflag:$0x1] =	stream.linear.gather [hbm4b:s0+s2], $0x40, $0x38;
	[tilespmem:$0x500] =	vst v63  }
0x1d: {  	_ =	swait.ge [sflag:s14], $0x40  }
0x1e: {  	[sflag:s14] =	ssyncset.done $0x0  }
0x1f: {  	s0 =	rddreg [dreg:$0x4];
	[sflag:s14] =	ssyncadd.s32 $0xFFFFFFC0  }
0x20: {  	[tilespmem:s15], [sflag:$0x1] =	stream.linear.gather [hbm4b:s0+s2], $0x40, $0x38;
	[tilespmem:$0x500] =	vst v63  }
0x21: {  	_ =	swait.ge [sflag:s14], $0x40  }
0x22: {  	[sflag:s14] =	ssyncset.done $0x0  }
0x23: {  	s0 =	rddreg [dreg:$0x5];
	[sflag:s14] =	ssyncadd.s32 $0xFFFFFFC0  }
0x24: {  	[tilespmem:s16], [sflag:$0x1] =	stream.linear.gather [hbm4b:s0+s2], $0x40, $0x38;
	[tilespmem:$0x500] =	vst v63  }
0x25: {  	_ =	swait.ge [sflag:s14], $0x40  }
0x26: {  	[sflag:s14] =	ssyncset.done $0x0  }
0x27: {  	s0 =	rddreg [dreg:$0x6];
	[sflag:s14] =	ssyncadd.s32 $0xFFFFFFC0  }
0x28: {  	[tilespmem:s17], [sflag:$0x1] =	stream.linear.gather [hbm4b:s0+s2], $0x40, $0x38;
	[tilespmem:$0x500] =	vst v63  }
0x29: {  	_ =	swait.ge [sflag:s14], $0x40  }
0x2a: {  	[sflag:s14] =	ssyncset.done $0x0  }
0x2b: {  	s0 =	rddreg [dreg:$0x7];
	[sflag:s14] =	ssyncadd.s32 $0xFFFFFFC0  }
0x2c: {  	[tilespmem:s18], [sflag:$0x1] =	stream.linear.gather [hbm4b:s0+s2], $0x40, $0x38;
	[tilespmem:$0x500] =	vst v63  }
0x2d: {  	_ =	swait.ge [sflag:s14], $0x40  }
0x2e: {  	[sflag:s14] =	ssyncset.done $0x0  }
0x2f: {  	s0 =	rddreg [dreg:$0x8];
	[sflag:s14] =	ssyncadd.s32 $0xFFFFFFC0  }
0x30: {  	[tilespmem:s19], [sflag:$0x1] =	stream.linear.gather [hbm4b:s0+s2], $0x40, $0x38;
	[tilespmem:$0x500] =	vst v63  }
0x31: {  	_ =	swait.ge [sflag:s14], $0x40  }
0x32: {  	[sflag:s14] =	ssyncset.done $0x0  }
0x33: {  	s0 =	rddreg [dreg:$0x9];
	[sflag:s14] =	ssyncadd.s32 $0xFFFFFFC0  }
0x34: {  	[tilespmem:s20], [sflag:$0x1] =	stream.linear.gather [hbm4b:s0+s2], $0x40, $0x38;
	[tilespmem:$0x500] =	vst v63  }
0x35: {  	_ =	swait.ge [sflag:s14], $0x40  }
0x36: {  	[sflag:s14] =	ssyncset.done $0x0  }
0x37: {  	s0 =	rddreg [dreg:$0xa];
	[sflag:s14] =	ssyncadd.s32 $0xFFFFFFC0  }
0x38: {  	[tilespmem:s21], [sflag:$0x1] =	stream.linear.gather [hbm4b:s0+s2], $0x40, $0x38;
	[tilespmem:$0x500] =	vst v63  }
0x39: {  	_ =	swait.ge [sflag:s14], $0x40  }
0x3a: {  	[sflag:s14] =	ssyncset.done $0x0  }
0x3b: {  	[sflag:s14] =	ssyncadd.s32 $0xFFFFFFC0  }
0x3c: {  	v0 =	vld [tilespmem:$0x0]  }
0x3d: {  	v2 =	vld [tilespmem:$0x40]  }
0x3e: {  	v3 =	vld [tilespmem:$0x80]  }
0x3f: {  	v4 =	vld [tilespmem:$0xC0]  }
0x40: {  	v5 =	vld [tilespmem:$0x100]  }
0x41: {  	v6 =	vld [tilespmem:$0x140]  }
0x42: {  	v7 =	vld [tilespmem:$0x180];
	v8 =	vmax.f32 v0, v2  }
0x43: {  	v9 =	vld [tilespmem:$0x1C0];
	v8 =	vmax.f32 v8, v3  }
0x44: {  	v8 =	vmax.f32 v8, v4  }
0x45: {  	v8 =	vmax.f32 v8, v5  }
0x46: {  	v8 =	vmax.f32 v8, v6  }
0x47: {  	v8 =	vmax.f32 v8, v7  }
0x48: {  	v8 =	vmax.f32 v8, v9  }
0x49: {  	v0 =	vsub.f32 v0, v8  }
0x4a: {  	v2 =	vsub.f32 v2, v8  }
0x4b: {  	v0 =	vmul.f32 $1.442695020e+00, v0  }
0x4c: {  	v3 =	vsub.f32 v3, v8;
	v2 =	vmul.f32 $1.442695020e+00, v2  }
0x4d: {  	(erf) = vpow2.f32 v0  }
0x4e: {  	v21 =	vsub.f32 v4, v8;
	v20 =	vmul.f32 $1.442695020e+00, v3;
	(erf) = vpow2.f32 v2;
	_ =	sdelay $0x1  }
0x4f: {  	v23 =	vsub.f32 v5, v8;
	v22 =	vmul.f32 $1.442695020e+00, v21;
	(erf) = vpow2.f32 v20;
	_ =	sdelay $0x1  }
0x50: {  	v25 =	vsub.f32 v6, v8;
	v24 =	vmul.f32 $1.442695020e+00, v23;
	(erf) = vpow2.f32 v22;
	_ =	sdelay $0x1  }
0x51: {  	v27 =	vsub.f32 v7, v8;
	v26 =	vmul.f32 $1.442695020e+00, v25;
	(erf) = vpow2.f32 v24;
	_ =	sdelay $0x1  }
0x52: {  	v30 =	vsub.f32 v9, v8;
	v29 =	vmul.f32 $1.442695020e+00, v27;
	v28 =	vpop (erf);
	(erf) = vpow2.f32 v26  }
0x53: {  	v31 =	vpop (erf)  }
0x54: {  	v32 =	vmul.f32 $1.442695020e+00, v30;
	(erf) = vpow2.f32 v29;
	v34 =	vadd.f32 v31, v28  }
0x55: {  	v35 =	vpop (erf)  }
0x56: {  	(erf) = vpow2.f32 v32;
	v36 =	vadd.f32 v34, v35  }
0x57: {  	v37 =	vpop (erf)  }
0x58: {  	v0 =	vadd.f32 v36, v37  }
0x59: {  	v38 =	vpop (erf)  }
0x5a: {  	v0 =	vadd.f32 v0, v38  }
0x5b: {  	v39 =	vpop (erf)  }
0x5c: {  	v0 =	vadd.f32 v0, v39  }
0x5d: {  	v10 =	vpop (erf)  }
0x5e: {  	v0 =	vadd.f32 v0, v10  }
0x5f: {  	v12 =	vpop (erf)  }
0x60: {  	v0 =	vadd.f32 v0, v12;
	_ =	sdelay $0x1  }
0x61: {  	(erf) = vrcp.f32 v0;
	_ =	sdelay $0x8  }
0x62: {  	v0 =	vpop (erf)  }
0x63: {  	v15 =	vmul.f32 v0, v28;
	v14 =	vmul.f32 v0, v31  }
0x64: {  	v13 =	vmul.f32 v0, v35  }
0x65: {  	v1 =	vmul.f32 v0, v37;
	v40 =	vmax.f32 v15, v14  }
0x66: {  	v41 =	vmul.f32 v0, v38;
	v2 =	vmax.f32 v40, v13  }
0x67: {  	v42 =	vmul.f32 v0, v39;
	v2 =	vmax.f32 v2, v1  }
0x68: {  	v44 =	vmul.f32 v0, v10;
	v2 =	vmax.f32 v2, v41  }
0x69: {  	v49 =	vld [tilespmem:$0x10];
	v45 =	vmul.f32 v0, v12;
	v46 =	vmax.f32 v2, v42  }
0x6a: {  	v50 =	vld [tilespmem:$0x50];
	v0 =	vmax.f32 v46, v44  }
0x6b: {  	v51 =	vld [tilespmem:$0x90];
	v26 =	vmax.f32 v0, v45  }
0x6c: {  	v53 =	vld [tilespmem:$0xD0];
	v36 =	vimm.s32 $0x8;
	vm0 =	veq.f32 v45, v26  }
0x6d: {  	v54 =	vld [tilespmem:$0x110];
	vm1 =	veq.f32 v44, v26;
	v47 =	vsel vm0, $0x7, v36  }
0x6e: {  	v55 =	vld [tilespmem:$0x150];
	vm6 =	veq.f32 v42, v26;
	v0 =	vsel vm1, $0x6, v47  }
0x6f: {  	v56 =	vld [tilespmem:$0x190];
	v57 =	vmax.f32 v49, v50;
	v43 =	vmovc v1;
	vm7 =	veq.f32 v41, v26;
	v0 =	vsel vm6, $0x5, v0  }
0x70: {  	v12 =	vmax.f32 v57, v51;
	vm8 =	veq.f32 v43, v26;
	v0 =	vsel vm7, $0x4, v0  }
0x71: {  	v12 =	vmax.f32 v12, v53;
	vm9 =	veq.f32 v13, v26;
	v0 =	vsel vm8, $0x3, v0  }
0x72: {  	v12 =	vmax.f32 v12, v54;
	vm10 =	veq.f32 v14, v26;
	v0 =	vsel vm9, $0x2, v0  }
0x73: {  	v12 =	vmax.f32 v12, v55;
	vm1 =	vne.f32 v15, v26;
	v0 =	vsel vm10, $0x1, v0  }
0x74: {  	v12 =	vmax.f32 v12, v56;
	vm0 =	vmand vm1, vm10;
	v0 =	vnsel vm1, $0x0, v0  }
0x75: {  	v28 =	vnsel vm1, $0xFF800000, v15;
	v61 =	vsel vm0, $0xFF800000, v14;
	vm5 =	veq.s32 v0, $0x2  }
0x76: {  	v59 =	vld [tilespmem:$0x1D0];
	v11 =	vmovc v43;
	v58 =	vmax.f32 v28, v61;
	vm6 =	veq.s32 v0, $0x3;
	v62 =	vsel vm5, $0xFF800000, v13  }
0x77: {  	v48 =	vmovc v41;
	[tilespmem:$0x1FD90] =	vst v13;
	vm3 =	veq.s32 v0, $0x4;
	v63 =	vsel vm6, $0xFF800000, v11;
	v13 =	vmax.f32 v58, v62  }
0x78: {  	vm2 =	veq.s32 v0, $0x5;
	v32 =	vsel vm3, $0xFF800000, v48;
	v13 =	vmax.f32 v13, v63  }
0x79: {  	[tilespmem:$0x1FCE0] =	vst v15;
	vm11 =	veq.s32 v0, $0x6;
	v15 =	vsel vm2, $0xFF800000, v42;
	v13 =	vmax.f32 v13, v32  }
0x7a: {  	vm14 =	veq.s32 v0, $0x7;
	v35 =	vsel vm11, $0xFF800000, v44;
	v7 =	vmax.f32 v13, v15  }
0x7b: {  	v12 =	vmax.f32 v12, v59;
	v37 =	vsel vm14, $0xFF800000, v45;
	v0 =	vmax.f32 v7, v35  }
0x7c: {  	v11 =	vsub.f32 v49, v12;
	v34 =	vmax.f32 v0, v37  }
0x7d: {  	v3 =	vsub.f32 v50, v12;
	v13 =	vadd.f32 v34, v26  }
0x7e: {  	v0 =	vmul.f32 $1.442695020e+00, v11  }
0x7f: {  	v17 =	vsub.f32 v51, v12;
	v16 =	vmul.f32 $1.442695020e+00, v3;
	(erf) = vrcp.f32 v13  }
0x80: {  	(erf) = vpow2.f32 v0  }
0x81: {  	v19 =	vsub.f32 v53, v12;
	v18 =	vmul.f32 $1.442695020e+00, v17;
	(erf) = vpow2.f32 v16;
	_ =	sdelay $0x1  }
0x82: {  	v21 =	vsub.f32 v54, v12;
	v20 =	vmul.f32 $1.442695020e+00, v19;
	(erf) = vpow2.f32 v18;
	_ =	sdelay $0x1  }
0x83: {  	v23 =	vsub.f32 v55, v12;
	v22 =	vmul.f32 $1.442695020e+00, v21;
	(erf) = vpow2.f32 v20;
	_ =	sdelay $0x1  }
0x84: {  	v25 =	vsub.f32 v56, v12;
	v24 =	vmul.f32 $1.442695020e+00, v23;
	(erf) = vpow2.f32 v22  }
0x85: {  	v39 =	vpop (erf)  }
0x86: {  	v30 =	vsub.f32 v59, v12;
	v29 =	vmul.f32 $1.442695020e+00, v25;
	v27 =	vpop (erf);
	(erf) = vpow2.f32 v24  }
0x87: {  	v31 =	vpop (erf)  }
0x88: {  	v38 =	vmul.f32 $1.442695020e+00, v30;
	(erf) = vpow2.f32 v29;
	v40 =	vadd.f32 v31, v27  }
0x89: {  	[tilespmem:$0x1FE60] =	vst v41;
	v41 =	vpop (erf)  }
0x8a: {  	[tilespmem:$0x1FEE0] =	vst v42;
	(erf) = vpow2.f32 v38;
	v42 =	vadd.f32 v40, v41  }
0x8b: {  	[tilespmem:$0x1FDF0] =	vst v43;
	v43 =	vpop (erf)  }
0x8c: {  	v0 =	vadd.f32 v42, v43  }
0x8d: {  	[tilespmem:$0x1FF60] =	vst v44;
	v44 =	vpop (erf)  }
0x8e: {  	v0 =	vadd.f32 v0, v44  }
0x8f: {  	[tilespmem:$0x1FFD0] =	vst v45;
	v45 =	vpop (erf)  }
0x90: {  	v0 =	vadd.f32 v0, v45  }
0x91: {  	v46 =	vpop (erf)  }
0x92: {  	v0 =	vadd.f32 v0, v46  }
0x93: {  	v16 =	vpop (erf)  }
0x94: {  	v0 =	vadd.f32 v0, v16;
	_ =	sdelay $0x1  }
0x95: {  	(erf) = vrcp.f32 v0;
	_ =	sdelay $0x8  }
0x96: {  	v0 =	vpop (erf)  }
0x97: {  	v27 =	vmul.f32 v0, v27;
	v47 =	vmul.f32 v0, v31  }
0x98: {  	v48 =	vmul.f32 v0, v41  }
0x99: {  	v60 =	vimm.s32 $0x0;
	v49 =	vmul.f32 v0, v43;
	v50 =	vmax.f32 v27, v47  }
0x9a: {  	v9 =	vsel vm11, $0xFFFFFFFF, v60;
	v51 =	vmul.f32 v0, v44;
	v2 =	vmax.f32 v50, v48  }
0x9b: {  	[tilespmem:$0x1FDA0] =	vst v9;
	v9 =	vimm.s32 $0x0;
	v8 =	vmul.f32 v0, v45;
	v2 =	vmax.f32 v2, v49  }
0x9c: {  	v30 =	vld [tilespmem:$0x20];
	v1 =	vsel vm14, $0xFFFFFFFF, v9;
	v53 =	vmul.f32 v0, v46;
	v2 =	vmax.f32 v2, v51  }
0x9d: {  	[tilespmem:$0x1FE70] =	vst v1;
	v1 =	vmul.f32 v0, v16;
	v31 =	vld [tilespmem:$0x60];
	v24 =	vmax.f32 v2, v8  }
0x9e: {  	v54 =	vld [tilespmem:$0xA0];
	v0 =	vmax.f32 v24, v53  }
0x9f: {  	v52 =	vimm.s32 $0x0;
	v55 =	vld [tilespmem:$0xE0];
	v41 =	vmax.f32 v0, v1  }
0xa0: {  	v57 =	vld [tilespmem:$0x120];
	v5 =	vsel vm0, $0xFFFFFFFF, v52;
	vm12 =	veq.f32 v1, v41  }
0xa1: {  	v18 =	vimm.s32 $0x0;
	vm4 =	veq.f32 v53, v41;
	v25 =	vsel vm12, $0x7, v36  }
0xa2: {  	v60 =	vld [tilespmem:$0x160];
	v19 =	vmax.f32 v30, v31;
	vm13 =	veq.f32 v8, v41;
	v0 =	vsel vm4, $0x6, v25  }
0xa3: {  	v52 =	vmovc v49;
	v19 =	vmax.f32 v19, v54;
	vm15 =	veq.f32 v51, v41;
	v0 =	vsel vm13, $0x5, v0  }
0xa4: {  	v17 =	vld [tilespmem:$0x1A0];
	v19 =	vmax.f32 v19, v55;
	vm8 =	veq.f32 v52, v41;
	v0 =	vsel vm15, $0x4, v0  }
0xa5: {  	v19 =	vmax.f32 v19, v57;
	vm9 =	veq.f32 v48, v41;
	v0 =	vsel vm8, $0x3, v0  }
0xa6: {  	vm7 =	veq.f32 v47, v41;
	vm0 =	vne.f32 v27, v41;
	v0 =	vsel vm9, $0x2, v0  }
0xa7: {  	v19 =	vmax.f32 v19, v60;
	vm11 =	vmand vm0, vm7;
	v0 =	vsel vm7, $0x1, v0  }
0xa8: {  	v56 =	vnsel vm0, $0xFF800000, v27;
	v38 =	vsel vm11, $0xFF800000, v47;
	v0 =	vnsel vm0, $0x0, v0  }
0xa9: {  	v19 =	vmax.f32 v19, v17;
	v20 =	vmax.f32 v56, v38;
	vm12 =	veq.s32 v0, $0x2  }
0xaa: {  	v22 =	vld [tilespmem:$0x1E0];
	v29 =	vmovc v52;
	vm10 =	veq.s32 v0, $0x3;
	vm13 =	veq.s32 v0, $0x4;
	v45 =	vsel vm12, $0xFF800000, v48  }
0xab: {  	vm15 =	veq.s32 v0, $0x5;
	v46 =	vsel vm10, $0xFF800000, v29;
	v20 =	vmax.f32 v20, v45  }
0xac: {  	[tilespmem:$0x1FD70] =	vst v47;
	vm8 =	veq.s32 v0, $0x6;
	v47 =	vsel vm13, $0xFF800000, v51;
	v20 =	vmax.f32 v20, v46  }
0xad: {  	vm9 =	veq.s32 v0, $0x7;
	v49 =	vsel vm15, $0xFF800000, v8;
	v20 =	vmax.f32 v20, v47  }
0xae: {  	[tilespmem:$0x1FEA0] =	vst v51;
	v51 =	vsel vm8, $0xFF800000, v53;
	v0 =	vsel vm9, $0xFFFFFFFF, v18;
	v21 =	vmax.f32 v20, v49  }
0xaf: {  	v19 =	vmax.f32 v19, v22;
	v40 =	vsel vm9, $0xFF800000, v1;
	[tilespmem:$0x1FF40] =	vst v0;
	v0 =	vmax.f32 v21, v51  }
0xb0: {  	v23 =	vsub.f32 v30, v19;
	v42 =	vmax.f32 v0, v40  }
0xb1: {  	v3 =	vsub.f32 v31, v19;
	v24 =	vadd.f32 v42, v41  }
0xb2: {  	v0 =	vmul.f32 $1.442695020e+00, v23  }
0xb3: {  	v25 =	vmul.f32 $1.442695020e+00, v3;
	v29 =	vsub.f32 v54, v19;
	(erf) = vrcp.f32 v24  }
0xb4: {  	(erf) = vpow2.f32 v0  }
0xb5: {  	v31 =	vsub.f32 v55, v19;
	v30 =	vmul.f32 $1.442695020e+00, v29;
	(erf) = vpow2.f32 v25;
	_ =	sdelay $0x1  }
0xb6: {  	v44 =	vsub.f32 v57, v19;
	v43 =	vmul.f32 $1.442695020e+00, v31;
	(erf) = vpow2.f32 v30;
	_ =	sdelay $0x1  }
0xb7: {  	[tilespmem:$0x1FDC0] =	vst v48;
	v50 =	vsub.f32 v60, v19;
	v48 =	vmul.f32 $1.442695020e+00, v44;
	(erf) = vpow2.f32 v43  }
0xb8: {  	[tilespmem:$0x1FF90] =	vst v53  }
0xb9: {  	[tilespmem:$0x1FE20] =	vst v52;
	v52 =	vmul.f32 $1.442695020e+00, v50;
	v53 =	vsub.f32 v17, v19;
	(erf) = vpow2.f32 v48  }
0xba: {  	v59 =	vimm.s32 $0x0;
	[tilespmem:$0x1FCC0] =	vst v56;
	v56 =	vsub.f32 v22, v19;
	v44 =	vpop (erf)  }
0xbb: {  	v58 =	vimm.s32 $0x0;
	v55 =	vmul.f32 $1.442695020e+00, v53;
	v54 =	vpop (erf);
	(erf) = vpow2.f32 v52  }
0xbc: {  	v12 =	vimm.s32 $0x0;
	v11 =	vsel vm10, $0xFFFFFFFF, v58;
	v58 =	vmul.f32 $1.442695020e+00, v56;
	v57 =	vpop (erf)  }
0xbd: {  	[tilespmem:$0x1FD80] =	vst v11;
	v11 =	vsel vm13, $0xFFFFFFFF, v59;
	(erf) = vpow2.f32 v55;
	v59 =	vadd.f32 v57, v54  }
0xbe: {  	v9 =	vsel vm15, $0xFFFFFFFF, v12;
	v60 =	vpop (erf)  }
0xbf: {  	[tilespmem:$0x1FE40] =	vst v9;
	(erf) = vpow2.f32 v58;
	v9 =	vadd.f32 v59, v60  }
0xc0: {  	v10 =	vpop (erf)  }
0xc1: {  	v0 =	vadd.f32 v9, v10  }
0xc2: {  	[tilespmem:$0x1FDE0] =	vst v11;
	v11 =	vpop (erf)  }
0xc3: {  	v0 =	vadd.f32 v0, v11  }
0xc4: {  	v12 =	vpop (erf)  }
0xc5: {  	v0 =	vadd.f32 v0, v12  }
0xc6: {  	v13 =	vpop (erf)  }
0xc7: {  	v0 =	vadd.f32 v0, v13  }
0xc8: {  	v43 =	vpop (erf)  }
0xc9: {  	v0 =	vadd.f32 v0, v43;
	_ =	sdelay $0x1  }
0xca: {  	(erf) = vrcp.f32 v0;
	_ =	sdelay $0x8  }
0xcb: {  	v0 =	vpop (erf)  }
0xcc: {  	v25 =	vmul.f32 v0, v54;
	v24 =	vmul.f32 v0, v57  }
0xcd: {  	[tilespmem:$0x1FD40] =	vst v14;
	v14 =	vimm.s32 $0x0;
	v23 =	vmul.f32 v0, v60  }
0xce: {  	[tilespmem:$0x1FF10] =	vst v8;
	v8 =	vsel vm8, $0xFFFFFFFF, v14;
	v22 =	vmul.f32 v0, v10;
	v14 =	vmax.f32 v25, v24  }
0xcf: {  	v20 =	vmul.f32 v0, v11;
	v2 =	vmax.f32 v14, v23  }
0xd0: {  	v19 =	vmul.f32 v0, v12;
	v2 =	vmax.f32 v2, v22  }
0xd1: {  	v17 =	vmul.f32 v0, v13;
	v2 =	vmax.f32 v2, v20  }
0xd2: {  	v16 =	vmul.f32 v0, v43;
	v29 =	vmax.f32 v2, v19  }
0xd3: {  	v3 =	vld [tilespmem:$0x70];
	v0 =	vmax.f32 v29, v17  }
0xd4: {  	v2 =	vld [tilespmem:$0x30];
	v48 =	vmax.f32 v0, v16  }
0xd5: {  	v4 =	vld [tilespmem:$0xB0];
	vm10 =	veq.f32 v16, v48  }
0xd6: {  	v6 =	vld [tilespmem:$0xF0];
	vm13 =	veq.f32 v17, v48;
	v30 =	vsel vm10, $0x7, v36  }
0xd7: {  	v43 =	vld [tilespmem:$0x130];
	v10 =	vimm.s32 $0x0;
	vm15 =	veq.f32 v19, v48;
	v0 =	vsel vm13, $0x6, v30  }
0xd8: {  	v55 =	vld [tilespmem:$0x170];
	v11 =	vimm.s32 $0x0;
	vm8 =	veq.f32 v20, v48;
	v0 =	vsel vm15, $0x5, v0  }
0xd9: {  	v56 =	vld [tilespmem:$0x1B0];
	vm9 =	veq.f32 v22, v48;
	v54 =	vmax.f32 v2, v3;
	v0 =	vsel vm8, $0x4, v0  }
0xda: {  	vm10 =	veq.f32 v23, v48;
	v54 =	vmax.f32 v54, v4;
	v0 =	vsel vm9, $0x3, v0  }
0xdb: {  	vm13 =	veq.f32 v24, v48;
	v54 =	vmax.f32 v54, v6;
	v0 =	vsel vm10, $0x2, v0  }
0xdc: {  	vm7 =	vne.f32 v25, v48;
	v54 =	vmax.f32 v54, v43;
	v0 =	vsel vm13, $0x1, v0  }
0xdd: {  	v50 =	vnsel vm7, $0xFF800000, v25;
	v54 =	vmax.f32 v54, v55;
	v31 =	vnsel vm7, $0x0, v0  }
0xde: {  	vm13 =	vmand vm7, vm13;
	v54 =	vmax.f32 v54, v56;
	vm8 =	veq.s32 v31, $0x2  }
0xdf: {  	v52 =	vsel vm13, $0xFF800000, v24;
	vm15 =	veq.s32 v31, $0x3;
	v0 =	vsel vm8, $0xFFFFFFFF, v10  }
0xe0: {  	v57 =	vld [tilespmem:$0x1F0];
	v12 =	vmax.f32 v50, v52;
	v53 =	vsel vm8, $0xFF800000, v23;
	[tilespmem:$0x1FCF0] =	vst v0;
	v0 =	vsel vm15, $0xFFFFFFFF, v11  }
0xe1: {  	vm9 =	veq.s32 v31, $0x4;
	v58 =	vsel vm15, $0xFF800000, v22;
	[tilespmem:$0x1FD00] =	vst v0;
	v0 =	vmax.f32 v12, v53  }
0xe2: {  	vm10 =	veq.s32 v31, $0x5;
	v60 =	vsel vm9, $0xFF800000, v20;
	v59 =	vmax.f32 v0, v58  }
0xe3: {  	v9 =	vsel vm10, $0xFF800000, v19;
	vm15 =	veq.s32 v31, $0x6;
	v59 =	vmax.f32 v59, v60  }
0xe4: {  	[tilespmem:$0x1FEC0] =	vst v8;
	vm8 =	veq.s32 v31, $0x7;
	v8 =	vsel vm15, $0xFF800000, v17;
	v59 =	vmax.f32 v59, v9  }
0xe5: {  	v30 =	vmax.f32 v54, v57;
	v7 =	vsel vm8, $0xFF800000, v16;
	v29 =	vmax.f32 v59, v8  }
0xe6: {  	v2 =	vsub.f32 v2, v30;
	v54 =	vmax.f32 v29, v7  }
0xe7: {  	[tilespmem:$0x1FCD0] =	vst v5;
	v3 =	vsub.f32 v3, v30;
	v5 =	vadd.f32 v54, v48  }
0xe8: {  	v2 =	vmul.f32 $1.442695020e+00, v2  }
0xe9: {  	v4 =	vsub.f32 v4, v30;
	v3 =	vmul.f32 $1.442695020e+00, v3;
	(erf) = vrcp.f32 v5  }
0xea: {  	(erf) = vpow2.f32 v2  }
0xeb: {  	v6 =	vsub.f32 v6, v30;
	v31 =	vmul.f32 $1.442695020e+00, v4;
	(erf) = vpow2.f32 v3  }
0xec: {  	v13 =	vimm.s32 $0x0  }
0xed: {  	v10 =	vmul.f32 $1.442695020e+00, v6;
	v11 =	vsub.f32 v43, v30;
	(erf) = vpow2.f32 v31  }
0xee: {  	[tilespmem:$0x1FFF0] =	vst v1;
	v18 =	vimm.s32 $0x0;
	v1 =	vsel vm9, $0xFFFFFFFF, v13;
	v13 =	vsub.f32 v55, v30  }
0xef: {  	v14 =	vimm.s32 $0x0;
	v12 =	vmul.f32 $1.442695020e+00, v11;
	(erf) = vpow2.f32 v10  }
0xf0: {  	v21 =	vimm.s32 $0x0;
	v0 =	vsel vm10, $0xFFFFFFFF, v14;
	v14 =	vmul.f32 $1.442695020e+00, v13  }
0xf1: {  	[tilespmem:$0x1FEB0] =	vst v0;
	v0 =	vsel vm15, $0xFFFFFFFF, v18;
	v18 =	vsub.f32 v56, v30;
	(erf) = vpow2.f32 v12  }
0xf2: {  	v6 =	vsub.f32 v57, v30;
	v55 =	vpop (erf)  }
0xf3: {  	[tilespmem:$0x1FF20] =	vst v0;
	v0 =	vsel vm8, $0xFFFFFFFF, v21;
	v56 =	vmul.f32 $1.442695020e+00, v18;
	(erf) = vpow2.f32 v14;
	v21 =	vpop (erf)  }
0xf4: {  	v29 =	vpop (erf)  }
0xf5: {  	v10 =	vmul.f32 $1.442695020e+00, v6;
	(erf) = vpow2.f32 v56;
	v11 =	vadd.f32 v29, v21  }
0xf6: {  	v30 =	vpop (erf)  }
0xf7: {  	(erf) = vpow2.f32 v10;
	v12 =	vadd.f32 v11, v30  }
0xf8: {  	v31 =	vpop (erf)  }
0xf9: {  	vm4 =	veq.f32 v61, v34;
	v2 =	vadd.f32 v12, v31  }
0xfa: {  	v41 =	vmul.f32 v44, v41;
	vm9 =	veq.f32 v37, v34;
	v37 =	vsel vm6, $0x3F800000, v33;
	[tilespmem:$0x1FFA0] =	vst v0;
	v0 =	vpop (erf)  }
0xfb: {  	v13 =	vsel vm9, $0x7, v36;
	vm10 =	veq.f32 v35, v34;
	v2 =	vadd.f32 v2, v0  }
0xfc: {  	[tilespmem:$0x1FE30] =	vst v1;
	v57 =	vmul.f32 v39, v34;
	vm9 =	veq.f32 v63, v34;
	v4 =	vsel vm10, $0x6, v13;
	v1 =	vpop (erf)  }
0xfd: {  	vm15 =	veq.f32 v15, v34;
	vm10 =	veq.f32 v62, v34;
	v2 =	vadd.f32 v2, v1  }
0xfe: {  	v13 =	vimm.f32 $1.000000000e+00;
	v15 =	vsel vm3, $0x3F800000, v33;
	v4 =	vsel vm15, $0x5, v4;
	v3 =	vpop (erf)  }
0xff: {  	vm8 =	veq.f32 v32, v34;
	vm15 =	vne.f32 v28, v34;
	v2 =	vadd.f32 v2, v3  }
0x100: {  	v61 =	vsel vm1, $0x0, v13;
	v4 =	vsel vm8, $0x4, v4;
	v62 =	vsel vm15, $0x0, v13;
	v11 =	vpop (erf)  }
0x101: {  	vm8 =	veq.f32 v51, v42;
	v56 =	vmul.f32 v39, v26;
	v2 =	vadd.f32 v2, v11  }
0x102: {  	v51 =	vsel vm2, $0x3F800000, v33;
	v4 =	vsel vm9, $0x3, v4;
	v6 =	vsel vm15, $0x0, v57  }
0x103: {  	v14 =	vsel vm10, $0x2, v4;
	v10 =	vsel vm1, $0x0, v56;
	(erf) = vrcp.f32 v2  }
0x104: {  	vm1 =	vmand vm15, vm4;
	v28 =	vnsel vm6, $0x0, v56;
	vm6 =	veq.f32 v40, v42  }
0x105: {  	v63 =	vnsel vm5, $0x0, v56;
	v4 =	vnsel vm3, $0x0, v56;
	v18 =	vsel vm6, $0x7, v36  }
0x106: {  	vm6 =	veq.f32 v8, v54;
	v6 =	vadd.f32 v6, v10;
	v18 =	vsel vm8, $0x6, v18  }
0x107: {  	v12 =	vsel vm5, $0x3F800000, v33;
	vm5 =	veq.f32 v7, v54;
	v2 =	vsel vm4, $0x1, v14  }
0x108: {  	vm4 =	veq.f32 v45, v42;
	v45 =	vsel vm5, $0x7, v36;
	v59 =	vnsel vm15, $0x0, v2  }
0x109: {  	vm9 =	veq.s32 v59, $0x2;
	vm10 =	veq.s32 v59, $0x3;
	vm15 =	veq.s32 v59, $0x4  }
0x10a: {  	v32 =	vnsel vm9, $0x0, v57;
	v26 =	vsel vm9, $0x3F800000, v33;
	v5 =	vnsel vm10, $0x0, v57  }
0x10b: {  	v39 =	vsel vm10, $0x3F800000, v33;
	v2 =	vnsel vm15, $0x0, v57;
	v34 =	vsel vm15, $0x3F800000, v33  }
0x10c: {  	[tilespmem:$0x1FDD0] =	vst v15;
	vm9 =	veq.f32 v49, v42;
	vm10 =	veq.f32 v47, v42;
	vm15 =	veq.f32 v46, v42;
	v15 =	vpop (erf)  }
0x10d: {  	v49 =	vsel vm9, $0x5, v18;
	v43 =	vmul.f32 v15, v21;
	v40 =	vmul.f32 v15, v29  }
0x10e: {  	v32 =	vadd.f32 v32, v63;
	v5 =	vadd.f32 v5, v28;
	v35 =	vmul.f32 v15, v30  }
0x10f: {  	v4 =	vadd.f32 v2, v4;
	v31 =	vmul.f32 v15, v31;
	v21 =	vmax.f32 v43, v40  }
0x110: {  	v29 =	vnsel vm2, $0x0, v56;
	v18 =	vmul.f32 v15, v0;
	v30 =	vmax.f32 v21, v35  }
0x111: {  	v14 =	vmul.f32 v15, v1;
	v47 =	vmul.f32 v15, v11;
	v0 =	vmax.f32 v30, v31  }
0x112: {  	v21 =	vsel vm10, $0x4, v49;
	v49 =	vmul.f32 v15, v3;
	v0 =	vmax.f32 v0, v18  }
0x113: {  	vm10 =	veq.f32 v9, v54;
	v30 =	vsel vm15, $0x3, v21;
	v0 =	vmax.f32 v0, v14  }
0x114: {  	v21 =	vimm.s32 $0x0;
	v3 =	vsel vm4, $0x2, v30;
	v0 =	vmax.f32 v0, v49  }
0x115: {  	vm4 =	vne.f32 v50, v54;
	v11 =	vmax.f32 v0, v47;
	v0 =	vsel vm6, $0x6, v45  }
0x116: {  	vm6 =	veq.f32 v60, v54;
	v60 =	vimm.s32 $0x0;
	vm8 =	veq.f32 v47, v11  }
0x117: {  	vm9 =	veq.f32 v49, v11;
	vm15 =	veq.f32 v14, v11;
	v46 =	vsel vm8, $0x7, v36  }
0x118: {  	v0 =	vsel vm10, $0x5, v0;
	vm5 =	veq.f32 v18, v11;
	v7 =	vsel vm9, $0x6, v46  }
0x119: {  	vm10 =	veq.f32 v58, v54;
	vm2 =	vne.f32 v43, v11;
	v7 =	vsel vm15, $0x5, v7  }
0x11a: {  	vm8 =	veq.f32 v31, v11;
	v0 =	vsel vm6, $0x4, v0;
	v7 =	vsel vm5, $0x4, v7  }
0x11b: {  	vm9 =	veq.f32 v35, v11;
	vm15 =	veq.f32 v40, v11;
	v7 =	vsel vm8, $0x3, v7  }
0x11c: {  	v8 =	vnsel vm2, $0xFF800000, v43;
	vm8 =	vmand vm2, vm15;
	v7 =	vsel vm9, $0x2, v7  }
0x11d: {  	v0 =	vsel vm10, $0x3, v0;
	v9 =	vsel vm8, $0xFF800000, v40;
	v7 =	vsel vm15, $0x1, v7  }
0x11e: {  	vm5 =	veq.s32 v59, $0x6;
	v58 =	vmax.f32 v8, v9;
	v7 =	vnsel vm2, $0x0, v7  }
0x11f: {  	vm9 =	veq.s32 v7, $0x2;
	vm6 =	veq.s32 v7, $0x3;
	vm15 =	veq.s32 v7, $0x4  }
0x120: {  	vm10 =	veq.s32 v7, $0x5;
	v15 =	vsel vm9, $0xFF800000, v35;
	v1 =	vsel vm6, $0xFFFFFFFF, v60  }
0x121: {  	v45 =	vsel vm6, $0xFF800000, v31;
	v46 =	vsel vm15, $0xFF800000, v18;
	vm6 =	veq.s32 v7, $0x6  }
0x122: {  	v60 =	vimm.s32 $0x0;
	[tilespmem:$0x1FD10] =	vst v1;
	v30 =	vmax.f32 v58, v15;
	v1 =	vsel vm15, $0xFFFFFFFF, v21  }
0x123: {  	v58 =	vimm.s32 $0x0;
	v21 =	vimm.s32 $0x0;
	v30 =	vmax.f32 v30, v45  }
0x124: {  	[tilespmem:$0x1FE90] =	vst v1;
	v1 =	vsel vm10, $0xFFFFFFFF, v58;
	v58 =	vsel vm10, $0xFF800000, v14;
	vm10 =	veq.s32 v7, $0x7  }
0x125: {  	[tilespmem:$0x1FD20] =	vst v1;
	v30 =	vmax.f32 v30, v46;
	v1 =	vsel vm6, $0xFFFFFFFF, v60;
	v60 =	vsel vm6, $0xFF800000, v49  }
0x126: {  	vm6 =	veq.f32 v53, v54;
	[tilespmem:$0x1FF80] =	vst v1;
	v30 =	vmax.f32 v30, v58;
	v1 =	vsel vm10, $0xFFFFFFFF, v21  }
0x127: {  	v21 =	vsel vm10, $0xFF800000, v47;
	v53 =	vsel vm6, $0x2, v0;
	v7 =	vmax.f32 v30, v60  }
0x128: {  	[tilespmem:$0x1FFE0] =	vst v1;
	v30 =	vsel vm0, $0x0, v41;
	v1 =	vsel vm0, $0x0, v13;
	v7 =	vmax.f32 v7, v21  }
0x129: {  	vm0 =	veq.f32 v38, v42;
	vm3 =	veq.f32 v21, v7;
	v21 =	vmul.f32 v44, v42;
	v44 =	vld [tilespmem:$0x1FCC0]  }
0x12a: {  	v38 =	vadd.f32 v7, v11;
	vm10 =	veq.f32 v60, v7;
	v0 =	vsel vm3, $0x7, v36  }
0x12b: {  	v63 =	vnsel vm5, $0x0, v57;
	v3 =	vsel vm0, $0x1, v3;
	v60 =	vsel vm10, $0x6, v0  }
0x12c: {  	(erf) = vrcp.f32 v38;
	v0 =	vmul.f32 v55, v48;
	vm10 =	veq.f32 v58, v7  }
0x12d: {  	v48 =	vmul.f32 v55, v54;
	v55 =	vimm.s32 $0x0;
	v36 =	vsel vm10, $0x5, v60  }
0x12e: {  	vm10 =	veq.f32 v46, v7;
	v46 =	vsel vm7, $0x0, v13;
	vm3 =	vne.f32 v44, v42  }
0x12f: {  	v36 =	vsel vm10, $0x4, v36;
	vm10 =	veq.f32 v15, v7;
	v3 =	vnsel vm3, $0x0, v3  }
0x130: {  	vm0 =	vmand vm3, vm0;
	v42 =	vsel vm3, $0x0, v21;
	v44 =	vsel vm3, $0x0, v13  }
0x131: {  	v58 =	vld [tilespmem:$0x1FCD0];
	vm3 =	veq.f32 v52, v54;
	v52 =	vsel vm7, $0x0, v0;
	vm7 =	veq.f32 v45, v7  }
0x132: {  	v45 =	vsel vm4, $0x0, v13;
	v54 =	vadd.f32 v62, v61;
	v61 =	vimm.s32 $0x0  }
0x133: {  	v60 =	vsel vm3, $0x1, v53;
	vm6 =	vmand vm4, vm3;
	v53 =	vsel vm4, $0x0, v48  }
0x134: {  	v36 =	vsel vm7, $0x3, v36;
	vm7 =	veq.s32 v59, $0x5;
	v2 =	vsel vm5, $0xFFFFFFFF, v61  }
0x135: {  	v30 =	vadd.f32 v42, v30;
	vm3 =	vne.f32 v8, v7;
	v61 =	vnsel vm12, $0x0, v41  }
0x136: {  	v50 =	vnsel vm4, $0x0, v60;
	v38 =	vsel vm6, $0xFFFFFFFF, v55;
	vm4 =	vnez.u8 v58  }
0x137: {  	v62 =	vld [tilespmem:$0x1FDA0];
	v60 =	vnsel vm1, $0x0, v57;
	v15 =	vsel vm10, $0x2, v36;
	v36 =	vadd.f32 v26, v12  }
0x138: {  	v58 =	vimm.s32 $0x0;
	v55 =	vimm.s32 $0x0;
	v1 =	vadd.f32 v54, v1  }
0x139: {  	v54 =	vsel vm2, $0x0, v13;
	v10 =	vnsel vm4, $0x0, v56;
	v12 =	vsel vm7, $0xFFFFFFFF, v58  }
0x13a: {  	v10 =	vadd.f32 v60, v10;
	v60 =	vnsel vm7, $0x0, v57;
	vm7 =	veq.s32 v59, $0x7  }
0x13b: {  	v1 =	vadd.f32 v44, v1;
	v59 =	vnsel vm11, $0x0, v41;
	v44 =	vsel vm3, $0x0, v13  }
0x13c: {  	v13 =	vimm.s32 $0x0;
	v26 =	vadd.f32 v60, v29;
	vm10 =	vnez.u8 v62  }
0x13d: {  	v28 =	vsel vm7, $0xFFFFFFFF, v55;
	v57 =	vnsel vm7, $0x0, v57;
	vm7 =	vmmov vm11  }
0x13e: {  	[tilespmem:$0x1FE00] =	vst v2;
	v58 =	vld [tilespmem:$0x1FCE0];
	v60 =	vnsel vm0, $0x0, v21;
	vm11 =	vmmov vm12;
	v62 =	vimm.s32 $0x0  }
0x13f: {  	[tilespmem:$0x1FD50] =	vst v12;
	v12 =	vpop (erf);
	v2 =	vnsel vm10, $0x0, v56;
	v56 =	vnsel vm14, $0x0, v56;
	vm10 =	veq.s32 v3, $0x2  }
0x140: {  	[tilespmem:$0x1FD30] =	vst v38;
	vm14 =	veq.s32 v3, $0x3;
	v1 =	vadd.f32 v1, v46;
	v38 =	vmul.f32 v12, v11  }
0x141: {  	[tilespmem:$0x1FEF0] =	vst v28;
	v11 =	vadd.f32 v63, v2;
	v28 =	vadd.f32 v57, v56;
	v12 =	vmul.f32 v12, v7  }
0x142: {  	v63 =	vnsel vm10, $0x0, v21;
	v56 =	vimm.s32 $0x0;
	v57 =	vnsel vm14, $0x0, v21  }
0x143: {  	v55 =	vld [tilespmem:$0x1FD80];
	[tilespmem:$0x340] =	vst v26;
	v26 =	vsel vm1, $0x3F800000, v33;
	v2 =	vadd.f32 $0.0e+00, v58;
	v42 =	vsel vm14, $0xFFFFFFFF, v56  }
0x144: {  	v56 =	vimm.s32 $0x0;
	v1 =	vadd.f32 v45, v1;
	v29 =	vsel vm2, $0x0, v38;
	[tilespmem:$0x1FDB0] =	vst v42  }
0x145: {  	vm2 =	veq.f32 v9, v7;
	v42 =	vsel vm3, $0x0, v12;
	v7 =	vadd.f32 v63, v61;
	[tilespmem:$0x380] =	vst v11  }
0x146: {  	v11 =	vsel vm4, $0x3F800000, v33;
	[tilespmem:$0x3C0] =	vst v28;
	v28 =	vsel vm7, $0x3F800000, v33;
	vm7 =	veq.s32 v50, $0x4  }
0x147: {  	[tilespmem:$0x200] =	vst v6;
	v2 =	vadd.f32 v27, v2;
	v27 =	vadd.f32 v60, v59;
	v9 =	vsel vm2, $0x1, v15  }
0x148: {  	[tilespmem:$0x280] =	vst v32;
	vm12 =	vnez.u8 v55;
	vm14 =	vmand vm3, vm2;
	v59 =	vimm.s32 $0x0  }
0x149: {  	[tilespmem:$0x210] =	vst v30;
	v60 =	vimm.s32 $0x0;
	v30 =	vadd.f32 v42, v29;
	v1 =	vadd.f32 v1, v54  }
0x14a: {  	[tilespmem:$0x2C0] =	vst v5;
	v58 =	vld [tilespmem:$0x1FDE0];
	v42 =	vnsel vm9, $0x0, v38;
	v8 =	vnsel vm3, $0x0, v9;
	v9 =	vsel vm10, $0xFFFFFFFF, v62  }
0x14b: {  	[tilespmem:$0x300] =	vst v4;
	v15 =	vnsel vm12, $0x0, v41;
	vm10 =	veq.s32 v3, $0x4;
	vm12 =	veq.s32 v3, $0x5  }
0x14c: {  	v32 =	vld [tilespmem:$0x1FEC0];
	[tilespmem:$0x240] =	vst v10;
	v6 =	vadd.f32 v57, v15;
	v10 =	vsel vm10, $0xFFFFFFFF, v59;
	v61 =	vnsel vm10, $0x0, v21  }
0x14d: {  	v63 =	vnsel vm12, $0x0, v21;
	v15 =	vimm.s32 $0x0;
	[tilespmem:$0x250] =	vst v27;
	v27 =	vsel vm0, $0x3F800000, v33  }
0x14e: {  	v62 =	vld [tilespmem:$0x1FE40];
	[tilespmem:$0x290] =	vst v7;
	vm1 =	veq.s32 v8, $0x2;
	vm0 =	veq.s32 v8, $0x6;
	v2 =	vadd.f32 v25, v2  }
0x14f: {  	v1 =	vadd.f32 v44, v1;
	vm5 =	vnez.u8 v58;
	[tilespmem:$0x1FE10] =	vst v10;
	v10 =	vsel vm12, $0xFFFFFFFF, v60  }
0x150: {  	[tilespmem:$0x1FD60] =	vst v9;
	vm12 =	veq.s32 v3, $0x6;
	v60 =	vnsel vm13, $0x0, v0;
	v9 =	vnsel vm5, $0x0, v41  }
0x151: {  	[tilespmem:$0x230] =	vst v30;
	v58 =	vld [tilespmem:$0x1FF40];
	vm5 =	vnez.u8 v32;
	v55 =	vnsel vm12, $0x0, v21;
	v2 =	vadd.f32 v43, v2  }
0x152: {  	[tilespmem:$0x1FE80] =	vst v10;
	v4 =	vadd.f32 v61, v9;
	v9 =	vsel vm12, $0xFFFFFFFF, v15;
	v61 =	vnsel vm6, $0x0, v48  }
0x153: {  	vm10 =	vnez.u8 v62;
	[tilespmem:$0x1FF00] =	vst v9;
	v9 =	vnsel vm5, $0x0, v41;
	v15 =	vadd.f32 v61, v60  }
0x154: {  	[tilespmem:$0x2D0] =	vst v6;
	v32 =	vld [tilespmem:$0x1FD00];
	vm5 =	veq.s32 v50, $0x2;
	v61 =	vimm.s32 $0x0;
	v10 =	vnsel vm10, $0x0, v41  }
0x155: {  	[tilespmem:$0x400] =	vst v1;
	vm10 =	veq.s32 v3, $0x7;
	v57 =	vadd.f32 v55, v9;
	v55 =	vimm.s32 $0x0  }
0x156: {  	v62 =	vld [tilespmem:$0x1FCF0];
	[tilespmem:$0x480] =	vst v2;
	v5 =	vadd.f32 v63, v10;
	v3 =	vsel vm10, $0xFFFFFFFF, v56;
	vm12 =	vnez.u8 v58  }
0x157: {  	[tilespmem:$0x310] =	vst v4;
	v59 =	vnsel vm10, $0x0, v21;
	v10 =	vadd.f32 v53, v52;
	v63 =	vnsel vm5, $0x0, v48  }
0x158: {  	v53 =	vld [tilespmem:$0x1FE30];
	vm10 =	veq.s32 v50, $0x5;
	v56 =	vimm.s32 $0x0;
	[tilespmem:$0x260] =	vst v15;
	v9 =	vnsel vm12, $0x0, v41  }
0x159: {  	v58 =	vld [tilespmem:$0x1FEB0];
	vm12 =	veq.s32 v50, $0x3;
	vm6 =	vnez.u8 v32;
	[tilespmem:$0x390] =	vst v57;
	v57 =	vnsel vm7, $0x0, v48  }
0x15a: {  	[tilespmem:$0x1FF70] =	vst v3;
	v32 =	vnsel vm8, $0x0, v38;
	v9 =	vadd.f32 v59, v9;
	v41 =	vnsel vm6, $0x0, v0  }
0x15b: {  	v45 =	vnsel vm12, $0x0, v48;
	[tilespmem:$0x350] =	vst v5;
	v59 =	vnsel vm10, $0x0, v48;
	vm2 =	vnez.u8 v62  }
0x15c: {  	[tilespmem:$0x220] =	vst v10;
	v52 =	vadd.f32 v45, v41;
	v41 =	vnsel vm14, $0x0, v12;
	v7 =	vnsel vm2, $0x0, v0  }
0x15d: {  	v45 =	vnsel vm1, $0x0, v12;
	[tilespmem:$0x3D0] =	vst v9;
	v46 =	vadd.f32 v63, v7;
	vm4 =	vnez.u8 v53  }
0x15e: {  	v62 =	vld [tilespmem:$0x1FF20];
	v7 =	vsel vm7, $0xFFFFFFFF, v55;
	vm7 =	vnez.u8 v58;
	[tilespmem:$0x2E0] =	vst v52;
	v53 =	vnsel vm15, $0x0, v38  }
0x15f: {  	v15 =	vld [tilespmem:$0x1FFA0];
	vm15 =	veq.s32 v8, $0x5;
	v5 =	vnsel vm4, $0x0, v0;
	[tilespmem:$0x1FE50] =	vst v7;
	v7 =	vsel vm10, $0xFFFFFFFF, v56  }
0x160: {  	vm10 =	veq.s32 v50, $0x6;
	v56 =	vadd.f32 v26, v11;
	[tilespmem:$0x1FED0] =	vst v7;
	v7 =	vnsel vm7, $0x0, v0  }
0x161: {  	vm7 =	veq.s32 v50, $0x7;
	[tilespmem:$0x2A0] =	vst v46;
	v60 =	vadd.f32 v59, v7;
	v7 =	vsel vm10, $0xFFFFFFFF, v61  }
0x162: {  	v3 =	vadd.f32 v57, v5;
	v63 =	vnsel vm10, $0x0, v48;
	v10 =	vsel vm7, $0xFFFFFFFF, v13;
	[tilespmem:$0x1FF50] =	vst v7  }
0x163: {  	v58 =	vld [tilespmem:$0x1FD20];
	v46 =	vadd.f32 v45, v42;
	v57 =	vimm.s32 $0x0;
	vm4 =	vnez.u8 v62;
	[tilespmem:$0x1FFC0] =	vst v10  }
0x164: {  	vm10 =	vnez.u8 v15;
	v21 =	vnsel vm7, $0x0, v48;
	vm7 =	veq.s32 v8, $0x4;
	[tilespmem:$0x320] =	vst v3  }
0x165: {  	v48 =	vld [tilespmem:$0x1FD10];
	v59 =	vnsel vm15, $0x0, v12;
	v7 =	vnsel vm4, $0x0, v0;
	v3 =	vadd.f32 v41, v32;
	[tilespmem:$0x2B0] =	vst v46  }
0x166: {  	v61 =	vld [tilespmem:$0x1FF80];
	v62 =	vnsel vm0, $0x0, v12;
	v0 =	vnsel vm10, $0x0, v0;
	v7 =	vadd.f32 v63, v7;
	[tilespmem:$0x360] =	vst v60  }
0x167: {  	v13 =	vld [tilespmem:$0x1FFE0];
	vm4 =	veq.s32 v8, $0x3;
	v54 =	vnsel vm7, $0x0, v12;
	v0 =	vadd.f32 v21, v0;
	[tilespmem:$0x270] =	vst v3  }
0x168: {  	v50 =	vnsel vm4, $0x0, v12;
	vm10 =	vnez.u8 v58;
	v60 =	vimm.s32 $0x0;
	[tilespmem:$0x3A0] =	vst v7  }
0x169: {  	v55 =	vadd.f32 v54, v53;
	v3 =	vnsel vm10, $0x0, v38;
	v9 =	vsel vm0, $0xFFFFFFFF, v60;
	[tilespmem:$0x3E0] =	vst v0  }
0x16a: {  	vm0 =	veq.s32 v8, $0x7;
	v7 =	vsel vm15, $0xFFFFFFFF, v57;
	[tilespmem:$0x1FFB0] =	vst v9;
	vm3 =	vnez.u8 v48  }
0x16b: {  	v29 =	vld [tilespmem:$0x1FD30];
	v63 =	vadd.f32 v59, v3;
	[tilespmem:$0x330] =	vst v55;
	vm15 =	vnez.u8 v61;
	v6 =	vnsel vm3, $0x0, v38  }
0x16c: {  	v30 =	vld [tilespmem:$0x1FD40];
	[tilespmem:$0x1FF30] =	vst v7;
	v5 =	vnsel vm15, $0x0, v38;
	vm15 =	vnez.u8 v13;
	v52 =	vadd.f32 v50, v6  }
0x16d: {  	v43 =	vld [tilespmem:$0x1FD70];
	v15 =	vnsel vm0, $0x0, v12;
	[tilespmem:$0x370] =	vst v63;
	v9 =	vadd.f32 v62, v5;
	v5 =	vnsel vm15, $0x0, v38  }
0x16e: {  	v41 =	vld [tilespmem:$0x1FD60];
	v6 =	vadd.f32 v56, v28;
	v26 =	vadd.f32 v15, v5;
	[tilespmem:$0x2F0] =	vst v52  }
0x16f: {  	[tilespmem:$0x3B0] =	vst v9  }
0x170: {  	v11 =	vadd.f32 v27, v6;
	[tilespmem:$0x3F0] =	vst v26  }
0x171: {  	v21 =	vsel vm13, $0x3F800000, v33;
	vm13 =	vnez.u8 v29;
	v0 =	vadd.f32 $0.0e+00, v30;
	[hbm4b:s3+s2] =	stream.linear.scatter [tilespmem:s22], [sflag:$0x1], $0x40, $0x38;
	[tilespmem:$0x500] =	vst v63  }
0x172: {  	v32 =	vld [tilespmem:$0x1FD50];
	v4 =	vsel vm13, $0x3F800000, v33;
	v27 =	vsel vm11, $0x3F800000, v33;
	v28 =	vadd.f32 v11, v21;
	_ =	swait.ge [sflag:s14], $0x40  }
0x173: {  	vm13 =	vnez.u8 v41;
	v0 =	vadd.f32 v43, v0;
	v5 =	vadd.f32 v36, v27;
	v52 =	vld [tilespmem:$0x1FD90]  }
0x174: {  	v3 =	vsel vm13, $0x3F800000, v33;
	v38 =	vadd.f32 v4, v28  }
0x175: {  	v42 =	vsel vm8, $0x3F800000, v33;
	v0 =	vadd.f32 v24, v0;
	v3 =	vadd.f32 v3, v5;
	v56 =	vld [tilespmem:$0x1FDC0]  }
0x176: {  	v44 =	vsel vm2, $0x3F800000, v33;
	v48 =	vld [tilespmem:$0x1FD80];
	v1 =	vadd.f32 v38, v42  }
0x177: {  	v45 =	vsel vm14, $0x3F800000, v33;
	v0 =	vadd.f32 v40, v0;
	[sflag:s14] =	ssyncset.done $0x0;
	v2 =	vadd.f32 v3, v44  }
0x178: {  	v50 =	vsel vm5, $0x3F800000, v33;
	v54 =	vld [tilespmem:$0x1FDB0];
	[sflag:s14] =	ssyncadd.s32 $0xFFFFFFC0;
	v1 =	vadd.f32 v45, v1;
	v4 =	vadd.f32 $0.0e+00, v52  }
0x179: {  	[tilespmem:$0x490] =	vst v0;
	v2 =	vadd.f32 v50, v2  }
0x17a: {  	v55 =	vsel vm9, $0x3F800000, v33;
	[tilespmem:$0x410] =	vst v1;
	v4 =	vadd.f32 v56, v4  }
0x17b: {  	v46 =	vadd.f32 v39, v37;
	v53 =	vld [tilespmem:$0x1FDA0];
	vm14 =	vnez.u8 v48;
	v2 =	vadd.f32 v2, v55;
	[hbm4b:s4+s2] =	stream.linear.scatter [tilespmem:s23], [sflag:$0x1], $0x40, $0x38  }
0x17c: {  	v58 =	vsel vm1, $0x3F800000, v33;
	v59 =	vld [tilespmem:$0x1FDD0];
	v7 =	vsel vm14, $0x3F800000, v33;
	_ =	swait.ge [sflag:s14], $0x40;
	v4 =	vadd.f32 v23, v4  }
0x17d: {  	vm8 =	vnez.u8 v54;
	v5 =	vadd.f32 v46, v7;
	v61 =	vadd.f32 v58, v2;
	[sflag:s14] =	ssyncset.done $0x0;
	v12 =	vld [tilespmem:$0x1FDF0]  }
0x17e: {  	v1 =	vsel vm8, $0x3F800000, v33;
	v60 =	vld [tilespmem:$0x1FDE0];
	[sflag:s14] =	ssyncadd.s32 $0xFFFFFFC0;
	v63 =	vadd.f32 v35, v4  }
0x17f: {  	v1 =	vadd.f32 v1, v5;
	v23 =	vld [tilespmem:$0x1FE20];
	[tilespmem:$0x420] =	vst v61  }
0x180: {  	v57 =	vsel vm6, $0x3F800000, v33;
	v15 =	vld [tilespmem:$0x1FE10];
	[tilespmem:$0x4A0] =	vst v63  }
0x181: {  	vm11 =	vnez.u8 v32;
	v13 =	vld [tilespmem:$0x1FE00];
	v0 =	vadd.f32 v1, v57;
	[hbm4b:s5+s2] =	stream.linear.scatter [tilespmem:s24], [sflag:$0x1], $0x40, $0x38  }
0x182: {  	v62 =	vsel vm12, $0x3F800000, v33;
	v6 =	vsel vm11, $0x3F800000, v33;
	v24 =	vld [tilespmem:$0x1FE30];
	v4 =	vadd.f32 $0.0e+00, v12;
	_ =	swait.ge [sflag:s14], $0x40  }
0x183: {  	v5 =	vadd.f32 v34, v59;
	v0 =	vadd.f32 v62, v0;
	vm11 =	vnez.u8 v60;
	v27 =	vld [tilespmem:$0x1FE40]  }
0x184: {  	v21 =	vsel vm3, $0x3F800000, v33;
	v7 =	vsel vm11, $0x3F800000, v33;
	v4 =	vadd.f32 v23, v4;
	v28 =	vld [tilespmem:$0x1FE50]  }
0x185: {  	vm13 =	vnez.u8 v15;
	v0 =	vadd.f32 v0, v21;
	v5 =	vadd.f32 v5, v7;
	v29 =	vld [tilespmem:$0x1FE60]  }
0x186: {  	v25 =	vsel vm4, $0x3F800000, v33;
	v1 =	vsel vm13, $0x3F800000, v33;
	v32 =	vld [tilespmem:$0x1FE90];
	v4 =	vadd.f32 v22, v4  }
0x187: {  	vm14 =	vnez.u8 v24;
	[sflag:s14] =	ssyncset.done $0x0;
	v34 =	vld [tilespmem:$0x1FEA0];
	v0 =	vadd.f32 v25, v0;
	v1 =	vadd.f32 v1, v5  }
0x188: {  	vm5 =	vnez.u8 v53;
	v3 =	vsel vm14, $0x3F800000, v33;
	[sflag:s14] =	ssyncadd.s32 $0xFFFFFFC0;
	v4 =	vadd.f32 v31, v4  }
0x189: {  	v8 =	vsel vm5, $0x3F800000, v33;
	[tilespmem:$0x430] =	vst v0;
	v1 =	vadd.f32 v1, v3;
	v31 =	vld [tilespmem:$0x1FE80];
	vm5 =	vnez.u8 v28  }
0x18a: {  	v3 =	vadd.f32 $0.0e+00, v29;
	v2 =	vsel vm5, $0x3F800000, v33;
	[tilespmem:$0x4B0] =	vst v4  }
0x18b: {  	v26 =	vadd.f32 v6, v51;
	v35 =	vld [tilespmem:$0x1FEB0];
	vm9 =	vnez.u8 v32;
	v1 =	vadd.f32 v2, v1;
	[hbm4b:s6+s2] =	stream.linear.scatter [tilespmem:s25], [sflag:$0x1], $0x40, $0x38  }
0x18c: {  	v30 =	vld [tilespmem:$0x1FE70];
	vm4 =	vnez.u8 v27;
	v2 =	vsel vm9, $0x3F800000, v33;
	v3 =	vadd.f32 v34, v3;
	_ =	swait.ge [sflag:s14], $0x40  }
0x18d: {  	v36 =	vsel vm7, $0x3F800000, v33;
	v6 =	vsel vm4, $0x3F800000, v33;
	v1 =	vadd.f32 v1, v2;
	v39 =	vld [tilespmem:$0x1FED0]  }
0x18e: {  	v5 =	vadd.f32 v26, v6;
	vm8 =	vnez.u8 v31;
	v3 =	vadd.f32 v20, v3;
	v40 =	vld [tilespmem:$0x1FEE0]  }
0x18f: {  	v38 =	vld [tilespmem:$0x1FEC0];
	[sflag:s14] =	ssyncset.done $0x0;
	v0 =	vsel vm8, $0x3F800000, v33;
	v1 =	vadd.f32 v36, v1  }
0x190: {  	vm11 =	vnez.u8 v35;
	v44 =	vld [tilespmem:$0x1FF10];
	[sflag:s14] =	ssyncadd.s32 $0xFFFFFFC0;
	v0 =	vadd.f32 v0, v5;
	v3 =	vadd.f32 v18, v3  }
0x191: {  	v4 =	vsel vm11, $0x3F800000, v33;
	v46 =	vld [tilespmem:$0x1FF30];
	[tilespmem:$0x440] =	vst v1  }
0x192: {  	v43 =	vsel vm10, $0x3F800000, v33;
	v41 =	vld [tilespmem:$0x1FEF0];
	v0 =	vadd.f32 v0, v4;
	[tilespmem:$0x4C0] =	vst v3;
	vm13 =	vnez.u8 v39  }
0x193: {  	vm12 =	vnez.u8 v13;
	v42 =	vld [tilespmem:$0x1FF00];
	v4 =	vadd.f32 $0.0e+00, v40;
	[hbm4b:s7+s2] =	stream.linear.scatter [tilespmem:s26], [sflag:$0x1], $0x40, $0x38;
	v2 =	vsel vm13, $0x3F800000, v33  }
0x194: {  	v9 =	vsel vm12, $0x3F800000, v33;
	vm6 =	vnez.u8 v30;
	v45 =	vld [tilespmem:$0x1FF20];
	_ =	swait.ge [sflag:s14], $0x40;
	v0 =	vadd.f32 v2, v0  }
0x195: {  	v37 =	vadd.f32 v9, v8;
	v7 =	vsel vm6, $0x3F800000, v33;
	v4 =	vadd.f32 v44, v4;
	v50 =	vld [tilespmem:$0x1FF40]  }
0x196: {  	vm12 =	vnez.u8 v38;
	vm6 =	vnez.u8 v46;
	v51 =	vld [tilespmem:$0x1FF50];
	v0 =	vadd.f32 v0, v43  }
0x197: {  	v6 =	vsel vm12, $0x3F800000, v33;
	v2 =	vsel vm6, $0x3F800000, v33;
	v52 =	vld [tilespmem:$0x1FF60];
	v4 =	vadd.f32 v19, v4  }
0x198: {  	vm4 =	vnez.u8 v42;
	v5 =	vadd.f32 v37, v6;
	[sflag:s14] =	ssyncset.done $0x0;
	v53 =	vld [tilespmem:$0x1FF70];
	v0 =	vadd.f32 v2, v0  }
0x199: {  	v1 =	vsel vm4, $0x3F800000, v33;
	v54 =	vld [tilespmem:$0x1FF80];
	[sflag:s14] =	ssyncadd.s32 $0xFFFFFFC0;
	v4 =	vadd.f32 v14, v4  }
0x19a: {  	vm14 =	vnez.u8 v41;
	vm5 =	vnez.u8 v45;
	v56 =	vld [tilespmem:$0x1FFA0];
	v1 =	vadd.f32 v1, v5;
	[tilespmem:$0x450] =	vst v0  }
0x19b: {  	v8 =	vsel vm14, $0x3F800000, v33;
	v3 =	vsel vm5, $0x3F800000, v33;
	v55 =	vld [tilespmem:$0x1FF90];
	[tilespmem:$0x4D0] =	vst v4  }
0x19c: {  	v48 =	vadd.f32 v8, v7;
	v57 =	vld [tilespmem:$0x1FFB0];
	v1 =	vadd.f32 v1, v3;
	vm7 =	vnez.u8 v50;
	[hbm4b:s8+s2] =	stream.linear.scatter [tilespmem:s28], [sflag:$0x1], $0x40, $0x38  }
0x19d: {  	vm8 =	vnez.u8 v51;
	v3 =	vadd.f32 $0.0e+00, v52;
	vm9 =	vnez.u8 v53;
	_ =	swait.ge [sflag:s14], $0x40  }
0x19e: {  	vm10 =	vnez.u8 v54;
	v6 =	vsel vm7, $0x3F800000, v33;
	v2 =	vsel vm8, $0x3F800000, v33;
	v58 =	vld [tilespmem:$0x1FFC0]  }
0x19f: {  	vm11 =	vnez.u8 v56;
	v5 =	vadd.f32 v48, v6;
	v1 =	vadd.f32 v2, v1;
	v59 =	vld [tilespmem:$0x1FFD0]  }
0x1a0: {  	v0 =	vsel vm9, $0x3F800000, v33;
	v2 =	vsel vm10, $0x3F800000, v33;
	v3 =	vadd.f32 v55, v3;
	v60 =	vld [tilespmem:$0x1FFE0]  }
0x1a1: {  	vm12 =	vnez.u8 v57;
	v0 =	vadd.f32 v0, v5;
	v1 =	vadd.f32 v1, v2;
	v61 =	vld [tilespmem:$0x1FFF0]  }
0x1a2: {  	v4 =	vsel vm12, $0x3F800000, v33;
	v2 =	vsel vm11, $0x3F800000, v33;
	v3 =	vadd.f32 v17, v3  }
0x1a3: {  	[sflag:s14] =	ssyncset.done $0x0;
	v0 =	vadd.f32 v0, v2;
	v1 =	vadd.f32 v4, v1;
	vm13 =	vnez.u8 v58  }
0x1a4: {  	[sflag:s14] =	ssyncadd.s32 $0xFFFFFFC0;
	v3 =	vadd.f32 v49, v3;
	v4 =	vadd.f32 $0.0e+00, v59;
	v2 =	vsel vm13, $0x3F800000, v33  }
0x1a5: {  	[tilespmem:$0x460] =	vst v1;
	vm14 =	vnez.u8 v60;
	v0 =	vadd.f32 v2, v0  }
0x1a6: {  	[tilespmem:$0x4E0] =	vst v3;
	v1 =	vsel vm14, $0x3F800000, v33;
	v2 =	vadd.f32 v61, v4  }
0x1a7: {  	vm15 =	vmmov vm0;
	[hbm4b:s9+s2] =	stream.linear.scatter [tilespmem:s29], [sflag:$0x1], $0x40, $0x38;
	v0 =	vadd.f32 v0, v1;
	[tilespmem:$0x500] =	vst v63  }
0x1a8: {  	v62 =	vsel vm15, $0x3F800000, v33;
	_ =	swait.ge [sflag:s14], $0x40;
	v2 =	vadd.f32 v16, v2  }
0x1a9: {  	[sflag:s14] =	ssyncset.done $0x0;
	v0 =	vadd.f32 v62, v0  }
0x1aa: {  	[sflag:s14] =	ssyncadd.s32 $0xFFFFFFC0;
	v63 =	vadd.f32 v47, v2  }
0x1ab: {  	[tilespmem:$0x470] =	vst v0  }
0x1ac: {  	[tilespmem:$0x4F0] =	vst v63  }
0x1ad: {  	[hbm4b:s10+s2] =	stream.linear.scatter [tilespmem:s30], [sflag:$0x1], $0x40, $0x38;
	[tilespmem:$0x500] =	vst v63  }
0x1ae: {  	_ =	swait.ge [sflag:s14], $0x40  }
0x1af: {  	[sflag:s14] =	ssyncset.done $0x0  }
0x1b0: {  	[sflag:s14] =	ssyncadd.s32 $0xFFFFFFC0  }
0x1b1: {  	[hbm4b:s11+s2] =	stream.linear.scatter [tilespmem:s31], [sflag:$0x1], $0x80, $0x38;
	[tilespmem:$0x500] =	vst v63  }
0x1b2: {  	_ =	swait.ge [sflag:s14], $0x80  }
0x1b3: {  	p0 =	sne.s32 s13, $0x1;
	[sflag:s14] =	ssyncset.done $0x0  }
.Ltmp0:
0x1b4: {  	[sflag:s14] =	ssyncadd.s32 $0xFFFFFF80;
	(pc) =	sbr.rel @p0 .LBB2_1-.Ltmp0, $4  }
0x1b5: {  	[hbm4b:s12+s2] =	stream.linear.scatter [tilespmem:s1], [sflag:$0x1], $0x80, $0x38;
	[tilespmem:$0x500] =	vst v63  }
0x1b6: {  	_ =	swait.ge [sflag:s14], $0x80  }
0x1b7: {  	[sflag:s14] =	ssyncset.done $0x0  }
0x1b8: {  	s13 =	sadd.s32 $0xFFFFFFFF, s13;
	[sflag:s14] =	ssyncadd.s32 $0xFFFFFF80  }
0x1b9: {  	_ =	sfence.sel $0x180000  }
0x1ba: {  	[bflag:$0x0] =	sbarrier.arrive $0xFFFF  }
0x1bb: {  	_ =	strace $0x90000047  }
0x1bc: {  	s0 =	stileid.u32;
	[bflag:$0x2] =	sbarrier.arrive $0xFFFF  }
0x1bd: {  	p0 =	sne.s32 s0, $0x0;
	s0 =	rddreg [dreg:$0x2]  }
0x1be: {  	s0 =	sadd.s32 @!p0 $0x100000, s0  }
0x1bf: {  	[sflag:s0] =	ssyncadd.tile.s32 @!p0 $0x1;
	_ =	shalt  }
.Lfunc_end2:
_tile_overlayer_lowered:
.L_overlay_start_2:
0x1c0: {  	(tag) =	ssettag $0x2  }
0x1c1: {  	s0 =	rddreg [dreg:$0x0];
	s2 =	stileid.u32  }
0x1c2: {  	s1 =	rddreg [dreg:$0x1];
	p0 =	sne.s32 s2, $0x0  }
0x1c3: {  	s3 =	rddreg [dreg:$0x2];
	[bflag:$0x3] =	sbarrier.arrive $0xFFFF;
	s2 =	simm.s32 @!p0 $0x1C01  }
0x1c4: {  	[timem:s3], [sflag:s2] =	dma.local @!p0 [hbm:s0], s1  }
0x1c5: {  	s0 =	simm.s32 @!p0 $0x1  }
0x1c6: {  	_ =	swait.ge @!p0 [sflag:s0], s1  }
0x1c7: {  	s1 =	ssub.s32 @!p0 $0x0, s1;
	[sflag:s0] =	ssyncset.done @!p0 $0x0  }
0x1c8: {  	[sflag:s0] =	ssyncadd.s32 @!p0 s1  }
0x1c9: {  	[bflag:$0x3] =	sbarrier.arrive $0xFFFF  }
0x1ca: {  	_ =	shalt  }

</sc_bundles>
